<compile_context>
chip_gen: v7x
topology: tpu7x:2x2x1
jax: 0.10.2.dev20260603
libtpu: 0.0.44.dev20260713+nightly
codegen_flags: <defaults>
</compile_context>

<pallas_src>
import functools
import math

import jax
import jax.numpy as jnp
from jax import lax
from jax.experimental import pallas as pl
from jax.experimental.pallas import tpu as pltpu
from jax.experimental.pallas import tpu_sc as plsc


def _gelu_exact(x):
    return 0.5 * x * (1.0 + lax.erf(x / math.sqrt(2.0)))


def _swar_popcount(x):
    x = x - (jnp.right_shift(x, 1) & 0x55555555)
    x = (x & 0x33333333) + (jnp.right_shift(x, 2) & 0x33333333)
    x = (x + jnp.right_shift(x, 4)) & 0x0F0F0F0F
    return jnp.right_shift(x * 0x01010101, 24) & 0x3F


def _sc_stage(tables, sigma, meta):
    B, V, N = tables.shape
    info = plsc.get_sparse_core_info()
    NC, NS, L = info.num_cores, info.num_subcores, info.num_lanes
    NW = NC * NS
    RPW = B // NW
    CH = N // L
    mesh = plsc.VectorSubcoreMesh(core_axis_name="c", subcore_axis_name="s")

    @functools.partial(
        pl.kernel,
        mesh=mesh,
        compiler_params=pltpu.CompilerParams(needs_layout_passes=False),
        out_type=jax.ShapeDtypeStruct((B, 64), jnp.float32),
        scratch_types=[
            pltpu.VMEM((V, N), jnp.int32),
            pltpu.VMEM((V, N), jnp.int32),
            pltpu.VMEM((N,), jnp.int32),
            pltpu.VMEM((N,), jnp.int32),
            pltpu.VMEM((RPW * 16,), jnp.int32),
            pltpu.VMEM((32,), jnp.float32),
            pltpu.VMEM((V * 32,), jnp.float32),
            pltpu.VMEM((64,), jnp.float32),
            pltpu.SemaphoreType.DMA,
            pltpu.SemaphoreType.DMA,
        ],
    )
    def sc(tables_hbm, sigma_hbm, meta_hbm, out_hbm,
           row0_v, row1_v, sig0_v, sig1_v, meta_v, hist_v, seen_v, ost_v,
           sem0, sem1):
        wid = lax.axis_index("s") * NC + lax.axis_index("c")
        base_row = wid * RPW
        pltpu.sync_copy(meta_hbm.at[pl.ds(base_row * 16, RPW * 16)], meta_v)
        v_iota = lax.iota(jnp.int32, L)
        ones16f = jnp.ones((L,), jnp.float32)
        zeros16f = jnp.zeros((L,), jnp.float32)

        slots = ((row0_v, sig0_v, sem0), (row1_v, sig1_v, sem1))

        def start_fetch(slot, b):
            row_v, sig_v, sem = slot
            pltpu.async_copy(tables_hbm.at[b], row_v, sem)
            pltpu.async_copy(sigma_hbm.at[b], sig_v, sem)

        def wait_fetch(slot, b):
            row_v, sig_v, sem = slot
            pltpu.make_async_copy(tables_hbm.at[b], row_v, sem).wait()
            pltpu.make_async_copy(sigma_hbm.at[b], sig_v, sem).wait()

        def process_row(row_v, sig_v, r):
            b = base_row + r
            mvec = meta_v[pl.ds(r * 16, 16)]

            def mget(j):
                return jnp.sum(jnp.where(v_iota == j, mvec, 0))

            req = jnp.where(v_iota == 0, mget(0), -1)
            clash = jnp.zeros((L,), jnp.bool_)
            for i in range(4):
                a = mget(1 + i)
                rr = mget(5 + i)
                hit = v_iota == a
                clash = clash | (hit & (req >= 0) & (req != rr))
                req = jnp.where(hit & (req < 0), rr, req)
            n_clash = plsc.all_reduce_population_count(clash)
            zo = jnp.where(n_clash > 0, zeros16f, ones16f)

            req_s = [jnp.zeros((L,), jnp.int32)
                     + jnp.sum(jnp.where(v_iota == v, req, 0))
                     for v in range(V)]
            unc = [rs < 0 for rs in req_s]

            hist_v[pl.ds(0, L)] = zeros16f
            hist_v[pl.ds(L, L)] = zeros16f
            for v in range(V):
                seen_v[pl.ds(v * 32, L)] = zeros16f
                seen_v[pl.ds(v * 32 + L, L)] = zeros16f

            @plsc.parallel_loop(0, CH, unroll=4)
            def chunk_body(n):
                off = n * L
                tvs = [row_v[v, pl.ds(off, L)] for v in range(V)]
                m = unc[0] | (tvs[0] == req_s[0])
                for v in range(1, V):
                    m = m & (unc[v] | (tvs[v] == req_s[v]))
                sv = sig_v[pl.ds(off, L)]
                plsc.addupdate_scatter(hist_v, [sv], ones16f, mask=m)
                for v in range(V):
                    plsc.store_scatter(seen_v, [tvs[v] + (v * 32)],
                                       ones16f, mask=m)

            ost_v[pl.ds(0, L)] = hist_v[pl.ds(0, L)] * zo
            ost_v[pl.ds(L, L)] = hist_v[pl.ds(L, L)] * zo
            seg2 = jnp.zeros((L,), jnp.float32)
            for v in range(V):
                sm = jnp.sum(seen_v[pl.ds(v * 32, L)]
                             + seen_v[pl.ds(v * 32 + L, L)])
                seg2 = seg2 + jnp.where(v_iota == v, sm, 0.0)
            ost_v[pl.ds(2 * L, L)] = seg2 * zo
            ost_v[pl.ds(3 * L, L)] = zeros16f
            pltpu.sync_copy(ost_v, out_hbm.at[b])

        start_fetch(slots[0], base_row)

        def pair_body(p, carry):
            r0 = 2 * p
            b0 = base_row + r0
            start_fetch(slots[1], b0 + 1)
            wait_fetch(slots[0], b0)
            process_row(row0_v, sig0_v, r0)

            @pl.when(p < RPW // 2 - 1)
            def _():
                start_fetch(slots[0], b0 + 2)

            wait_fetch(slots[1], b0 + 1)
            process_row(row1_v, sig1_v, r0 + 1)
            return carry

        lax.fori_loop(0, RPW // 2, pair_body, 0)

    return sc(tables, sigma, meta)


def _mlp_body(ft_ref, wz1_ref, bz1_ref, wz2_ref, bz2_ref,
              wy1_ref, by1_ref, wy2_ref, by2_ref, out_ref):
    ft = ft_ref[...]
    BB = ft.shape[0]
    V = 8
    hist = ft[:, :32]
    uniq = ft[:, 32:32 + V]
    cnt = jnp.sum(hist, axis=1, keepdims=True)

    zden = jnp.maximum(cnt, 1.0)
    p_sig = hist / zden
    mass = jnp.where(cnt > 0, 1.0 / zden, 0.0)

    c_iota = lax.broadcasted_iota(jnp.int32, (BB, 32), 1)
    pc = jnp.maximum(p_sig, 1e-9)
    ent = -jnp.sum(pc * jnp.log(pc), axis=1, keepdims=True)

    mx = jnp.max(p_sig, axis=1, keepdims=True)
    idx1 = jnp.min(jnp.where(p_sig >= mx, c_iota, 32), axis=1, keepdims=True)
    second = jnp.max(jnp.where(c_iota == idx1, -jnp.inf, p_sig),
                     axis=1, keepdims=True)

    feat = jnp.concatenate([p_sig, uniq, ent, mx, second, mass], axis=1)
    h1 = _gelu_exact(
        jnp.dot(feat, wz1_ref[...], preferred_element_type=jnp.float32)
        + bz1_ref[...])
    zl = jnp.dot(h1, wz2_ref[...], preferred_element_type=jnp.float32) + bz2_ref[...]

    v8 = lax.broadcasted_iota(jnp.int32, (BB, V), 1)
    s = jnp.exp(zl - jnp.max(zl, axis=1, keepdims=True))
    zs = s / jnp.sum(s, axis=1, keepdims=True)
    mz = jnp.max(zs, axis=1, keepdims=True)
    iz = jnp.min(jnp.where(zs >= mz, v8, V), axis=1, keepdims=True)
    zoh = (v8 == iz).astype(jnp.float32)

    feat2 = jnp.concatenate([p_sig, zoh], axis=1)
    h2 = _gelu_exact(
        jnp.dot(feat2, wy1_ref[...], preferred_element_type=jnp.float32)
        + by1_ref[...])
    out_ref[...] = (
        jnp.dot(h2, wy2_ref[...], preferred_element_type=jnp.float32)
        + by2_ref[...])


def kernel(tables, sigma, base_obs, actions, responses, t,
           W_z1, b_z1, W_z2, b_z2, W_y1, b_y1, W_y2, b_y2):
    B, V, N = tables.shape
    T = actions.shape[1]
    C = W_y2.shape[1]

    act_eff = jnp.where(jnp.arange(T)[None, :] < t,
                        jnp.clip(actions, 0, V - 1), V)
    meta = jnp.concatenate(
        [base_obs.reshape(B, 1), act_eff, responses,
         jnp.zeros((B, 16 - 1 - 2 * T), jnp.int32)], axis=1)

    feats = _sc_stage(tables, sigma, meta.reshape(B * 16))

    full = lambda shape: pl.BlockSpec(shape, lambda *_: (0,) * len(shape))
    out = pl.pallas_call(
        _mlp_body,
        in_specs=[
            full((B, 64)),
            full(W_z1.shape),
            full((1, b_z1.shape[0])),
            full(W_z2.shape),
            full((1, b_z2.shape[0])),
            full(W_y1.shape),
            full((1, b_y1.shape[0])),
            full(W_y2.shape),
            full((1, b_y2.shape[0])),
        ],
        out_specs=full((B, C)),
        out_shape=jax.ShapeDtypeStruct((B, C), jnp.float32),
    )(feats,
      W_z1, b_z1.reshape(1, -1), W_z2, b_z2.reshape(1, -1),
      W_y1, b_y1.reshape(1, -1), W_y2, b_y2.reshape(1, -1))
    return out

# --- scband reference (transcript-rebuilt; emitter-appended) ---
"""Pipeline reference for scband-v18-algebra-multistep-model-a-action-z-61340722921655 (READ-ONLY COPY).

The authoritative reference and input builder live on the scoring server;
editing this copy changes nothing except your own understanding.
"""

import jax, jax.numpy as jnp
import numpy as np

B, V, N, C, HID, T = 1024, 8, 4096, 32, 256, 4

def _gelu(x):
    return jax.nn.gelu(x, approximate=False)

def _state_dist(tables, base_obs, actions, responses, t):
    Bn, Vn, Nn = tables.shape
    m = tables[:, 0, :] == base_obs[:, None]
    for i in range(actions.shape[1]):
        a = jnp.clip(actions[:, i], 0, Vn - 1)
        r = responses[:, i]
        lbl = tables[jnp.arange(Bn), a, :]
        m = m & jnp.where(i < t, lbl == r[:, None], True)
    w = m.astype(jnp.float32)
    z = jnp.maximum(w.sum(axis=-1, keepdims=True), 1.0)
    return w / z

def _sigma_dist(sigma, state_dist):
    Bn = state_dist.shape[0]
    p = jnp.zeros((Bn, C), jnp.float32)
    p = p.at[jnp.arange(Bn)[:, None], sigma].add(state_dist)
    return p

def _uniq(tables, cand):
    Bn, Vn, Nn = tables.shape
    candf = jnp.broadcast_to(cand.astype(jnp.float32)[:, None, :], (Bn, Vn, Nn))
    b_idx = jnp.arange(Bn)[:, None, None]
    v_idx = jnp.arange(Vn)[None, :, None]
    cnt = jnp.zeros((Bn, Vn, C), jnp.float32).at[b_idx, v_idx, tables].add(candf)
    return (cnt > 0).sum(axis=-1).astype(jnp.float32)

def _z_logits(tables, sigma, base_obs, actions, responses, t, W_z1, b_z1, W_z2, b_z2):
    sd = _state_dist(tables, base_obs, actions, responses, t)
    p_sig = _sigma_dist(sigma, sd)
    cand = sd > 0.0
    uniq = _uniq(tables, cand)
    pc = jnp.maximum(p_sig, 1e-09)
    ent = -(pc * jnp.log(pc)).sum(axis=-1, keepdims=True)
    top2, _ = jax.lax.top_k(p_sig, 2)
    mass = sd.max(axis=-1, keepdims=True)
    feat = jnp.concatenate([p_sig, uniq, ent, top2[:, 0:1], top2[:, 1:2], mass], axis=-1)
    h = _gelu(feat @ W_z1 + b_z1)
    return h @ W_z2 + b_z2, p_sig

def _z_from_logits(zl):
    z_soft = jax.nn.softmax(zl, axis=-1)
    idx = jnp.argmax(z_soft, axis=-1)
    z_hard = jax.nn.one_hot(idx, zl.shape[-1], dtype=z_soft.dtype)
    return z_hard - jax.lax.stop_gradient(z_soft) + z_soft

def setup_inputs(seed: int = 0):
    key = jax.random.key(seed)
    ks = jax.random.split(key, 9)
    tables = jax.random.randint(ks[0], (B, V, N), 0, C, dtype=jnp.int32)
    sigma = jax.random.randint(ks[1], (B, N), 0, C, dtype=jnp.int32)
    base_obs = jax.random.randint(ks[2], (B,), 0, C, dtype=jnp.int32)
    actions = jax.random.randint(ks[3], (B, T), 0, V, dtype=jnp.int32)
    responses = jax.random.randint(ks[4], (B, T), 0, C, dtype=jnp.int32)
    in_z = C + V + 4
    in_y = C + V
    W_z1 = jax.random.normal(ks[5], (in_z, HID), jnp.float32) * 0.02
    b_z1 = jnp.zeros((HID,), jnp.float32)
    W_z2 = jax.random.normal(ks[6], (HID, V), jnp.float32) * 0.02
    b_z2 = jnp.zeros((V,), jnp.float32)
    W_y1 = jax.random.normal(ks[7], (in_y, HID), jnp.float32) * 0.02
    b_y1 = jnp.zeros((HID,), jnp.float32)
    W_y2 = jax.random.normal(ks[8], (HID, C), jnp.float32) * 0.02
    b_y2 = jnp.zeros((C,), jnp.float32)
    return {"tables": tables, "sigma": sigma, "base_obs": base_obs, "actions": actions, "responses": responses, "t": T, "W_z1": W_z1, "b_z1": b_z1, "W_z2": W_z2, "b_z2": b_z2, "W_y1": W_y1, "b_y1": b_y1, "W_y2": W_y2, "b_y2": b_y2}

def reference(tables, sigma, base_obs, actions, responses, t, W_z1, b_z1, W_z2, b_z2, W_y1, b_y1, W_y2, b_y2):
    zl, p_sig = _z_logits(tables, sigma, base_obs, actions, responses, t, W_z1, b_z1, W_z2, b_z2)
    z = _z_from_logits(zl)
    feat = jnp.concatenate([p_sig, z], axis=-1)
    h = _gelu(feat @ W_y1 + b_y1)
    return h @ W_y2 + b_y2

if __name__ == "__main__":
    import jax
    _d = setup_inputs()
    print(jax.jit(kernel)(*tuple(_d.values())))

</pallas_src>

<mosaic_0001>
#map = affine_map<(d0, d1) -> (0, 0, 0)>
#map1 = affine_map<(d0, d1) -> (0, 0)>
#map2 = affine_map<(d0, d1) -> (0)>
module attributes {stable_mosaic.version = 14 : i64} {
  func.func @sc(%arg0: i32, %arg1: i32, %arg2: memref<1024x8x4096xi32, #tpu.memory_space<hbm>>, %arg3: memref<1024x4096xi32, #tpu.memory_space<hbm>>, %arg4: memref<16384xi32, #tpu.memory_space<hbm>>, %arg5: memref<1024x64xf32, #tpu.memory_space<hbm>>, %arg6: memref<8x4096xi32, #tpu.memory_space<vmem>>, %arg7: memref<8x4096xi32, #tpu.memory_space<vmem>>, %arg8: memref<4096xi32, #tpu.memory_space<vmem>>, %arg9: memref<4096xi32, #tpu.memory_space<vmem>>, %arg10: memref<512xi32, #tpu.memory_space<vmem>>, %arg11: memref<32xf32, #tpu.memory_space<vmem>>, %arg12: memref<256xf32, #tpu.memory_space<vmem>>, %arg13: memref<64xf32, #tpu.memory_space<vmem>>, %arg14: memref<!tpu.dma_semaphore, #tpu.memory_space<semaphore_mem>>, %arg15: memref<!tpu.dma_semaphore, #tpu.memory_space<semaphore_mem>>) attributes {dimension_semantics = [#tpu.dimension_semantics<core_parallel>, #tpu.dimension_semantics<subcore_parallel>], iteration_bounds = array<i64: 2, 16>, scalar_prefetch = 0 : i64, scratch_operands = 10 : i64, tpu.core_type = #tpu.core_type<sc_vector_subcore>, window_params = [{transform_indices = #map}, {transform_indices = #map1}, {transform_indices = #map2}, {transform_indices = #map1}]} {
    %mul3A = arith.constant 2 : i32
    %mul3A_0 = arith.muli %arg1, %mul3A : i32
    %add3A = arith.addi %mul3A_0, %arg0 : i32
    %mul3A_1 = arith.constant 32 : i32
    %mul3A_2 = arith.muli %add3A, %mul3A_1 : i32
    %mul3A_3 = arith.constant 16 : i32
    %mul3A_4 = arith.muli %mul3A_2, %mul3A_3 : i32
    "tpu.region"() ({
      %run_scoped3A = tpu.sem_alloc : memref<!tpu.dma_semaphore, #tpu.memory_space<semaphore_mem>>
      %dma_start3A_26 = tpu.memref_slice %arg4[%mul3A_4] : memref<16384xi32, #tpu.memory_space<hbm>> -> memref<512xi32, #tpu.memory_space<hbm>>
      %dma_start3A_27 = tpu.memref_slice %arg4[%mul3A_4] : memref<16384xi32, #tpu.memory_space<hbm>> -> memref<512xi32, #tpu.memory_space<hbm>>
      tpu.enqueue_dma source(%dma_start3A_27 : memref<512xi32, #tpu.memory_space<hbm>>) target(%arg10 : memref<512xi32, #tpu.memory_space<vmem>>) target_semaphore(%run_scoped3A : memref<!tpu.dma_semaphore, #tpu.memory_space<semaphore_mem>>)
      %dma_wait3A = tpu.memref_slice %arg4[%mul3A_4] : memref<16384xi32, #tpu.memory_space<hbm>> -> memref<512xi32, #tpu.memory_space<hbm>>
      %dma_wait3A_28 = tpu.memref_slice %arg4[%mul3A_4] : memref<16384xi32, #tpu.memory_space<hbm>> -> memref<512xi32, #tpu.memory_space<hbm>>
      tpu.wait_dma2 semaphore(%run_scoped3A : memref<!tpu.dma_semaphore, #tpu.memory_space<semaphore_mem>>) src(%dma_wait3A_28 : memref<512xi32, #tpu.memory_space<hbm>>) dst(%arg10 : memref<512xi32, #tpu.memory_space<vmem>>)
      tpu.yield
    }) : () -> ()
    %iota3A = tpu.iota {dimensions = array<i32: 0>} : vector<16xi32>
    %broadcast_in_dim3A = arith.constant 1.000000e+00 : f32
    %broadcast_in_dim3A_5 = vector.broadcast %broadcast_in_dim3A : f32 to vector<16xf32>
    %broadcast_in_dim3A_6 = arith.constant 0.000000e+00 : f32
    %broadcast_in_dim3A_7 = vector.broadcast %broadcast_in_dim3A_6 : f32 to vector<16xf32>
    %dma_start3A = arith.constant 0 : i32
    %dma_start3A_8 = arith.constant 0 : i32
    %dma_start3A_9 = tpu.memref_slice %arg2[%mul3A_2, %dma_start3A, %dma_start3A_8] : memref<1024x8x4096xi32, #tpu.memory_space<hbm>> -> memref<1x8x4096xi32, #tpu.memory_space<hbm>>
    %dma_start3A_10 = tpu.memref_squeeze %dma_start3A_9 : memref<1x8x4096xi32, #tpu.memory_space<hbm>> -> memref<8x4096xi32, #tpu.memory_space<hbm>>
    %dma_start3A_11 = arith.constant 0 : i32
    %dma_start3A_12 = arith.constant 0 : i32
    %dma_start3A_13 = tpu.memref_slice %arg2[%mul3A_2, %dma_start3A_11, %dma_start3A_12] : memref<1024x8x4096xi32, #tpu.memory_space<hbm>> -> memref<1x8x4096xi32, #tpu.memory_space<hbm>>
    %dma_start3A_14 = tpu.memref_squeeze %dma_start3A_13 : memref<1x8x4096xi32, #tpu.memory_space<hbm>> -> memref<8x4096xi32, #tpu.memory_space<hbm>>
    tpu.enqueue_dma source(%dma_start3A_14 : memref<8x4096xi32, #tpu.memory_space<hbm>>) target(%arg6 : memref<8x4096xi32, #tpu.memory_space<vmem>>) target_semaphore(%arg14 : memref<!tpu.dma_semaphore, #tpu.memory_space<semaphore_mem>>)
    %dma_start3A_15 = arith.constant 0 : i32
    %dma_start3A_16 = tpu.memref_slice %arg3[%mul3A_2, %dma_start3A_15] : memref<1024x4096xi32, #tpu.memory_space<hbm>> -> memref<1x4096xi32, #tpu.memory_space<hbm>>
    %dma_start3A_17 = tpu.memref_squeeze %dma_start3A_16 : memref<1x4096xi32, #tpu.memory_space<hbm>> -> memref<4096xi32, #tpu.memory_space<hbm>>
    %dma_start3A_18 = arith.constant 0 : i32
    %dma_start3A_19 = tpu.memref_slice %arg3[%mul3A_2, %dma_start3A_18] : memref<1024x4096xi32, #tpu.memory_space<hbm>> -> memref<1x4096xi32, #tpu.memory_space<hbm>>
    %dma_start3A_20 = tpu.memref_squeeze %dma_start3A_19 : memref<1x4096xi32, #tpu.memory_space<hbm>> -> memref<4096xi32, #tpu.memory_space<hbm>>
    tpu.enqueue_dma source(%dma_start3A_20 : memref<4096xi32, #tpu.memory_space<hbm>>) target(%arg8 : memref<4096xi32, #tpu.memory_space<vmem>>) target_semaphore(%arg14 : memref<!tpu.dma_semaphore, #tpu.memory_space<semaphore_mem>>)
    %scan3A = arith.constant 0 : i32
    %scan3A_21 = arith.constant 0 : i32
    %scan3A_22 = arith.constant 16 : i32
    %scan3A_23 = arith.addi %scan3A_21, %scan3A_22 : i32
    %scan3A_24 = arith.constant 1 : i32
    scf.for %scan3A_26 = %scan3A_21 to %scan3A_23 step %scan3A_24  : i32 {
      %mul3A_27 = arith.constant 2 : i32
      %mul3A_28 = arith.muli %mul3A_27, %scan3A_26 : i32
      %add3A_29 = arith.addi %mul3A_2, %mul3A_28 : i32
      %add3A_30 = arith.constant 1 : i32
      %add3A_31 = arith.addi %add3A_29, %add3A_30 : i32
      %dma_start3A_32 = arith.constant 0 : i32
      %dma_start3A_33 = arith.constant 0 : i32
      %dma_start3A_34 = tpu.memref_slice %arg2[%add3A_31, %dma_start3A_32, %dma_start3A_33] : memref<1024x8x4096xi32, #tpu.memory_space<hbm>> -> memref<1x8x4096xi32, #tpu.memory_space<hbm>>
      %dma_start3A_35 = tpu.memref_squeeze %dma_start3A_34 : memref<1x8x4096xi32, #tpu.memory_space<hbm>> -> memref<8x4096xi32, #tpu.memory_space<hbm>>
      %dma_start3A_36 = arith.constant 0 : i32
      %dma_start3A_37 = arith.constant 0 : i32
      %dma_start3A_38 = tpu.memref_slice %arg2[%add3A_31, %dma_start3A_36, %dma_start3A_37] : memref<1024x8x4096xi32, #tpu.memory_space<hbm>> -> memref<1x8x4096xi32, #tpu.memory_space<hbm>>
      %dma_start3A_39 = tpu.memref_squeeze %dma_start3A_38 : memref<1x8x4096xi32, #tpu.memory_space<hbm>> -> memref<8x4096xi32, #tpu.memory_space<hbm>>
      tpu.enqueue_dma source(%dma_start3A_39 : memref<8x4096xi32, #tpu.memory_space<hbm>>) target(%arg7 : memref<8x4096xi32, #tpu.memory_space<vmem>>) target_semaphore(%arg15 : memref<!tpu.dma_semaphore, #tpu.memory_space<semaphore_mem>>)
      %dma_start3A_40 = arith.constant 0 : i32
      %dma_start3A_41 = tpu.memref_slice %arg3[%add3A_31, %dma_start3A_40] : memref<1024x4096xi32, #tpu.memory_space<hbm>> -> memref<1x4096xi32, #tpu.memory_space<hbm>>
      %dma_start3A_42 = tpu.memref_squeeze %dma_start3A_41 : memref<1x4096xi32, #tpu.memory_space<hbm>> -> memref<4096xi32, #tpu.memory_space<hbm>>
      %dma_start3A_43 = arith.constant 0 : i32
      %dma_start3A_44 = tpu.memref_slice %arg3[%add3A_31, %dma_start3A_43] : memref<1024x4096xi32, #tpu.memory_space<hbm>> -> memref<1x4096xi32, #tpu.memory_space<hbm>>
      %dma_start3A_45 = tpu.memref_squeeze %dma_start3A_44 : memref<1x4096xi32, #tpu.memory_space<hbm>> -> memref<4096xi32, #tpu.memory_space<hbm>>
      tpu.enqueue_dma source(%dma_start3A_45 : memref<4096xi32, #tpu.memory_space<hbm>>) target(%arg9 : memref<4096xi32, #tpu.memory_space<vmem>>) target_semaphore(%arg15 : memref<!tpu.dma_semaphore, #tpu.memory_space<semaphore_mem>>)
      %dma_wait3A = arith.constant 0 : i32
      %dma_wait3A_46 = arith.constant 0 : i32
      %dma_wait3A_47 = tpu.memref_slice %arg2[%add3A_29, %dma_wait3A, %dma_wait3A_46] : memref<1024x8x4096xi32, #tpu.memory_space<hbm>> -> memref<1x8x4096xi32, #tpu.memory_space<hbm>>
      %dma_wait3A_48 = tpu.memref_squeeze %dma_wait3A_47 : memref<1x8x4096xi32, #tpu.memory_space<hbm>> -> memref<8x4096xi32, #tpu.memory_space<hbm>>
      %dma_wait3A_49 = arith.constant 0 : i32
      %dma_wait3A_50 = arith.constant 0 : i32
      %dma_wait3A_51 = tpu.memref_slice %arg2[%add3A_29, %dma_wait3A_49, %dma_wait3A_50] : memref<1024x8x4096xi32, #tpu.memory_space<hbm>> -> memref<1x8x4096xi32, #tpu.memory_space<hbm>>
      %dma_wait3A_52 = tpu.memref_squeeze %dma_wait3A_51 : memref<1x8x4096xi32, #tpu.memory_space<hbm>> -> memref<8x4096xi32, #tpu.memory_space<hbm>>
      tpu.wait_dma2 semaphore(%arg14 : memref<!tpu.dma_semaphore, #tpu.memory_space<semaphore_mem>>) src(%dma_wait3A_52 : memref<8x4096xi32, #tpu.memory_space<hbm>>) dst(%arg6 : memref<8x4096xi32, #tpu.memory_space<vmem>>)
      %dma_wait3A_53 = arith.constant 0 : i32
      %dma_wait3A_54 = tpu.memref_slice %arg3[%add3A_29, %dma_wait3A_53] : memref<1024x4096xi32, #tpu.memory_space<hbm>> -> memref<1x4096xi32, #tpu.memory_space<hbm>>
      %dma_wait3A_55 = tpu.memref_squeeze %dma_wait3A_54 : memref<1x4096xi32, #tpu.memory_space<hbm>> -> memref<4096xi32, #tpu.memory_space<hbm>>
      %dma_wait3A_56 = arith.constant 0 : i32
      %dma_wait3A_57 = tpu.memref_slice %arg3[%add3A_29, %dma_wait3A_56] : memref<1024x4096xi32, #tpu.memory_space<hbm>> -> memref<1x4096xi32, #tpu.memory_space<hbm>>
      %dma_wait3A_58 = tpu.memref_squeeze %dma_wait3A_57 : memref<1x4096xi32, #tpu.memory_space<hbm>> -> memref<4096xi32, #tpu.memory_space<hbm>>
      tpu.wait_dma2 semaphore(%arg14 : memref<!tpu.dma_semaphore, #tpu.memory_space<semaphore_mem>>) src(%dma_wait3A_58 : memref<4096xi32, #tpu.memory_space<hbm>>) dst(%arg8 : memref<4096xi32, #tpu.memory_space<vmem>>)
      %add3A_59 = arith.addi %mul3A_2, %mul3A_28 : i32
      %mul3A_60 = arith.constant 16 : i32
      %mul3A_61 = arith.muli %mul3A_28, %mul3A_60 : i32
      %get3A = arith.index_cast %mul3A_61 : i32 to index
      %get3A_62 = tpu.vector_load %arg10[%get3A] {strides = array<i32>} : memref<512xi32, #tpu.memory_space<vmem>>, vector<16xi32>,
      %eq3A = arith.constant 0 : i32
      %eq3A_63 = vector.broadcast %eq3A : i32 to vector<16xi32>
      %eq3A_64 = arith.cmpi eq, %iota3A, %eq3A_63 : vector<16xi32>
      %eq3A_65 = arith.constant 0 : i32
      %eq3A_66 = vector.broadcast %eq3A_65 : i32 to vector<16xi32>
      %eq3A_67 = arith.cmpi eq, %iota3A, %eq3A_66 : vector<16xi32>
      %jit3A = arith.constant 0 : i32
      %broadcast_in_dim3A_68 = vector.broadcast %jit3A : i32 to vector<16xi32>
      %select_n3A = arith.select %eq3A_67, %get3A_62, %broadcast_in_dim3A_68 : vector<16xi1>, vector<16xi32>
      %reduce_sum3A = arith.constant true
      %reduce_sum3A_69 = vector.broadcast %reduce_sum3A : i1 to vector<16xi1>
      %reduce_sum3A_70 = tpu.scan <sum>, %select_n3A masked %reduce_sum3A_69 : vector<16xi32>, vector<16xi1> -> vector<16xi32>
      %reduce_sum3A_71 = vector.extract %reduce_sum3A_70[15] : i32 from vector<16xi32>
      %jit3A_72 = arith.constant -1 : i32
      %broadcast_in_dim3A_73 = vector.broadcast %reduce_sum3A_71 : i32 to vector<16xi32>
      %broadcast_in_dim3A_74 = vector.broadcast %jit3A_72 : i32 to vector<16xi32>
      %select_n3A_75 = arith.select %eq3A_64, %broadcast_in_dim3A_73, %broadcast_in_dim3A_74 : vector<16xi1>, vector<16xi32>
      %broadcast_in_dim3A_76 = arith.constant false
      %broadcast_in_dim3A_77 = vector.broadcast %broadcast_in_dim3A_76 : i1 to vector<16xi1>
      %eq3A_78 = arith.constant 1 : i32
      %eq3A_79 = vector.broadcast %eq3A_78 : i32 to vector<16xi32>
      %eq3A_80 = arith.cmpi eq, %iota3A, %eq3A_79 : vector<16xi32>
      %jit3A_81 = arith.constant 0 : i32
      %broadcast_in_dim3A_82 = vector.broadcast %jit3A_81 : i32 to vector<16xi32>
      %select_n3A_83 = arith.select %eq3A_80, %get3A_62, %broadcast_in_dim3A_82 : vector<16xi1>, vector<16xi32>
      %reduce_sum3A_84 = arith.constant true
      %reduce_sum3A_85 = vector.broadcast %reduce_sum3A_84 : i1 to vector<16xi1>
      %reduce_sum3A_86 = tpu.scan <sum>, %select_n3A_83 masked %reduce_sum3A_85 : vector<16xi32>, vector<16xi1> -> vector<16xi32>
      %reduce_sum3A_87 = vector.extract %reduce_sum3A_86[15] : i32 from vector<16xi32>
      %eq3A_88 = arith.constant 5 : i32
      %eq3A_89 = vector.broadcast %eq3A_88 : i32 to vector<16xi32>
      %eq3A_90 = arith.cmpi eq, %iota3A, %eq3A_89 : vector<16xi32>
      %jit3A_91 = arith.constant 0 : i32
      %broadcast_in_dim3A_92 = vector.broadcast %jit3A_91 : i32 to vector<16xi32>
      %select_n3A_93 = arith.select %eq3A_90, %get3A_62, %broadcast_in_dim3A_92 : vector<16xi1>, vector<16xi32>
      %reduce_sum3A_94 = arith.constant true
      %reduce_sum3A_95 = vector.broadcast %reduce_sum3A_94 : i1 to vector<16xi1>
      %reduce_sum3A_96 = tpu.scan <sum>, %select_n3A_93 masked %reduce_sum3A_95 : vector<16xi32>, vector<16xi1> -> vector<16xi32>
      %reduce_sum3A_97 = vector.extract %reduce_sum3A_96[15] : i32 from vector<16xi32>
      %eq3A_98 = vector.broadcast %reduce_sum3A_87 : i32 to vector<16xi32>
      %eq3A_99 = arith.cmpi eq, %iota3A, %eq3A_98 : vector<16xi32>
      %ge3A = arith.constant 0 : i32
      %ge3A_100 = vector.broadcast %ge3A : i32 to vector<16xi32>
      %ge3A_101 = arith.cmpi sge, %select_n3A_75, %ge3A_100 : vector<16xi32>
      %and3A = arith.andi %eq3A_99, %ge3A_101 : vector<16xi1>
      %ne3A = vector.broadcast %reduce_sum3A_97 : i32 to vector<16xi32>
      %ne3A_102 = arith.cmpi ne, %select_n3A_75, %ne3A : vector<16xi32>
      %and3A_103 = arith.andi %and3A, %ne3A_102 : vector<16xi1>
      %or3A = arith.ori %broadcast_in_dim3A_77, %and3A_103 : vector<16xi1>
      %lt3A = arith.constant 0 : i32
      %lt3A_104 = vector.broadcast %lt3A : i32 to vector<16xi32>
      %lt3A_105 = arith.cmpi slt, %select_n3A_75, %lt3A_104 : vector<16xi32>
      %and3A_106 = arith.andi %eq3A_99, %lt3A_105 : vector<16xi1>
      %broadcast_in_dim3A_107 = vector.broadcast %reduce_sum3A_97 : i32 to vector<16xi32>
      %select_n3A_108 = arith.select %and3A_106, %broadcast_in_dim3A_107, %select_n3A_75 : vector<16xi1>, vector<16xi32>
      %eq3A_109 = arith.constant 2 : i32
      %eq3A_110 = vector.broadcast %eq3A_109 : i32 to vector<16xi32>
      %eq3A_111 = arith.cmpi eq, %iota3A, %eq3A_110 : vector<16xi32>
      %jit3A_112 = arith.constant 0 : i32
      %broadcast_in_dim3A_113 = vector.broadcast %jit3A_112 : i32 to vector<16xi32>
      %select_n3A_114 = arith.select %eq3A_111, %get3A_62, %broadcast_in_dim3A_113 : vector<16xi1>, vector<16xi32>
      %reduce_sum3A_115 = arith.constant true
      %reduce_sum3A_116 = vector.broadcast %reduce_sum3A_115 : i1 to vector<16xi1>
      %reduce_sum3A_117 = tpu.scan <sum>, %select_n3A_114 masked %reduce_sum3A_116 : vector<16xi32>, vector<16xi1> -> vector<16xi32>
      %reduce_sum3A_118 = vector.extract %reduce_sum3A_117[15] : i32 from vector<16xi32>
      %eq3A_119 = arith.constant 6 : i32
      %eq3A_120 = vector.broadcast %eq3A_119 : i32 to vector<16xi32>
      %eq3A_121 = arith.cmpi eq, %iota3A, %eq3A_120 : vector<16xi32>
      %jit3A_122 = arith.constant 0 : i32
      %broadcast_in_dim3A_123 = vector.broadcast %jit3A_122 : i32 to vector<16xi32>
      %select_n3A_124 = arith.select %eq3A_121, %get3A_62, %broadcast_in_dim3A_123 : vector<16xi1>, vector<16xi32>
      %reduce_sum3A_125 = arith.constant true
      %reduce_sum3A_126 = vector.broadcast %reduce_sum3A_125 : i1 to vector<16xi1>
      %reduce_sum3A_127 = tpu.scan <sum>, %select_n3A_124 masked %reduce_sum3A_126 : vector<16xi32>, vector<16xi1> -> vector<16xi32>
      %reduce_sum3A_128 = vector.extract %reduce_sum3A_127[15] : i32 from vector<16xi32>
      %eq3A_129 = vector.broadcast %reduce_sum3A_118 : i32 to vector<16xi32>
      %eq3A_130 = arith.cmpi eq, %iota3A, %eq3A_129 : vector<16xi32>
      %ge3A_131 = arith.constant 0 : i32
      %ge3A_132 = vector.broadcast %ge3A_131 : i32 to vector<16xi32>
      %ge3A_133 = arith.cmpi sge, %select_n3A_108, %ge3A_132 : vector<16xi32>
      %and3A_134 = arith.andi %eq3A_130, %ge3A_133 : vector<16xi1>
      %ne3A_135 = vector.broadcast %reduce_sum3A_128 : i32 to vector<16xi32>
      %ne3A_136 = arith.cmpi ne, %select_n3A_108, %ne3A_135 : vector<16xi32>
      %and3A_137 = arith.andi %and3A_134, %ne3A_136 : vector<16xi1>
      %or3A_138 = arith.ori %or3A, %and3A_137 : vector<16xi1>
      %lt3A_139 = arith.constant 0 : i32
      %lt3A_140 = vector.broadcast %lt3A_139 : i32 to vector<16xi32>
      %lt3A_141 = arith.cmpi slt, %select_n3A_108, %lt3A_140 : vector<16xi32>
      %and3A_142 = arith.andi %eq3A_130, %lt3A_141 : vector<16xi1>
      %broadcast_in_dim3A_143 = vector.broadcast %reduce_sum3A_128 : i32 to vector<16xi32>
      %select_n3A_144 = arith.select %and3A_142, %broadcast_in_dim3A_143, %select_n3A_108 : vector<16xi1>, vector<16xi32>
      %eq3A_145 = arith.constant 3 : i32
      %eq3A_146 = vector.broadcast %eq3A_145 : i32 to vector<16xi32>
      %eq3A_147 = arith.cmpi eq, %iota3A, %eq3A_146 : vector<16xi32>
      %jit3A_148 = arith.constant 0 : i32
      %broadcast_in_dim3A_149 = vector.broadcast %jit3A_148 : i32 to vector<16xi32>
      %select_n3A_150 = arith.select %eq3A_147, %get3A_62, %broadcast_in_dim3A_149 : vector<16xi1>, vector<16xi32>
      %reduce_sum3A_151 = arith.constant true
      %reduce_sum3A_152 = vector.broadcast %reduce_sum3A_151 : i1 to vector<16xi1>
      %reduce_sum3A_153 = tpu.scan <sum>, %select_n3A_150 masked %reduce_sum3A_152 : vector<16xi32>, vector<16xi1> -> vector<16xi32>
      %reduce_sum3A_154 = vector.extract %reduce_sum3A_153[15] : i32 from vector<16xi32>
      %eq3A_155 = arith.constant 7 : i32
      %eq3A_156 = vector.broadcast %eq3A_155 : i32 to vector<16xi32>
      %eq3A_157 = arith.cmpi eq, %iota3A, %eq3A_156 : vector<16xi32>
      %jit3A_158 = arith.constant 0 : i32
      %broadcast_in_dim3A_159 = vector.broadcast %jit3A_158 : i32 to vector<16xi32>
      %select_n3A_160 = arith.select %eq3A_157, %get3A_62, %broadcast_in_dim3A_159 : vector<16xi1>, vector<16xi32>
      %reduce_sum3A_161 = arith.constant true
      %reduce_sum3A_162 = vector.broadcast %reduce_sum3A_161 : i1 to vector<16xi1>
      %reduce_sum3A_163 = tpu.scan <sum>, %select_n3A_160 masked %reduce_sum3A_162 : vector<16xi32>, vector<16xi1> -> vector<16xi32>
      %reduce_sum3A_164 = vector.extract %reduce_sum3A_163[15] : i32 from vector<16xi32>
      %eq3A_165 = vector.broadcast %reduce_sum3A_154 : i32 to vector<16xi32>
      %eq3A_166 = arith.cmpi eq, %iota3A, %eq3A_165 : vector<16xi32>
      %ge3A_167 = arith.constant 0 : i32
      %ge3A_168 = vector.broadcast %ge3A_167 : i32 to vector<16xi32>
      %ge3A_169 = arith.cmpi sge, %select_n3A_144, %ge3A_168 : vector<16xi32>
      %and3A_170 = arith.andi %eq3A_166, %ge3A_169 : vector<16xi1>
      %ne3A_171 = vector.broadcast %reduce_sum3A_164 : i32 to vector<16xi32>
      %ne3A_172 = arith.cmpi ne, %select_n3A_144, %ne3A_171 : vector<16xi32>
      %and3A_173 = arith.andi %and3A_170, %ne3A_172 : vector<16xi1>
      %or3A_174 = arith.ori %or3A_138, %and3A_173 : vector<16xi1>
      %lt3A_175 = arith.constant 0 : i32
      %lt3A_176 = vector.broadcast %lt3A_175 : i32 to vector<16xi32>
      %lt3A_177 = arith.cmpi slt, %select_n3A_144, %lt3A_176 : vector<16xi32>
      %and3A_178 = arith.andi %eq3A_166, %lt3A_177 : vector<16xi1>
      %broadcast_in_dim3A_179 = vector.broadcast %reduce_sum3A_164 : i32 to vector<16xi32>
      %select_n3A_180 = arith.select %and3A_178, %broadcast_in_dim3A_179, %select_n3A_144 : vector<16xi1>, vector<16xi32>
      %eq3A_181 = arith.constant 4 : i32
      %eq3A_182 = vector.broadcast %eq3A_181 : i32 to vector<16xi32>
      %eq3A_183 = arith.cmpi eq, %iota3A, %eq3A_182 : vector<16xi32>
      %jit3A_184 = arith.constant 0 : i32
      %broadcast_in_dim3A_185 = vector.broadcast %jit3A_184 : i32 to vector<16xi32>
      %select_n3A_186 = arith.select %eq3A_183, %get3A_62, %broadcast_in_dim3A_185 : vector<16xi1>, vector<16xi32>
      %reduce_sum3A_187 = arith.constant true
      %reduce_sum3A_188 = vector.broadcast %reduce_sum3A_187 : i1 to vector<16xi1>
      %reduce_sum3A_189 = tpu.scan <sum>, %select_n3A_186 masked %reduce_sum3A_188 : vector<16xi32>, vector<16xi1> -> vector<16xi32>
      %reduce_sum3A_190 = vector.extract %reduce_sum3A_189[15] : i32 from vector<16xi32>
      %eq3A_191 = arith.constant 8 : i32
      %eq3A_192 = vector.broadcast %eq3A_191 : i32 to vector<16xi32>
      %eq3A_193 = arith.cmpi eq, %iota3A, %eq3A_192 : vector<16xi32>
      %jit3A_194 = arith.constant 0 : i32
      %broadcast_in_dim3A_195 = vector.broadcast %jit3A_194 : i32 to vector<16xi32>
      %select_n3A_196 = arith.select %eq3A_193, %get3A_62, %broadcast_in_dim3A_195 : vector<16xi1>, vector<16xi32>
      %reduce_sum3A_197 = arith.constant true
      %reduce_sum3A_198 = vector.broadcast %reduce_sum3A_197 : i1 to vector<16xi1>
      %reduce_sum3A_199 = tpu.scan <sum>, %select_n3A_196 masked %reduce_sum3A_198 : vector<16xi32>, vector<16xi1> -> vector<16xi32>
      %reduce_sum3A_200 = vector.extract %reduce_sum3A_199[15] : i32 from vector<16xi32>
      %eq3A_201 = vector.broadcast %reduce_sum3A_190 : i32 to vector<16xi32>
      %eq3A_202 = arith.cmpi eq, %iota3A, %eq3A_201 : vector<16xi32>
      %ge3A_203 = arith.constant 0 : i32
      %ge3A_204 = vector.broadcast %ge3A_203 : i32 to vector<16xi32>
      %ge3A_205 = arith.cmpi sge, %select_n3A_180, %ge3A_204 : vector<16xi32>
      %and3A_206 = arith.andi %eq3A_202, %ge3A_205 : vector<16xi1>
      %ne3A_207 = vector.broadcast %reduce_sum3A_200 : i32 to vector<16xi32>
      %ne3A_208 = arith.cmpi ne, %select_n3A_180, %ne3A_207 : vector<16xi32>
      %and3A_209 = arith.andi %and3A_206, %ne3A_208 : vector<16xi1>
      %or3A_210 = arith.ori %or3A_174, %and3A_209 : vector<16xi1>
      %lt3A_211 = arith.constant 0 : i32
      %lt3A_212 = vector.broadcast %lt3A_211 : i32 to vector<16xi32>
      %lt3A_213 = arith.cmpi slt, %select_n3A_180, %lt3A_212 : vector<16xi32>
      %and3A_214 = arith.andi %eq3A_202, %lt3A_213 : vector<16xi1>
      %broadcast_in_dim3A_215 = vector.broadcast %reduce_sum3A_200 : i32 to vector<16xi32>
      %select_n3A_216 = arith.select %and3A_214, %broadcast_in_dim3A_215, %select_n3A_180 : vector<16xi1>, vector<16xi32>
      %all_reduce_population_count3A = tpu.all_reduce %or3A_210 {dim = 0 : i64, kind = #tpu.reduction_kind<sum>} : vector<16xi1> -> vector<16xi32>
      %gt3A = arith.constant 0 : i32
      %gt3A_217 = vector.broadcast %gt3A : i32 to vector<16xi32>
      %gt3A_218 = arith.cmpi sgt, %all_reduce_population_count3A, %gt3A_217 : vector<16xi32>
      %select_n3A_219 = arith.select %gt3A_218, %broadcast_in_dim3A_7, %broadcast_in_dim3A_5 : vector<16xi1>, vector<16xf32>
      %broadcast_in_dim3A_220 = arith.constant 0 : i32
      %broadcast_in_dim3A_221 = vector.broadcast %broadcast_in_dim3A_220 : i32 to vector<16xi32>
      %eq3A_222 = arith.constant 0 : i32
      %eq3A_223 = vector.broadcast %eq3A_222 : i32 to vector<16xi32>
      %eq3A_224 = arith.cmpi eq, %iota3A, %eq3A_223 : vector<16xi32>
      %jit3A_225 = arith.constant 0 : i32
      %broadcast_in_dim3A_226 = vector.broadcast %jit3A_225 : i32 to vector<16xi32>
      %select_n3A_227 = arith.select %eq3A_224, %select_n3A_216, %broadcast_in_dim3A_226 : vector<16xi1>, vector<16xi32>
      %reduce_sum3A_228 = arith.constant true
      %reduce_sum3A_229 = vector.broadcast %reduce_sum3A_228 : i1 to vector<16xi1>
      %reduce_sum3A_230 = tpu.scan <sum>, %select_n3A_227 masked %reduce_sum3A_229 : vector<16xi32>, vector<16xi1> -> vector<16xi32>
      %reduce_sum3A_231 = vector.extract %reduce_sum3A_230[15] : i32 from vector<16xi32>
      %add3A_232 = vector.broadcast %reduce_sum3A_231 : i32 to vector<16xi32>
      %add3A_233 = arith.addi %broadcast_in_dim3A_221, %add3A_232 : vector<16xi32>
      %broadcast_in_dim3A_234 = arith.constant 0 : i32
      %broadcast_in_dim3A_235 = vector.broadcast %broadcast_in_dim3A_234 : i32 to vector<16xi32>
      %eq3A_236 = arith.constant 1 : i32
      %eq3A_237 = vector.broadcast %eq3A_236 : i32 to vector<16xi32>
      %eq3A_238 = arith.cmpi eq, %iota3A, %eq3A_237 : vector<16xi32>
      %jit3A_239 = arith.constant 0 : i32
      %broadcast_in_dim3A_240 = vector.broadcast %jit3A_239 : i32 to vector<16xi32>
      %select_n3A_241 = arith.select %eq3A_238, %select_n3A_216, %broadcast_in_dim3A_240 : vector<16xi1>, vector<16xi32>
      %reduce_sum3A_242 = arith.constant true
      %reduce_sum3A_243 = vector.broadcast %reduce_sum3A_242 : i1 to vector<16xi1>
      %reduce_sum3A_244 = tpu.scan <sum>, %select_n3A_241 masked %reduce_sum3A_243 : vector<16xi32>, vector<16xi1> -> vector<16xi32>
      %reduce_sum3A_245 = vector.extract %reduce_sum3A_244[15] : i32 from vector<16xi32>
      %add3A_246 = vector.broadcast %reduce_sum3A_245 : i32 to vector<16xi32>
      %add3A_247 = arith.addi %broadcast_in_dim3A_235, %add3A_246 : vector<16xi32>
      %broadcast_in_dim3A_248 = arith.constant 0 : i32
      %broadcast_in_dim3A_249 = vector.broadcast %broadcast_in_dim3A_248 : i32 to vector<16xi32>
      %eq3A_250 = arith.constant 2 : i32
      %eq3A_251 = vector.broadcast %eq3A_250 : i32 to vector<16xi32>
      %eq3A_252 = arith.cmpi eq, %iota3A, %eq3A_251 : vector<16xi32>
      %jit3A_253 = arith.constant 0 : i32
      %broadcast_in_dim3A_254 = vector.broadcast %jit3A_253 : i32 to vector<16xi32>
      %select_n3A_255 = arith.select %eq3A_252, %select_n3A_216, %broadcast_in_dim3A_254 : vector<16xi1>, vector<16xi32>
      %reduce_sum3A_256 = arith.constant true
      %reduce_sum3A_257 = vector.broadcast %reduce_sum3A_256 : i1 to vector<16xi1>
      %reduce_sum3A_258 = tpu.scan <sum>, %select_n3A_255 masked %reduce_sum3A_257 : vector<16xi32>, vector<16xi1> -> vector<16xi32>
      %reduce_sum3A_259 = vector.extract %reduce_sum3A_258[15] : i32 from vector<16xi32>
      %add3A_260 = vector.broadcast %reduce_sum3A_259 : i32 to vector<16xi32>
      %add3A_261 = arith.addi %broadcast_in_dim3A_249, %add3A_260 : vector<16xi32>
      %broadcast_in_dim3A_262 = arith.constant 0 : i32
      %broadcast_in_dim3A_263 = vector.broadcast %broadcast_in_dim3A_262 : i32 to vector<16xi32>
      %eq3A_264 = arith.constant 3 : i32
      %eq3A_265 = vector.broadcast %eq3A_264 : i32 to vector<16xi32>
      %eq3A_266 = arith.cmpi eq, %iota3A, %eq3A_265 : vector<16xi32>
      %jit3A_267 = arith.constant 0 : i32
      %broadcast_in_dim3A_268 = vector.broadcast %jit3A_267 : i32 to vector<16xi32>
      %select_n3A_269 = arith.select %eq3A_266, %select_n3A_216, %broadcast_in_dim3A_268 : vector<16xi1>, vector<16xi32>
      %reduce_sum3A_270 = arith.constant true
      %reduce_sum3A_271 = vector.broadcast %reduce_sum3A_270 : i1 to vector<16xi1>
      %reduce_sum3A_272 = tpu.scan <sum>, %select_n3A_269 masked %reduce_sum3A_271 : vector<16xi32>, vector<16xi1> -> vector<16xi32>
      %reduce_sum3A_273 = vector.extract %reduce_sum3A_272[15] : i32 from vector<16xi32>
      %add3A_274 = vector.broadcast %reduce_sum3A_273 : i32 to vector<16xi32>
      %add3A_275 = arith.addi %broadcast_in_dim3A_263, %add3A_274 : vector<16xi32>
      %broadcast_in_dim3A_276 = arith.constant 0 : i32
      %broadcast_in_dim3A_277 = vector.broadcast %broadcast_in_dim3A_276 : i32 to vector<16xi32>
      %eq3A_278 = arith.constant 4 : i32
      %eq3A_279 = vector.broadcast %eq3A_278 : i32 to vector<16xi32>
      %eq3A_280 = arith.cmpi eq, %iota3A, %eq3A_279 : vector<16xi32>
      %jit3A_281 = arith.constant 0 : i32
      %broadcast_in_dim3A_282 = vector.broadcast %jit3A_281 : i32 to vector<16xi32>
      %select_n3A_283 = arith.select %eq3A_280, %select_n3A_216, %broadcast_in_dim3A_282 : vector<16xi1>, vector<16xi32>
      %reduce_sum3A_284 = arith.constant true
      %reduce_sum3A_285 = vector.broadcast %reduce_sum3A_284 : i1 to vector<16xi1>
      %reduce_sum3A_286 = tpu.scan <sum>, %select_n3A_283 masked %reduce_sum3A_285 : vector<16xi32>, vector<16xi1> -> vector<16xi32>
      %reduce_sum3A_287 = vector.extract %reduce_sum3A_286[15] : i32 from vector<16xi32>
      %add3A_288 = vector.broadcast %reduce_sum3A_287 : i32 to vector<16xi32>
      %add3A_289 = arith.addi %broadcast_in_dim3A_277, %add3A_288 : vector<16xi32>
      %broadcast_in_dim3A_290 = arith.constant 0 : i32
      %broadcast_in_dim3A_291 = vector.broadcast %broadcast_in_dim3A_290 : i32 to vector<16xi32>
      %eq3A_292 = arith.constant 5 : i32
      %eq3A_293 = vector.broadcast %eq3A_292 : i32 to vector<16xi32>
      %eq3A_294 = arith.cmpi eq, %iota3A, %eq3A_293 : vector<16xi32>
      %jit3A_295 = arith.constant 0 : i32
      %broadcast_in_dim3A_296 = vector.broadcast %jit3A_295 : i32 to vector<16xi32>
      %select_n3A_297 = arith.select %eq3A_294, %select_n3A_216, %broadcast_in_dim3A_296 : vector<16xi1>, vector<16xi32>
      %reduce_sum3A_298 = arith.constant true
      %reduce_sum3A_299 = vector.broadcast %reduce_sum3A_298 : i1 to vector<16xi1>
      %reduce_sum3A_300 = tpu.scan <sum>, %select_n3A_297 masked %reduce_sum3A_299 : vector<16xi32>, vector<16xi1> -> vector<16xi32>
      %reduce_sum3A_301 = vector.extract %reduce_sum3A_300[15] : i32 from vector<16xi32>
      %add3A_302 = vector.broadcast %reduce_sum3A_301 : i32 to vector<16xi32>
      %add3A_303 = arith.addi %broadcast_in_dim3A_291, %add3A_302 : vector<16xi32>
      %broadcast_in_dim3A_304 = arith.constant 0 : i32
      %broadcast_in_dim3A_305 = vector.broadcast %broadcast_in_dim3A_304 : i32 to vector<16xi32>
      %eq3A_306 = arith.constant 6 : i32
      %eq3A_307 = vector.broadcast %eq3A_306 : i32 to vector<16xi32>
      %eq3A_308 = arith.cmpi eq, %iota3A, %eq3A_307 : vector<16xi32>
      %jit3A_309 = arith.constant 0 : i32
      %broadcast_in_dim3A_310 = vector.broadcast %jit3A_309 : i32 to vector<16xi32>
      %select_n3A_311 = arith.select %eq3A_308, %select_n3A_216, %broadcast_in_dim3A_310 : vector<16xi1>, vector<16xi32>
      %reduce_sum3A_312 = arith.constant true
      %reduce_sum3A_313 = vector.broadcast %reduce_sum3A_312 : i1 to vector<16xi1>
      %reduce_sum3A_314 = tpu.scan <sum>, %select_n3A_311 masked %reduce_sum3A_313 : vector<16xi32>, vector<16xi1> -> vector<16xi32>
      %reduce_sum3A_315 = vector.extract %reduce_sum3A_314[15] : i32 from vector<16xi32>
      %add3A_316 = vector.broadcast %reduce_sum3A_315 : i32 to vector<16xi32>
      %add3A_317 = arith.addi %broadcast_in_dim3A_305, %add3A_316 : vector<16xi32>
      %broadcast_in_dim3A_318 = arith.constant 0 : i32
      %broadcast_in_dim3A_319 = vector.broadcast %broadcast_in_dim3A_318 : i32 to vector<16xi32>
      %eq3A_320 = arith.constant 7 : i32
      %eq3A_321 = vector.broadcast %eq3A_320 : i32 to vector<16xi32>
      %eq3A_322 = arith.cmpi eq, %iota3A, %eq3A_321 : vector<16xi32>
      %jit3A_323 = arith.constant 0 : i32
      %broadcast_in_dim3A_324 = vector.broadcast %jit3A_323 : i32 to vector<16xi32>
      %select_n3A_325 = arith.select %eq3A_322, %select_n3A_216, %broadcast_in_dim3A_324 : vector<16xi1>, vector<16xi32>
      %reduce_sum3A_326 = arith.constant true
      %reduce_sum3A_327 = vector.broadcast %reduce_sum3A_326 : i1 to vector<16xi1>
      %reduce_sum3A_328 = tpu.scan <sum>, %select_n3A_325 masked %reduce_sum3A_327 : vector<16xi32>, vector<16xi1> -> vector<16xi32>
      %reduce_sum3A_329 = vector.extract %reduce_sum3A_328[15] : i32 from vector<16xi32>
      %add3A_330 = vector.broadcast %reduce_sum3A_329 : i32 to vector<16xi32>
      %add3A_331 = arith.addi %broadcast_in_dim3A_319, %add3A_330 : vector<16xi32>
      %lt3A_332 = arith.constant 0 : i32
      %lt3A_333 = vector.broadcast %lt3A_332 : i32 to vector<16xi32>
      %lt3A_334 = arith.cmpi slt, %add3A_233, %lt3A_333 : vector<16xi32>
      %lt3A_335 = arith.constant 0 : i32
      %lt3A_336 = vector.broadcast %lt3A_335 : i32 to vector<16xi32>
      %lt3A_337 = arith.cmpi slt, %add3A_247, %lt3A_336 : vector<16xi32>
      %lt3A_338 = arith.constant 0 : i32
      %lt3A_339 = vector.broadcast %lt3A_338 : i32 to vector<16xi32>
      %lt3A_340 = arith.cmpi slt, %add3A_261, %lt3A_339 : vector<16xi32>
      %lt3A_341 = arith.constant 0 : i32
      %lt3A_342 = vector.broadcast %lt3A_341 : i32 to vector<16xi32>
      %lt3A_343 = arith.cmpi slt, %add3A_275, %lt3A_342 : vector<16xi32>
      %lt3A_344 = arith.constant 0 : i32
      %lt3A_345 = vector.broadcast %lt3A_344 : i32 to vector<16xi32>
      %lt3A_346 = arith.cmpi slt, %add3A_289, %lt3A_345 : vector<16xi32>
      %lt3A_347 = arith.constant 0 : i32
      %lt3A_348 = vector.broadcast %lt3A_347 : i32 to vector<16xi32>
      %lt3A_349 = arith.cmpi slt, %add3A_303, %lt3A_348 : vector<16xi32>
      %lt3A_350 = arith.constant 0 : i32
      %lt3A_351 = vector.broadcast %lt3A_350 : i32 to vector<16xi32>
      %lt3A_352 = arith.cmpi slt, %add3A_317, %lt3A_351 : vector<16xi32>
      %lt3A_353 = arith.constant 0 : i32
      %lt3A_354 = vector.broadcast %lt3A_353 : i32 to vector<16xi32>
      %lt3A_355 = arith.cmpi slt, %add3A_331, %lt3A_354 : vector<16xi32>
      %swap3A = arith.constant 0 : index
      %swap3A_356 = tpu.vector_load %arg11[%swap3A] {strides = array<i32>} : memref<32xf32, #tpu.memory_space<vmem>>, vector<16xf32>,
      tpu.vector_store %arg11[%swap3A], %broadcast_in_dim3A_7 {strides = array<i32>} : memref<32xf32, #tpu.memory_space<vmem>>, vector<16xf32>,
      %swap3A_357 = arith.constant 16 : index
      %swap3A_358 = tpu.vector_load %arg11[%swap3A_357] {strides = array<i32>} : memref<32xf32, #tpu.memory_space<vmem>>, vector<16xf32>,
      tpu.vector_store %arg11[%swap3A_357], %broadcast_in_dim3A_7 {strides = array<i32>} : memref<32xf32, #tpu.memory_space<vmem>>, vector<16xf32>,
      %swap3A_359 = arith.constant 0 : index
      %swap3A_360 = tpu.vector_load %arg12[%swap3A_359] {strides = array<i32>} : memref<256xf32, #tpu.memory_space<vmem>>, vector<16xf32>,
      tpu.vector_store %arg12[%swap3A_359], %broadcast_in_dim3A_7 {strides = array<i32>} : memref<256xf32, #tpu.memory_space<vmem>>, vector<16xf32>,
      %swap3A_361 = arith.constant 16 : index
      %swap3A_362 = tpu.vector_load %arg12[%swap3A_361] {strides = array<i32>} : memref<256xf32, #tpu.memory_space<vmem>>, vector<16xf32>,
      tpu.vector_store %arg12[%swap3A_361], %broadcast_in_dim3A_7 {strides = array<i32>} : memref<256xf32, #tpu.memory_space<vmem>>, vector<16xf32>,
      %swap3A_363 = arith.constant 32 : index
      %swap3A_364 = tpu.vector_load %arg12[%swap3A_363] {strides = array<i32>} : memref<256xf32, #tpu.memory_space<vmem>>, vector<16xf32>,
      tpu.vector_store %arg12[%swap3A_363], %broadcast_in_dim3A_7 {strides = array<i32>} : memref<256xf32, #tpu.memory_space<vmem>>, vector<16xf32>,
      %swap3A_365 = arith.constant 48 : index
      %swap3A_366 = tpu.vector_load %arg12[%swap3A_365] {strides = array<i32>} : memref<256xf32, #tpu.memory_space<vmem>>, vector<16xf32>,
      tpu.vector_store %arg12[%swap3A_365], %broadcast_in_dim3A_7 {strides = array<i32>} : memref<256xf32, #tpu.memory_space<vmem>>, vector<16xf32>,
      %swap3A_367 = arith.constant 64 : index
      %swap3A_368 = tpu.vector_load %arg12[%swap3A_367] {strides = array<i32>} : memref<256xf32, #tpu.memory_space<vmem>>, vector<16xf32>,
      tpu.vector_store %arg12[%swap3A_367], %broadcast_in_dim3A_7 {strides = array<i32>} : memref<256xf32, #tpu.memory_space<vmem>>, vector<16xf32>,
      %swap3A_369 = arith.constant 80 : index
      %swap3A_370 = tpu.vector_load %arg12[%swap3A_369] {strides = array<i32>} : memref<256xf32, #tpu.memory_space<vmem>>, vector<16xf32>,
      tpu.vector_store %arg12[%swap3A_369], %broadcast_in_dim3A_7 {strides = array<i32>} : memref<256xf32, #tpu.memory_space<vmem>>, vector<16xf32>,
      %swap3A_371 = arith.constant 96 : index
      %swap3A_372 = tpu.vector_load %arg12[%swap3A_371] {strides = array<i32>} : memref<256xf32, #tpu.memory_space<vmem>>, vector<16xf32>,
      tpu.vector_store %arg12[%swap3A_371], %broadcast_in_dim3A_7 {strides = array<i32>} : memref<256xf32, #tpu.memory_space<vmem>>, vector<16xf32>,
      %swap3A_373 = arith.constant 112 : index
      %swap3A_374 = tpu.vector_load %arg12[%swap3A_373] {strides = array<i32>} : memref<256xf32, #tpu.memory_space<vmem>>, vector<16xf32>,
      tpu.vector_store %arg12[%swap3A_373], %broadcast_in_dim3A_7 {strides = array<i32>} : memref<256xf32, #tpu.memory_space<vmem>>, vector<16xf32>,
      %swap3A_375 = arith.constant 128 : index
      %swap3A_376 = tpu.vector_load %arg12[%swap3A_375] {strides = array<i32>} : memref<256xf32, #tpu.memory_space<vmem>>, vector<16xf32>,
      tpu.vector_store %arg12[%swap3A_375], %broadcast_in_dim3A_7 {strides = array<i32>} : memref<256xf32, #tpu.memory_space<vmem>>, vector<16xf32>,
      %swap3A_377 = arith.constant 144 : index
      %swap3A_378 = tpu.vector_load %arg12[%swap3A_377] {strides = array<i32>} : memref<256xf32, #tpu.memory_space<vmem>>, vector<16xf32>,
      tpu.vector_store %arg12[%swap3A_377], %broadcast_in_dim3A_7 {strides = array<i32>} : memref<256xf32, #tpu.memory_space<vmem>>, vector<16xf32>,
      %swap3A_379 = arith.constant 160 : index
      %swap3A_380 = tpu.vector_load %arg12[%swap3A_379] {strides = array<i32>} : memref<256xf32, #tpu.memory_space<vmem>>, vector<16xf32>,
      tpu.vector_store %arg12[%swap3A_379], %broadcast_in_dim3A_7 {strides = array<i32>} : memref<256xf32, #tpu.memory_space<vmem>>, vector<16xf32>,
      %swap3A_381 = arith.constant 176 : index
      %swap3A_382 = tpu.vector_load %arg12[%swap3A_381] {strides = array<i32>} : memref<256xf32, #tpu.memory_space<vmem>>, vector<16xf32>,
      tpu.vector_store %arg12[%swap3A_381], %broadcast_in_dim3A_7 {strides = array<i32>} : memref<256xf32, #tpu.memory_space<vmem>>, vector<16xf32>,
      %swap3A_383 = arith.constant 192 : index
      %swap3A_384 = tpu.vector_load %arg12[%swap3A_383] {strides = array<i32>} : memref<256xf32, #tpu.memory_space<vmem>>, vector<16xf32>,
      tpu.vector_store %arg12[%swap3A_383], %broadcast_in_dim3A_7 {strides = array<i32>} : memref<256xf32, #tpu.memory_space<vmem>>, vector<16xf32>,
      %swap3A_385 = arith.constant 208 : index
      %swap3A_386 = tpu.vector_load %arg12[%swap3A_385] {strides = array<i32>} : memref<256xf32, #tpu.memory_space<vmem>>, vector<16xf32>,
      tpu.vector_store %arg12[%swap3A_385], %broadcast_in_dim3A_7 {strides = array<i32>} : memref<256xf32, #tpu.memory_space<vmem>>, vector<16xf32>,
      %swap3A_387 = arith.constant 224 : index
      %swap3A_388 = tpu.vector_load %arg12[%swap3A_387] {strides = array<i32>} : memref<256xf32, #tpu.memory_space<vmem>>, vector<16xf32>,
      tpu.vector_store %arg12[%swap3A_387], %broadcast_in_dim3A_7 {strides = array<i32>} : memref<256xf32, #tpu.memory_space<vmem>>, vector<16xf32>,
      %swap3A_389 = arith.constant 240 : index
      %swap3A_390 = tpu.vector_load %arg12[%swap3A_389] {strides = array<i32>} : memref<256xf32, #tpu.memory_space<vmem>>, vector<16xf32>,
      tpu.vector_store %arg12[%swap3A_389], %broadcast_in_dim3A_7 {strides = array<i32>} : memref<256xf32, #tpu.memory_space<vmem>>, vector<16xf32>,
      %parallel_loop3A = arith.constant 0 : i32
      %parallel_loop3A_391 = arith.constant 256 : i32
      %parallel_loop3A_392 = arith.constant 1 : i32
      scf.for %parallel_loop3A_1068 = %parallel_loop3A to %parallel_loop3A_391 step %parallel_loop3A_392  : i32 {
        %parallel_loop3A_1069 = arith.constant 16 : i32
        %parallel_loop3A_1070 = arith.muli %parallel_loop3A_1068, %parallel_loop3A_1069 : i32
        %parallel_loop3A_1071 = arith.constant 0 : i32
        %parallel_loop3A_1072 = arith.index_cast %parallel_loop3A_1071 : i32 to index
        %parallel_loop3A_1073 = arith.index_cast %parallel_loop3A_1070 : i32 to index
        %parallel_loop3A_1074 = tpu.vector_load %arg6[%parallel_loop3A_1072, %parallel_loop3A_1073] {strides = array<i32>} : memref<8x4096xi32, #tpu.memory_space<vmem>>, vector<16xi32>,
        %parallel_loop3A_1075 = arith.constant 1 : i32
        %parallel_loop3A_1076 = arith.index_cast %parallel_loop3A_1075 : i32 to index
        %parallel_loop3A_1077 = arith.index_cast %parallel_loop3A_1070 : i32 to index
        %parallel_loop3A_1078 = tpu.vector_load %arg6[%parallel_loop3A_1076, %parallel_loop3A_1077] {strides = array<i32>} : memref<8x4096xi32, #tpu.memory_space<vmem>>, vector<16xi32>,
        %parallel_loop3A_1079 = arith.constant 2 : i32
        %parallel_loop3A_1080 = arith.index_cast %parallel_loop3A_1079 : i32 to index
        %parallel_loop3A_1081 = arith.index_cast %parallel_loop3A_1070 : i32 to index
        %parallel_loop3A_1082 = tpu.vector_load %arg6[%parallel_loop3A_1080, %parallel_loop3A_1081] {strides = array<i32>} : memref<8x4096xi32, #tpu.memory_space<vmem>>, vector<16xi32>,
        %parallel_loop3A_1083 = arith.constant 3 : i32
        %parallel_loop3A_1084 = arith.index_cast %parallel_loop3A_1083 : i32 to index
        %parallel_loop3A_1085 = arith.index_cast %parallel_loop3A_1070 : i32 to index
        %parallel_loop3A_1086 = tpu.vector_load %arg6[%parallel_loop3A_1084, %parallel_loop3A_1085] {strides = array<i32>} : memref<8x4096xi32, #tpu.memory_space<vmem>>, vector<16xi32>,
        %parallel_loop3A_1087 = arith.constant 4 : i32
        %parallel_loop3A_1088 = arith.index_cast %parallel_loop3A_1087 : i32 to index
        %parallel_loop3A_1089 = arith.index_cast %parallel_loop3A_1070 : i32 to index
        %parallel_loop3A_1090 = tpu.vector_load %arg6[%parallel_loop3A_1088, %parallel_loop3A_1089] {strides = array<i32>} : memref<8x4096xi32, #tpu.memory_space<vmem>>, vector<16xi32>,
        %parallel_loop3A_1091 = arith.constant 5 : i32
        %parallel_loop3A_1092 = arith.index_cast %parallel_loop3A_1091 : i32 to index
        %parallel_loop3A_1093 = arith.index_cast %parallel_loop3A_1070 : i32 to index
        %parallel_loop3A_1094 = tpu.vector_load %arg6[%parallel_loop3A_1092, %parallel_loop3A_1093] {strides = array<i32>} : memref<8x4096xi32, #tpu.memory_space<vmem>>, vector<16xi32>,
        %parallel_loop3A_1095 = arith.constant 6 : i32
        %parallel_loop3A_1096 = arith.index_cast %parallel_loop3A_1095 : i32 to index
        %parallel_loop3A_1097 = arith.index_cast %parallel_loop3A_1070 : i32 to index
        %parallel_loop3A_1098 = tpu.vector_load %arg6[%parallel_loop3A_1096, %parallel_loop3A_1097] {strides = array<i32>} : memref<8x4096xi32, #tpu.memory_space<vmem>>, vector<16xi32>,
        %parallel_loop3A_1099 = arith.constant 7 : i32
        %parallel_loop3A_1100 = arith.index_cast %parallel_loop3A_1099 : i32 to index
        %parallel_loop3A_1101 = arith.index_cast %parallel_loop3A_1070 : i32 to index
        %parallel_loop3A_1102 = tpu.vector_load %arg6[%parallel_loop3A_1100, %parallel_loop3A_1101] {strides = array<i32>} : memref<8x4096xi32, #tpu.memory_space<vmem>>, vector<16xi32>,
        %parallel_loop3A_1103 = arith.cmpi eq, %parallel_loop3A_1074, %add3A_233 : vector<16xi32>
        %parallel_loop3A_1104 = arith.ori %lt3A_334, %parallel_loop3A_1103 : vector<16xi1>
        %parallel_loop3A_1105 = arith.cmpi eq, %parallel_loop3A_1078, %add3A_247 : vector<16xi32>
        %parallel_loop3A_1106 = arith.ori %lt3A_337, %parallel_loop3A_1105 : vector<16xi1>
        %parallel_loop3A_1107 = arith.andi %parallel_loop3A_1104, %parallel_loop3A_1106 : vector<16xi1>
        %parallel_loop3A_1108 = arith.cmpi eq, %parallel_loop3A_1082, %add3A_261 : vector<16xi32>
        %parallel_loop3A_1109 = arith.ori %lt3A_340, %parallel_loop3A_1108 : vector<16xi1>
        %parallel_loop3A_1110 = arith.andi %parallel_loop3A_1107, %parallel_loop3A_1109 : vector<16xi1>
        %parallel_loop3A_1111 = arith.cmpi eq, %parallel_loop3A_1086, %add3A_275 : vector<16xi32>
        %parallel_loop3A_1112 = arith.ori %lt3A_343, %parallel_loop3A_1111 : vector<16xi1>
        %parallel_loop3A_1113 = arith.andi %parallel_loop3A_1110, %parallel_loop3A_1112 : vector<16xi1>
        %parallel_loop3A_1114 = arith.cmpi eq, %parallel_loop3A_1090, %add3A_289 : vector<16xi32>
        %parallel_loop3A_1115 = arith.ori %lt3A_346, %parallel_loop3A_1114 : vector<16xi1>
        %parallel_loop3A_1116 = arith.andi %parallel_loop3A_1113, %parallel_loop3A_1115 : vector<16xi1>
        %parallel_loop3A_1117 = arith.cmpi eq, %parallel_loop3A_1094, %add3A_303 : vector<16xi32>
        %parallel_loop3A_1118 = arith.ori %lt3A_349, %parallel_loop3A_1117 : vector<16xi1>
        %parallel_loop3A_1119 = arith.andi %parallel_loop3A_1116, %parallel_loop3A_1118 : vector<16xi1>
        %parallel_loop3A_1120 = arith.cmpi eq, %parallel_loop3A_1098, %add3A_317 : vector<16xi32>
        %parallel_loop3A_1121 = arith.ori %lt3A_352, %parallel_loop3A_1120 : vector<16xi1>
        %parallel_loop3A_1122 = arith.andi %parallel_loop3A_1119, %parallel_loop3A_1121 : vector<16xi1>
        %parallel_loop3A_1123 = arith.cmpi eq, %parallel_loop3A_1102, %add3A_331 : vector<16xi32>
        %parallel_loop3A_1124 = arith.ori %lt3A_355, %parallel_loop3A_1123 : vector<16xi1>
        %parallel_loop3A_1125 = arith.andi %parallel_loop3A_1122, %parallel_loop3A_1124 : vector<16xi1>
        %parallel_loop3A_1126 = arith.index_cast %parallel_loop3A_1070 : i32 to index
        %parallel_loop3A_1127 = tpu.vector_load %arg8[%parallel_loop3A_1126] {strides = array<i32>} : memref<4096xi32, #tpu.memory_space<vmem>>, vector<16xi32>,
        tpu.vector_store_idx %arg11[%parallel_loop3A_1127], %broadcast_in_dim3A_5 masked %parallel_loop3A_1125 {add = true} : memref<32xf32, #tpu.memory_space<vmem>>[vector<16xi32>], vector<16xf32>, vector<16xi1>
        %parallel_loop3A_1128 = arith.constant 0 : i32
        %parallel_loop3A_1129 = vector.broadcast %parallel_loop3A_1128 : i32 to vector<16xi32>
        %parallel_loop3A_1130 = arith.addi %parallel_loop3A_1074, %parallel_loop3A_1129 : vector<16xi32>
        tpu.vector_store_idx %arg12[%parallel_loop3A_1130], %broadcast_in_dim3A_5 masked %parallel_loop3A_1125 : memref<256xf32, #tpu.memory_space<vmem>>[vector<16xi32>], vector<16xf32>, vector<16xi1>
        %parallel_loop3A_1131 = arith.constant 32 : i32
        %parallel_loop3A_1132 = vector.broadcast %parallel_loop3A_1131 : i32 to vector<16xi32>
        %parallel_loop3A_1133 = arith.addi %parallel_loop3A_1078, %parallel_loop3A_1132 : vector<16xi32>
        tpu.vector_store_idx %arg12[%parallel_loop3A_1133], %broadcast_in_dim3A_5 masked %parallel_loop3A_1125 : memref<256xf32, #tpu.memory_space<vmem>>[vector<16xi32>], vector<16xf32>, vector<16xi1>
        %parallel_loop3A_1134 = arith.constant 64 : i32
        %parallel_loop3A_1135 = vector.broadcast %parallel_loop3A_1134 : i32 to vector<16xi32>
        %parallel_loop3A_1136 = arith.addi %parallel_loop3A_1082, %parallel_loop3A_1135 : vector<16xi32>
        tpu.vector_store_idx %arg12[%parallel_loop3A_1136], %broadcast_in_dim3A_5 masked %parallel_loop3A_1125 : memref<256xf32, #tpu.memory_space<vmem>>[vector<16xi32>], vector<16xf32>, vector<16xi1>
        %parallel_loop3A_1137 = arith.constant 96 : i32
        %parallel_loop3A_1138 = vector.broadcast %parallel_loop3A_1137 : i32 to vector<16xi32>
        %parallel_loop3A_1139 = arith.addi %parallel_loop3A_1086, %parallel_loop3A_1138 : vector<16xi32>
        tpu.vector_store_idx %arg12[%parallel_loop3A_1139], %broadcast_in_dim3A_5 masked %parallel_loop3A_1125 : memref<256xf32, #tpu.memory_space<vmem>>[vector<16xi32>], vector<16xf32>, vector<16xi1>
        %parallel_loop3A_1140 = arith.constant 128 : i32
        %parallel_loop3A_1141 = vector.broadcast %parallel_loop3A_1140 : i32 to vector<16xi32>
        %parallel_loop3A_1142 = arith.addi %parallel_loop3A_1090, %parallel_loop3A_1141 : vector<16xi32>
        tpu.vector_store_idx %arg12[%parallel_loop3A_1142], %broadcast_in_dim3A_5 masked %parallel_loop3A_1125 : memref<256xf32, #tpu.memory_space<vmem>>[vector<16xi32>], vector<16xf32>, vector<16xi1>
        %parallel_loop3A_1143 = arith.constant 160 : i32
        %parallel_loop3A_1144 = vector.broadcast %parallel_loop3A_1143 : i32 to vector<16xi32>
        %parallel_loop3A_1145 = arith.addi %parallel_loop3A_1094, %parallel_loop3A_1144 : vector<16xi32>
        tpu.vector_store_idx %arg12[%parallel_loop3A_1145], %broadcast_in_dim3A_5 masked %parallel_loop3A_1125 : memref<256xf32, #tpu.memory_space<vmem>>[vector<16xi32>], vector<16xf32>, vector<16xi1>
        %parallel_loop3A_1146 = arith.constant 192 : i32
        %parallel_loop3A_1147 = vector.broadcast %parallel_loop3A_1146 : i32 to vector<16xi32>
        %parallel_loop3A_1148 = arith.addi %parallel_loop3A_1098, %parallel_loop3A_1147 : vector<16xi32>
        tpu.vector_store_idx %arg12[%parallel_loop3A_1148], %broadcast_in_dim3A_5 masked %parallel_loop3A_1125 : memref<256xf32, #tpu.memory_space<vmem>>[vector<16xi32>], vector<16xf32>, vector<16xi1>
        %parallel_loop3A_1149 = arith.constant 224 : i32
        %parallel_loop3A_1150 = vector.broadcast %parallel_loop3A_1149 : i32 to vector<16xi32>
        %parallel_loop3A_1151 = arith.addi %parallel_loop3A_1102, %parallel_loop3A_1150 : vector<16xi32>
        tpu.vector_store_idx %arg12[%parallel_loop3A_1151], %broadcast_in_dim3A_5 masked %parallel_loop3A_1125 : memref<256xf32, #tpu.memory_space<vmem>>[vector<16xi32>], vector<16xf32>, vector<16xi1>
      } {sc.loop_unroll_factor = 4 : i64, sc.parallel_access}
      %get3A_393 = arith.constant 0 : index
      %get3A_394 = tpu.vector_load %arg11[%get3A_393] {strides = array<i32>} : memref<32xf32, #tpu.memory_space<vmem>>, vector<16xf32>,
      %mul3A_395 = arith.mulf %get3A_394, %select_n3A_219 : vector<16xf32>
      %swap3A_396 = arith.constant 0 : index
      %swap3A_397 = tpu.vector_load %arg13[%swap3A_396] {strides = array<i32>} : memref<64xf32, #tpu.memory_space<vmem>>, vector<16xf32>,
      tpu.vector_store %arg13[%swap3A_396], %mul3A_395 {strides = array<i32>} : memref<64xf32, #tpu.memory_space<vmem>>, vector<16xf32>,
      %get3A_398 = arith.constant 16 : index
      %get3A_399 = tpu.vector_load %arg11[%get3A_398] {strides = array<i32>} : memref<32xf32, #tpu.memory_space<vmem>>, vector<16xf32>,
      %mul3A_400 = arith.mulf %get3A_399, %select_n3A_219 : vector<16xf32>
      %swap3A_401 = arith.constant 16 : index
      %swap3A_402 = tpu.vector_load %arg13[%swap3A_401] {strides = array<i32>} : memref<64xf32, #tpu.memory_space<vmem>>, vector<16xf32>,
      tpu.vector_store %arg13[%swap3A_401], %mul3A_400 {strides = array<i32>} : memref<64xf32, #tpu.memory_space<vmem>>, vector<16xf32>,
      %broadcast_in_dim3A_403 = arith.constant 0.000000e+00 : f32
      %broadcast_in_dim3A_404 = vector.broadcast %broadcast_in_dim3A_403 : f32 to vector<16xf32>
      %get3A_405 = arith.constant 0 : index
      %get3A_406 = tpu.vector_load %arg12[%get3A_405] {strides = array<i32>} : memref<256xf32, #tpu.memory_space<vmem>>, vector<16xf32>,
      %get3A_407 = arith.constant 16 : index
      %get3A_408 = tpu.vector_load %arg12[%get3A_407] {strides = array<i32>} : memref<256xf32, #tpu.memory_space<vmem>>, vector<16xf32>,
      %add3A_409 = arith.addf %get3A_406, %get3A_408 : vector<16xf32>
      %reduce_sum3A_410 = arith.constant true
      %reduce_sum3A_411 = vector.broadcast %reduce_sum3A_410 : i1 to vector<16xi1>
      %reduce_sum3A_412 = tpu.scan <sum>, %add3A_409 masked %reduce_sum3A_411 : vector<16xf32>, vector<16xi1> -> vector<16xf32>
      %reduce_sum3A_413 = vector.extract %reduce_sum3A_412[15] : f32 from vector<16xf32>
      %eq3A_414 = arith.constant 0 : i32
      %eq3A_415 = vector.broadcast %eq3A_414 : i32 to vector<16xi32>
      %eq3A_416 = arith.cmpi eq, %iota3A, %eq3A_415 : vector<16xi32>
      %jit3A_417 = arith.constant 0.000000e+00 : f32
      %broadcast_in_dim3A_418 = vector.broadcast %reduce_sum3A_413 : f32 to vector<16xf32>
      %broadcast_in_dim3A_419 = vector.broadcast %jit3A_417 : f32 to vector<16xf32>
      %select_n3A_420 = arith.select %eq3A_416, %broadcast_in_dim3A_418, %broadcast_in_dim3A_419 : vector<16xi1>, vector<16xf32>
      %add3A_421 = arith.addf %broadcast_in_dim3A_404, %select_n3A_420 : vector<16xf32>
      %get3A_422 = arith.constant 32 : index
      %get3A_423 = tpu.vector_load %arg12[%get3A_422] {strides = array<i32>} : memref<256xf32, #tpu.memory_space<vmem>>, vector<16xf32>,
      %get3A_424 = arith.constant 48 : index
      %get3A_425 = tpu.vector_load %arg12[%get3A_424] {strides = array<i32>} : memref<256xf32, #tpu.memory_space<vmem>>, vector<16xf32>,
      %add3A_426 = arith.addf %get3A_423, %get3A_425 : vector<16xf32>
      %reduce_sum3A_427 = arith.constant true
      %reduce_sum3A_428 = vector.broadcast %reduce_sum3A_427 : i1 to vector<16xi1>
      %reduce_sum3A_429 = tpu.scan <sum>, %add3A_426 masked %reduce_sum3A_428 : vector<16xf32>, vector<16xi1> -> vector<16xf32>
      %reduce_sum3A_430 = vector.extract %reduce_sum3A_429[15] : f32 from vector<16xf32>
      %eq3A_431 = arith.constant 1 : i32
      %eq3A_432 = vector.broadcast %eq3A_431 : i32 to vector<16xi32>
      %eq3A_433 = arith.cmpi eq, %iota3A, %eq3A_432 : vector<16xi32>
      %jit3A_434 = arith.constant 0.000000e+00 : f32
      %broadcast_in_dim3A_435 = vector.broadcast %reduce_sum3A_430 : f32 to vector<16xf32>
      %broadcast_in_dim3A_436 = vector.broadcast %jit3A_434 : f32 to vector<16xf32>
      %select_n3A_437 = arith.select %eq3A_433, %broadcast_in_dim3A_435, %broadcast_in_dim3A_436 : vector<16xi1>, vector<16xf32>
      %add3A_438 = arith.addf %add3A_421, %select_n3A_437 : vector<16xf32>
      %get3A_439 = arith.constant 64 : index
      %get3A_440 = tpu.vector_load %arg12[%get3A_439] {strides = array<i32>} : memref<256xf32, #tpu.memory_space<vmem>>, vector<16xf32>,
      %get3A_441 = arith.constant 80 : index
      %get3A_442 = tpu.vector_load %arg12[%get3A_441] {strides = array<i32>} : memref<256xf32, #tpu.memory_space<vmem>>, vector<16xf32>,
      %add3A_443 = arith.addf %get3A_440, %get3A_442 : vector<16xf32>
      %reduce_sum3A_444 = arith.constant true
      %reduce_sum3A_445 = vector.broadcast %reduce_sum3A_444 : i1 to vector<16xi1>
      %reduce_sum3A_446 = tpu.scan <sum>, %add3A_443 masked %reduce_sum3A_445 : vector<16xf32>, vector<16xi1> -> vector<16xf32>
      %reduce_sum3A_447 = vector.extract %reduce_sum3A_446[15] : f32 from vector<16xf32>
      %eq3A_448 = arith.constant 2 : i32
      %eq3A_449 = vector.broadcast %eq3A_448 : i32 to vector<16xi32>
      %eq3A_450 = arith.cmpi eq, %iota3A, %eq3A_449 : vector<16xi32>
      %jit3A_451 = arith.constant 0.000000e+00 : f32
      %broadcast_in_dim3A_452 = vector.broadcast %reduce_sum3A_447 : f32 to vector<16xf32>
      %broadcast_in_dim3A_453 = vector.broadcast %jit3A_451 : f32 to vector<16xf32>
      %select_n3A_454 = arith.select %eq3A_450, %broadcast_in_dim3A_452, %broadcast_in_dim3A_453 : vector<16xi1>, vector<16xf32>
      %add3A_455 = arith.addf %add3A_438, %select_n3A_454 : vector<16xf32>
      %get3A_456 = arith.constant 96 : index
      %get3A_457 = tpu.vector_load %arg12[%get3A_456] {strides = array<i32>} : memref<256xf32, #tpu.memory_space<vmem>>, vector<16xf32>,
      %get3A_458 = arith.constant 112 : index
      %get3A_459 = tpu.vector_load %arg12[%get3A_458] {strides = array<i32>} : memref<256xf32, #tpu.memory_space<vmem>>, vector<16xf32>,
      %add3A_460 = arith.addf %get3A_457, %get3A_459 : vector<16xf32>
      %reduce_sum3A_461 = arith.constant true
      %reduce_sum3A_462 = vector.broadcast %reduce_sum3A_461 : i1 to vector<16xi1>
      %reduce_sum3A_463 = tpu.scan <sum>, %add3A_460 masked %reduce_sum3A_462 : vector<16xf32>, vector<16xi1> -> vector<16xf32>
      %reduce_sum3A_464 = vector.extract %reduce_sum3A_463[15] : f32 from vector<16xf32>
      %eq3A_465 = arith.constant 3 : i32
      %eq3A_466 = vector.broadcast %eq3A_465 : i32 to vector<16xi32>
      %eq3A_467 = arith.cmpi eq, %iota3A, %eq3A_466 : vector<16xi32>
      %jit3A_468 = arith.constant 0.000000e+00 : f32
      %broadcast_in_dim3A_469 = vector.broadcast %reduce_sum3A_464 : f32 to vector<16xf32>
      %broadcast_in_dim3A_470 = vector.broadcast %jit3A_468 : f32 to vector<16xf32>
      %select_n3A_471 = arith.select %eq3A_467, %broadcast_in_dim3A_469, %broadcast_in_dim3A_470 : vector<16xi1>, vector<16xf32>
      %add3A_472 = arith.addf %add3A_455, %select_n3A_471 : vector<16xf32>
      %get3A_473 = arith.constant 128 : index
      %get3A_474 = tpu.vector_load %arg12[%get3A_473] {strides = array<i32>} : memref<256xf32, #tpu.memory_space<vmem>>, vector<16xf32>,
      %get3A_475 = arith.constant 144 : index
      %get3A_476 = tpu.vector_load %arg12[%get3A_475] {strides = array<i32>} : memref<256xf32, #tpu.memory_space<vmem>>, vector<16xf32>,
      %add3A_477 = arith.addf %get3A_474, %get3A_476 : vector<16xf32>
      %reduce_sum3A_478 = arith.constant true
      %reduce_sum3A_479 = vector.broadcast %reduce_sum3A_478 : i1 to vector<16xi1>
      %reduce_sum3A_480 = tpu.scan <sum>, %add3A_477 masked %reduce_sum3A_479 : vector<16xf32>, vector<16xi1> -> vector<16xf32>
      %reduce_sum3A_481 = vector.extract %reduce_sum3A_480[15] : f32 from vector<16xf32>
      %eq3A_482 = arith.constant 4 : i32
      %eq3A_483 = vector.broadcast %eq3A_482 : i32 to vector<16xi32>
      %eq3A_484 = arith.cmpi eq, %iota3A, %eq3A_483 : vector<16xi32>
      %jit3A_485 = arith.constant 0.000000e+00 : f32
      %broadcast_in_dim3A_486 = vector.broadcast %reduce_sum3A_481 : f32 to vector<16xf32>
      %broadcast_in_dim3A_487 = vector.broadcast %jit3A_485 : f32 to vector<16xf32>
      %select_n3A_488 = arith.select %eq3A_484, %broadcast_in_dim3A_486, %broadcast_in_dim3A_487 : vector<16xi1>, vector<16xf32>
      %add3A_489 = arith.addf %add3A_472, %select_n3A_488 : vector<16xf32>
      %get3A_490 = arith.constant 160 : index
      %get3A_491 = tpu.vector_load %arg12[%get3A_490] {strides = array<i32>} : memref<256xf32, #tpu.memory_space<vmem>>, vector<16xf32>,
      %get3A_492 = arith.constant 176 : index
      %get3A_493 = tpu.vector_load %arg12[%get3A_492] {strides = array<i32>} : memref<256xf32, #tpu.memory_space<vmem>>, vector<16xf32>,
      %add3A_494 = arith.addf %get3A_491, %get3A_493 : vector<16xf32>
      %reduce_sum3A_495 = arith.constant true
      %reduce_sum3A_496 = vector.broadcast %reduce_sum3A_495 : i1 to vector<16xi1>
      %reduce_sum3A_497 = tpu.scan <sum>, %add3A_494 masked %reduce_sum3A_496 : vector<16xf32>, vector<16xi1> -> vector<16xf32>
      %reduce_sum3A_498 = vector.extract %reduce_sum3A_497[15] : f32 from vector<16xf32>
      %eq3A_499 = arith.constant 5 : i32
      %eq3A_500 = vector.broadcast %eq3A_499 : i32 to vector<16xi32>
      %eq3A_501 = arith.cmpi eq, %iota3A, %eq3A_500 : vector<16xi32>
      %jit3A_502 = arith.constant 0.000000e+00 : f32
      %broadcast_in_dim3A_503 = vector.broadcast %reduce_sum3A_498 : f32 to vector<16xf32>
      %broadcast_in_dim3A_504 = vector.broadcast %jit3A_502 : f32 to vector<16xf32>
      %select_n3A_505 = arith.select %eq3A_501, %broadcast_in_dim3A_503, %broadcast_in_dim3A_504 : vector<16xi1>, vector<16xf32>
      %add3A_506 = arith.addf %add3A_489, %select_n3A_505 : vector<16xf32>
      %get3A_507 = arith.constant 192 : index
      %get3A_508 = tpu.vector_load %arg12[%get3A_507] {strides = array<i32>} : memref<256xf32, #tpu.memory_space<vmem>>, vector<16xf32>,
      %get3A_509 = arith.constant 208 : index
      %get3A_510 = tpu.vector_load %arg12[%get3A_509] {strides = array<i32>} : memref<256xf32, #tpu.memory_space<vmem>>, vector<16xf32>,
      %add3A_511 = arith.addf %get3A_508, %get3A_510 : vector<16xf32>
      %reduce_sum3A_512 = arith.constant true
      %reduce_sum3A_513 = vector.broadcast %reduce_sum3A_512 : i1 to vector<16xi1>
      %reduce_sum3A_514 = tpu.scan <sum>, %add3A_511 masked %reduce_sum3A_513 : vector<16xf32>, vector<16xi1> -> vector<16xf32>
      %reduce_sum3A_515 = vector.extract %reduce_sum3A_514[15] : f32 from vector<16xf32>
      %eq3A_516 = arith.constant 6 : i32
      %eq3A_517 = vector.broadcast %eq3A_516 : i32 to vector<16xi32>
      %eq3A_518 = arith.cmpi eq, %iota3A, %eq3A_517 : vector<16xi32>
      %jit3A_519 = arith.constant 0.000000e+00 : f32
      %broadcast_in_dim3A_520 = vector.broadcast %reduce_sum3A_515 : f32 to vector<16xf32>
      %broadcast_in_dim3A_521 = vector.broadcast %jit3A_519 : f32 to vector<16xf32>
      %select_n3A_522 = arith.select %eq3A_518, %broadcast_in_dim3A_520, %broadcast_in_dim3A_521 : vector<16xi1>, vector<16xf32>
      %add3A_523 = arith.addf %add3A_506, %select_n3A_522 : vector<16xf32>
      %get3A_524 = arith.constant 224 : index
      %get3A_525 = tpu.vector_load %arg12[%get3A_524] {strides = array<i32>} : memref<256xf32, #tpu.memory_space<vmem>>, vector<16xf32>,
      %get3A_526 = arith.constant 240 : index
      %get3A_527 = tpu.vector_load %arg12[%get3A_526] {strides = array<i32>} : memref<256xf32, #tpu.memory_space<vmem>>, vector<16xf32>,
      %add3A_528 = arith.addf %get3A_525, %get3A_527 : vector<16xf32>
      %reduce_sum3A_529 = arith.constant true
      %reduce_sum3A_530 = vector.broadcast %reduce_sum3A_529 : i1 to vector<16xi1>
      %reduce_sum3A_531 = tpu.scan <sum>, %add3A_528 masked %reduce_sum3A_530 : vector<16xf32>, vector<16xi1> -> vector<16xf32>
      %reduce_sum3A_532 = vector.extract %reduce_sum3A_531[15] : f32 from vector<16xf32>
      %eq3A_533 = arith.constant 7 : i32
      %eq3A_534 = vector.broadcast %eq3A_533 : i32 to vector<16xi32>
      %eq3A_535 = arith.cmpi eq, %iota3A, %eq3A_534 : vector<16xi32>
      %jit3A_536 = arith.constant 0.000000e+00 : f32
      %broadcast_in_dim3A_537 = vector.broadcast %reduce_sum3A_532 : f32 to vector<16xf32>
      %broadcast_in_dim3A_538 = vector.broadcast %jit3A_536 : f32 to vector<16xf32>
      %select_n3A_539 = arith.select %eq3A_535, %broadcast_in_dim3A_537, %broadcast_in_dim3A_538 : vector<16xi1>, vector<16xf32>
      %add3A_540 = arith.addf %add3A_523, %select_n3A_539 : vector<16xf32>
      %mul3A_541 = arith.mulf %add3A_540, %select_n3A_219 : vector<16xf32>
      %swap3A_542 = arith.constant 32 : index
      %swap3A_543 = tpu.vector_load %arg13[%swap3A_542] {strides = array<i32>} : memref<64xf32, #tpu.memory_space<vmem>>, vector<16xf32>,
      tpu.vector_store %arg13[%swap3A_542], %mul3A_541 {strides = array<i32>} : memref<64xf32, #tpu.memory_space<vmem>>, vector<16xf32>,
      %swap3A_544 = arith.constant 48 : index
      %swap3A_545 = tpu.vector_load %arg13[%swap3A_544] {strides = array<i32>} : memref<64xf32, #tpu.memory_space<vmem>>, vector<16xf32>,
      tpu.vector_store %arg13[%swap3A_544], %broadcast_in_dim3A_7 {strides = array<i32>} : memref<64xf32, #tpu.memory_space<vmem>>, vector<16xf32>,
      "tpu.region"() ({
        %run_scoped3A = tpu.sem_alloc : memref<!tpu.dma_semaphore, #tpu.memory_space<semaphore_mem>>
        %dma_start3A_1068 = arith.constant 0 : i32
        %dma_start3A_1069 = tpu.memref_slice %arg5[%add3A_59, %dma_start3A_1068] : memref<1024x64xf32, #tpu.memory_space<hbm>> -> memref<1x64xf32, #tpu.memory_space<hbm>>
        %dma_start3A_1070 = tpu.memref_squeeze %dma_start3A_1069 : memref<1x64xf32, #tpu.memory_space<hbm>> -> memref<64xf32, #tpu.memory_space<hbm>>
        %dma_start3A_1071 = arith.constant 0 : i32
        %dma_start3A_1072 = tpu.memref_slice %arg5[%add3A_59, %dma_start3A_1071] : memref<1024x64xf32, #tpu.memory_space<hbm>> -> memref<1x64xf32, #tpu.memory_space<hbm>>
        %dma_start3A_1073 = tpu.memref_squeeze %dma_start3A_1072 : memref<1x64xf32, #tpu.memory_space<hbm>> -> memref<64xf32, #tpu.memory_space<hbm>>
        tpu.enqueue_dma source(%arg13 : memref<64xf32, #tpu.memory_space<vmem>>) target(%dma_start3A_1073 : memref<64xf32, #tpu.memory_space<hbm>>) target_semaphore(%run_scoped3A : memref<!tpu.dma_semaphore, #tpu.memory_space<semaphore_mem>>)
        %dma_wait3A_1074 = arith.constant 0 : i32
        %dma_wait3A_1075 = tpu.memref_slice %arg5[%add3A_59, %dma_wait3A_1074] : memref<1024x64xf32, #tpu.memory_space<hbm>> -> memref<1x64xf32, #tpu.memory_space<hbm>>
        %dma_wait3A_1076 = tpu.memref_squeeze %dma_wait3A_1075 : memref<1x64xf32, #tpu.memory_space<hbm>> -> memref<64xf32, #tpu.memory_space<hbm>>
        %dma_wait3A_1077 = arith.constant 0 : i32
        %dma_wait3A_1078 = tpu.memref_slice %arg5[%add3A_59, %dma_wait3A_1077] : memref<1024x64xf32, #tpu.memory_space<hbm>> -> memref<1x64xf32, #tpu.memory_space<hbm>>
        %dma_wait3A_1079 = tpu.memref_squeeze %dma_wait3A_1078 : memref<1x64xf32, #tpu.memory_space<hbm>> -> memref<64xf32, #tpu.memory_space<hbm>>
        tpu.wait_dma2 semaphore(%run_scoped3A : memref<!tpu.dma_semaphore, #tpu.memory_space<semaphore_mem>>) src(%arg13 : memref<64xf32, #tpu.memory_space<vmem>>) dst(%dma_wait3A_1079 : memref<64xf32, #tpu.memory_space<hbm>>)
        tpu.yield
      }) : () -> ()
      %lt3A_546 = arith.constant 15 : i32
      %lt3A_547 = arith.cmpi slt, %scan3A_26, %lt3A_546 : i32
      %convert_element_type3A = arith.extui %lt3A_547 : i1 to i32
      %cond3A = arith.constant 0 : i32
      %cond3A_548 = arith.cmpi ne, %convert_element_type3A, %cond3A : i32
      scf.if %cond3A_548 {
        %add3A_1068 = arith.constant 2 : i32
        %add3A_1069 = arith.addi %add3A_29, %add3A_1068 : i32
        %dma_start3A_1070 = arith.constant 0 : i32
        %dma_start3A_1071 = arith.constant 0 : i32
        %dma_start3A_1072 = tpu.memref_slice %arg2[%add3A_1069, %dma_start3A_1070, %dma_start3A_1071] : memref<1024x8x4096xi32, #tpu.memory_space<hbm>> -> memref<1x8x4096xi32, #tpu.memory_space<hbm>>
        %dma_start3A_1073 = tpu.memref_squeeze %dma_start3A_1072 : memref<1x8x4096xi32, #tpu.memory_space<hbm>> -> memref<8x4096xi32, #tpu.memory_space<hbm>>
        %dma_start3A_1074 = arith.constant 0 : i32
        %dma_start3A_1075 = arith.constant 0 : i32
        %dma_start3A_1076 = tpu.memref_slice %arg2[%add3A_1069, %dma_start3A_1074, %dma_start3A_1075] : memref<1024x8x4096xi32, #tpu.memory_space<hbm>> -> memref<1x8x4096xi32, #tpu.memory_space<hbm>>
        %dma_start3A_1077 = tpu.memref_squeeze %dma_start3A_1076 : memref<1x8x4096xi32, #tpu.memory_space<hbm>> -> memref<8x4096xi32, #tpu.memory_space<hbm>>
        tpu.enqueue_dma source(%dma_start3A_1077 : memref<8x4096xi32, #tpu.memory_space<hbm>>) target(%arg6 : memref<8x4096xi32, #tpu.memory_space<vmem>>) target_semaphore(%arg14 : memref<!tpu.dma_semaphore, #tpu.memory_space<semaphore_mem>>)
        %dma_start3A_1078 = arith.constant 0 : i32
        %dma_start3A_1079 = tpu.memref_slice %arg3[%add3A_1069, %dma_start3A_1078] : memref<1024x4096xi32, #tpu.memory_space<hbm>> -> memref<1x4096xi32, #tpu.memory_space<hbm>>
        %dma_start3A_1080 = tpu.memref_squeeze %dma_start3A_1079 : memref<1x4096xi32, #tpu.memory_space<hbm>> -> memref<4096xi32, #tpu.memory_space<hbm>>
        %dma_start3A_1081 = arith.constant 0 : i32
        %dma_start3A_1082 = tpu.memref_slice %arg3[%add3A_1069, %dma_start3A_1081] : memref<1024x4096xi32, #tpu.memory_space<hbm>> -> memref<1x4096xi32, #tpu.memory_space<hbm>>
        %dma_start3A_1083 = tpu.memref_squeeze %dma_start3A_1082 : memref<1x4096xi32, #tpu.memory_space<hbm>> -> memref<4096xi32, #tpu.memory_space<hbm>>
        tpu.enqueue_dma source(%dma_start3A_1083 : memref<4096xi32, #tpu.memory_space<hbm>>) target(%arg8 : memref<4096xi32, #tpu.memory_space<vmem>>) target_semaphore(%arg14 : memref<!tpu.dma_semaphore, #tpu.memory_space<semaphore_mem>>)
      } else {
      }
      %add3A_549 = arith.constant 1 : i32
      %add3A_550 = arith.addi %add3A_29, %add3A_549 : i32
      %dma_wait3A_551 = arith.constant 0 : i32
      %dma_wait3A_552 = arith.constant 0 : i32
      %dma_wait3A_553 = tpu.memref_slice %arg2[%add3A_550, %dma_wait3A_551, %dma_wait3A_552] : memref<1024x8x4096xi32, #tpu.memory_space<hbm>> -> memref<1x8x4096xi32, #tpu.memory_space<hbm>>
      %dma_wait3A_554 = tpu.memref_squeeze %dma_wait3A_553 : memref<1x8x4096xi32, #tpu.memory_space<hbm>> -> memref<8x4096xi32, #tpu.memory_space<hbm>>
      %dma_wait3A_555 = arith.constant 0 : i32
      %dma_wait3A_556 = arith.constant 0 : i32
      %dma_wait3A_557 = tpu.memref_slice %arg2[%add3A_550, %dma_wait3A_555, %dma_wait3A_556] : memref<1024x8x4096xi32, #tpu.memory_space<hbm>> -> memref<1x8x4096xi32, #tpu.memory_space<hbm>>
      %dma_wait3A_558 = tpu.memref_squeeze %dma_wait3A_557 : memref<1x8x4096xi32, #tpu.memory_space<hbm>> -> memref<8x4096xi32, #tpu.memory_space<hbm>>
      tpu.wait_dma2 semaphore(%arg15 : memref<!tpu.dma_semaphore, #tpu.memory_space<semaphore_mem>>) src(%dma_wait3A_558 : memref<8x4096xi32, #tpu.memory_space<hbm>>) dst(%arg7 : memref<8x4096xi32, #tpu.memory_space<vmem>>)
      %dma_wait3A_559 = arith.constant 0 : i32
      %dma_wait3A_560 = tpu.memref_slice %arg3[%add3A_550, %dma_wait3A_559] : memref<1024x4096xi32, #tpu.memory_space<hbm>> -> memref<1x4096xi32, #tpu.memory_space<hbm>>
      %dma_wait3A_561 = tpu.memref_squeeze %dma_wait3A_560 : memref<1x4096xi32, #tpu.memory_space<hbm>> -> memref<4096xi32, #tpu.memory_space<hbm>>
      %dma_wait3A_562 = arith.constant 0 : i32
      %dma_wait3A_563 = tpu.memref_slice %arg3[%add3A_550, %dma_wait3A_562] : memref<1024x4096xi32, #tpu.memory_space<hbm>> -> memref<1x4096xi32, #tpu.memory_space<hbm>>
      %dma_wait3A_564 = tpu.memref_squeeze %dma_wait3A_563 : memref<1x4096xi32, #tpu.memory_space<hbm>> -> memref<4096xi32, #tpu.memory_space<hbm>>
      tpu.wait_dma2 semaphore(%arg15 : memref<!tpu.dma_semaphore, #tpu.memory_space<semaphore_mem>>) src(%dma_wait3A_564 : memref<4096xi32, #tpu.memory_space<hbm>>) dst(%arg9 : memref<4096xi32, #tpu.memory_space<vmem>>)
      %add3A_565 = arith.constant 1 : i32
      %add3A_566 = arith.addi %mul3A_28, %add3A_565 : i32
      %add3A_567 = arith.addi %mul3A_2, %add3A_566 : i32
      %mul3A_568 = arith.constant 16 : i32
      %mul3A_569 = arith.muli %add3A_566, %mul3A_568 : i32
      %get3A_570 = arith.index_cast %mul3A_569 : i32 to index
      %get3A_571 = tpu.vector_load %arg10[%get3A_570] {strides = array<i32>} : memref<512xi32, #tpu.memory_space<vmem>>, vector<16xi32>,
      %eq3A_572 = arith.constant 0 : i32
      %eq3A_573 = vector.broadcast %eq3A_572 : i32 to vector<16xi32>
      %eq3A_574 = arith.cmpi eq, %iota3A, %eq3A_573 : vector<16xi32>
      %eq3A_575 = arith.constant 0 : i32
      %eq3A_576 = vector.broadcast %eq3A_575 : i32 to vector<16xi32>
      %eq3A_577 = arith.cmpi eq, %iota3A, %eq3A_576 : vector<16xi32>
      %jit3A_578 = arith.constant 0 : i32
      %broadcast_in_dim3A_579 = vector.broadcast %jit3A_578 : i32 to vector<16xi32>
      %select_n3A_580 = arith.select %eq3A_577, %get3A_571, %broadcast_in_dim3A_579 : vector<16xi1>, vector<16xi32>
      %reduce_sum3A_581 = arith.constant true
      %reduce_sum3A_582 = vector.broadcast %reduce_sum3A_581 : i1 to vector<16xi1>
      %reduce_sum3A_583 = tpu.scan <sum>, %select_n3A_580 masked %reduce_sum3A_582 : vector<16xi32>, vector<16xi1> -> vector<16xi32>
      %reduce_sum3A_584 = vector.extract %reduce_sum3A_583[15] : i32 from vector<16xi32>
      %jit3A_585 = arith.constant -1 : i32
      %broadcast_in_dim3A_586 = vector.broadcast %reduce_sum3A_584 : i32 to vector<16xi32>
      %broadcast_in_dim3A_587 = vector.broadcast %jit3A_585 : i32 to vector<16xi32>
      %select_n3A_588 = arith.select %eq3A_574, %broadcast_in_dim3A_586, %broadcast_in_dim3A_587 : vector<16xi1>, vector<16xi32>
      %broadcast_in_dim3A_589 = arith.constant false
      %broadcast_in_dim3A_590 = vector.broadcast %broadcast_in_dim3A_589 : i1 to vector<16xi1>
      %eq3A_591 = arith.constant 1 : i32
      %eq3A_592 = vector.broadcast %eq3A_591 : i32 to vector<16xi32>
      %eq3A_593 = arith.cmpi eq, %iota3A, %eq3A_592 : vector<16xi32>
      %jit3A_594 = arith.constant 0 : i32
      %broadcast_in_dim3A_595 = vector.broadcast %jit3A_594 : i32 to vector<16xi32>
      %select_n3A_596 = arith.select %eq3A_593, %get3A_571, %broadcast_in_dim3A_595 : vector<16xi1>, vector<16xi32>
      %reduce_sum3A_597 = arith.constant true
      %reduce_sum3A_598 = vector.broadcast %reduce_sum3A_597 : i1 to vector<16xi1>
      %reduce_sum3A_599 = tpu.scan <sum>, %select_n3A_596 masked %reduce_sum3A_598 : vector<16xi32>, vector<16xi1> -> vector<16xi32>
      %reduce_sum3A_600 = vector.extract %reduce_sum3A_599[15] : i32 from vector<16xi32>
      %eq3A_601 = arith.constant 5 : i32
      %eq3A_602 = vector.broadcast %eq3A_601 : i32 to vector<16xi32>
      %eq3A_603 = arith.cmpi eq, %iota3A, %eq3A_602 : vector<16xi32>
      %jit3A_604 = arith.constant 0 : i32
      %broadcast_in_dim3A_605 = vector.broadcast %jit3A_604 : i32 to vector<16xi32>
      %select_n3A_606 = arith.select %eq3A_603, %get3A_571, %broadcast_in_dim3A_605 : vector<16xi1>, vector<16xi32>
      %reduce_sum3A_607 = arith.constant true
      %reduce_sum3A_608 = vector.broadcast %reduce_sum3A_607 : i1 to vector<16xi1>
      %reduce_sum3A_609 = tpu.scan <sum>, %select_n3A_606 masked %reduce_sum3A_608 : vector<16xi32>, vector<16xi1> -> vector<16xi32>
      %reduce_sum3A_610 = vector.extract %reduce_sum3A_609[15] : i32 from vector<16xi32>
      %eq3A_611 = vector.broadcast %reduce_sum3A_600 : i32 to vector<16xi32>
      %eq3A_612 = arith.cmpi eq, %iota3A, %eq3A_611 : vector<16xi32>
      %ge3A_613 = arith.constant 0 : i32
      %ge3A_614 = vector.broadcast %ge3A_613 : i32 to vector<16xi32>
      %ge3A_615 = arith.cmpi sge, %select_n3A_588, %ge3A_614 : vector<16xi32>
      %and3A_616 = arith.andi %eq3A_612, %ge3A_615 : vector<16xi1>
      %ne3A_617 = vector.broadcast %reduce_sum3A_610 : i32 to vector<16xi32>
      %ne3A_618 = arith.cmpi ne, %select_n3A_588, %ne3A_617 : vector<16xi32>
      %and3A_619 = arith.andi %and3A_616, %ne3A_618 : vector<16xi1>
      %or3A_620 = arith.ori %broadcast_in_dim3A_590, %and3A_619 : vector<16xi1>
      %lt3A_621 = arith.constant 0 : i32
      %lt3A_622 = vector.broadcast %lt3A_621 : i32 to vector<16xi32>
      %lt3A_623 = arith.cmpi slt, %select_n3A_588, %lt3A_622 : vector<16xi32>
      %and3A_624 = arith.andi %eq3A_612, %lt3A_623 : vector<16xi1>
      %broadcast_in_dim3A_625 = vector.broadcast %reduce_sum3A_610 : i32 to vector<16xi32>
      %select_n3A_626 = arith.select %and3A_624, %broadcast_in_dim3A_625, %select_n3A_588 : vector<16xi1>, vector<16xi32>
      %eq3A_627 = arith.constant 2 : i32
      %eq3A_628 = vector.broadcast %eq3A_627 : i32 to vector<16xi32>
      %eq3A_629 = arith.cmpi eq, %iota3A, %eq3A_628 : vector<16xi32>
      %jit3A_630 = arith.constant 0 : i32
      %broadcast_in_dim3A_631 = vector.broadcast %jit3A_630 : i32 to vector<16xi32>
      %select_n3A_632 = arith.select %eq3A_629, %get3A_571, %broadcast_in_dim3A_631 : vector<16xi1>, vector<16xi32>
      %reduce_sum3A_633 = arith.constant true
      %reduce_sum3A_634 = vector.broadcast %reduce_sum3A_633 : i1 to vector<16xi1>
      %reduce_sum3A_635 = tpu.scan <sum>, %select_n3A_632 masked %reduce_sum3A_634 : vector<16xi32>, vector<16xi1> -> vector<16xi32>
      %reduce_sum3A_636 = vector.extract %reduce_sum3A_635[15] : i32 from vector<16xi32>
      %eq3A_637 = arith.constant 6 : i32
      %eq3A_638 = vector.broadcast %eq3A_637 : i32 to vector<16xi32>
      %eq3A_639 = arith.cmpi eq, %iota3A, %eq3A_638 : vector<16xi32>
      %jit3A_640 = arith.constant 0 : i32
      %broadcast_in_dim3A_641 = vector.broadcast %jit3A_640 : i32 to vector<16xi32>
      %select_n3A_642 = arith.select %eq3A_639, %get3A_571, %broadcast_in_dim3A_641 : vector<16xi1>, vector<16xi32>
      %reduce_sum3A_643 = arith.constant true
      %reduce_sum3A_644 = vector.broadcast %reduce_sum3A_643 : i1 to vector<16xi1>
      %reduce_sum3A_645 = tpu.scan <sum>, %select_n3A_642 masked %reduce_sum3A_644 : vector<16xi32>, vector<16xi1> -> vector<16xi32>
      %reduce_sum3A_646 = vector.extract %reduce_sum3A_645[15] : i32 from vector<16xi32>
      %eq3A_647 = vector.broadcast %reduce_sum3A_636 : i32 to vector<16xi32>
      %eq3A_648 = arith.cmpi eq, %iota3A, %eq3A_647 : vector<16xi32>
      %ge3A_649 = arith.constant 0 : i32
      %ge3A_650 = vector.broadcast %ge3A_649 : i32 to vector<16xi32>
      %ge3A_651 = arith.cmpi sge, %select_n3A_626, %ge3A_650 : vector<16xi32>
      %and3A_652 = arith.andi %eq3A_648, %ge3A_651 : vector<16xi1>
      %ne3A_653 = vector.broadcast %reduce_sum3A_646 : i32 to vector<16xi32>
      %ne3A_654 = arith.cmpi ne, %select_n3A_626, %ne3A_653 : vector<16xi32>
      %and3A_655 = arith.andi %and3A_652, %ne3A_654 : vector<16xi1>
      %or3A_656 = arith.ori %or3A_620, %and3A_655 : vector<16xi1>
      %lt3A_657 = arith.constant 0 : i32
      %lt3A_658 = vector.broadcast %lt3A_657 : i32 to vector<16xi32>
      %lt3A_659 = arith.cmpi slt, %select_n3A_626, %lt3A_658 : vector<16xi32>
      %and3A_660 = arith.andi %eq3A_648, %lt3A_659 : vector<16xi1>
      %broadcast_in_dim3A_661 = vector.broadcast %reduce_sum3A_646 : i32 to vector<16xi32>
      %select_n3A_662 = arith.select %and3A_660, %broadcast_in_dim3A_661, %select_n3A_626 : vector<16xi1>, vector<16xi32>
      %eq3A_663 = arith.constant 3 : i32
      %eq3A_664 = vector.broadcast %eq3A_663 : i32 to vector<16xi32>
      %eq3A_665 = arith.cmpi eq, %iota3A, %eq3A_664 : vector<16xi32>
      %jit3A_666 = arith.constant 0 : i32
      %broadcast_in_dim3A_667 = vector.broadcast %jit3A_666 : i32 to vector<16xi32>
      %select_n3A_668 = arith.select %eq3A_665, %get3A_571, %broadcast_in_dim3A_667 : vector<16xi1>, vector<16xi32>
      %reduce_sum3A_669 = arith.constant true
      %reduce_sum3A_670 = vector.broadcast %reduce_sum3A_669 : i1 to vector<16xi1>
      %reduce_sum3A_671 = tpu.scan <sum>, %select_n3A_668 masked %reduce_sum3A_670 : vector<16xi32>, vector<16xi1> -> vector<16xi32>
      %reduce_sum3A_672 = vector.extract %reduce_sum3A_671[15] : i32 from vector<16xi32>
      %eq3A_673 = arith.constant 7 : i32
      %eq3A_674 = vector.broadcast %eq3A_673 : i32 to vector<16xi32>
      %eq3A_675 = arith.cmpi eq, %iota3A, %eq3A_674 : vector<16xi32>
      %jit3A_676 = arith.constant 0 : i32
      %broadcast_in_dim3A_677 = vector.broadcast %jit3A_676 : i32 to vector<16xi32>
      %select_n3A_678 = arith.select %eq3A_675, %get3A_571, %broadcast_in_dim3A_677 : vector<16xi1>, vector<16xi32>
      %reduce_sum3A_679 = arith.constant true
      %reduce_sum3A_680 = vector.broadcast %reduce_sum3A_679 : i1 to vector<16xi1>
      %reduce_sum3A_681 = tpu.scan <sum>, %select_n3A_678 masked %reduce_sum3A_680 : vector<16xi32>, vector<16xi1> -> vector<16xi32>
      %reduce_sum3A_682 = vector.extract %reduce_sum3A_681[15] : i32 from vector<16xi32>
      %eq3A_683 = vector.broadcast %reduce_sum3A_672 : i32 to vector<16xi32>
      %eq3A_684 = arith.cmpi eq, %iota3A, %eq3A_683 : vector<16xi32>
      %ge3A_685 = arith.constant 0 : i32
      %ge3A_686 = vector.broadcast %ge3A_685 : i32 to vector<16xi32>
      %ge3A_687 = arith.cmpi sge, %select_n3A_662, %ge3A_686 : vector<16xi32>
      %and3A_688 = arith.andi %eq3A_684, %ge3A_687 : vector<16xi1>
      %ne3A_689 = vector.broadcast %reduce_sum3A_682 : i32 to vector<16xi32>
      %ne3A_690 = arith.cmpi ne, %select_n3A_662, %ne3A_689 : vector<16xi32>
      %and3A_691 = arith.andi %and3A_688, %ne3A_690 : vector<16xi1>
      %or3A_692 = arith.ori %or3A_656, %and3A_691 : vector<16xi1>
      %lt3A_693 = arith.constant 0 : i32
      %lt3A_694 = vector.broadcast %lt3A_693 : i32 to vector<16xi32>
      %lt3A_695 = arith.cmpi slt, %select_n3A_662, %lt3A_694 : vector<16xi32>
      %and3A_696 = arith.andi %eq3A_684, %lt3A_695 : vector<16xi1>
      %broadcast_in_dim3A_697 = vector.broadcast %reduce_sum3A_682 : i32 to vector<16xi32>
      %select_n3A_698 = arith.select %and3A_696, %broadcast_in_dim3A_697, %select_n3A_662 : vector<16xi1>, vector<16xi32>
      %eq3A_699 = arith.constant 4 : i32
      %eq3A_700 = vector.broadcast %eq3A_699 : i32 to vector<16xi32>
      %eq3A_701 = arith.cmpi eq, %iota3A, %eq3A_700 : vector<16xi32>
      %jit3A_702 = arith.constant 0 : i32
      %broadcast_in_dim3A_703 = vector.broadcast %jit3A_702 : i32 to vector<16xi32>
      %select_n3A_704 = arith.select %eq3A_701, %get3A_571, %broadcast_in_dim3A_703 : vector<16xi1>, vector<16xi32>
      %reduce_sum3A_705 = arith.constant true
      %reduce_sum3A_706 = vector.broadcast %reduce_sum3A_705 : i1 to vector<16xi1>
      %reduce_sum3A_707 = tpu.scan <sum>, %select_n3A_704 masked %reduce_sum3A_706 : vector<16xi32>, vector<16xi1> -> vector<16xi32>
      %reduce_sum3A_708 = vector.extract %reduce_sum3A_707[15] : i32 from vector<16xi32>
      %eq3A_709 = arith.constant 8 : i32
      %eq3A_710 = vector.broadcast %eq3A_709 : i32 to vector<16xi32>
      %eq3A_711 = arith.cmpi eq, %iota3A, %eq3A_710 : vector<16xi32>
      %jit3A_712 = arith.constant 0 : i32
      %broadcast_in_dim3A_713 = vector.broadcast %jit3A_712 : i32 to vector<16xi32>
      %select_n3A_714 = arith.select %eq3A_711, %get3A_571, %broadcast_in_dim3A_713 : vector<16xi1>, vector<16xi32>
      %reduce_sum3A_715 = arith.constant true
      %reduce_sum3A_716 = vector.broadcast %reduce_sum3A_715 : i1 to vector<16xi1>
      %reduce_sum3A_717 = tpu.scan <sum>, %select_n3A_714 masked %reduce_sum3A_716 : vector<16xi32>, vector<16xi1> -> vector<16xi32>
      %reduce_sum3A_718 = vector.extract %reduce_sum3A_717[15] : i32 from vector<16xi32>
      %eq3A_719 = vector.broadcast %reduce_sum3A_708 : i32 to vector<16xi32>
      %eq3A_720 = arith.cmpi eq, %iota3A, %eq3A_719 : vector<16xi32>
      %ge3A_721 = arith.constant 0 : i32
      %ge3A_722 = vector.broadcast %ge3A_721 : i32 to vector<16xi32>
      %ge3A_723 = arith.cmpi sge, %select_n3A_698, %ge3A_722 : vector<16xi32>
      %and3A_724 = arith.andi %eq3A_720, %ge3A_723 : vector<16xi1>
      %ne3A_725 = vector.broadcast %reduce_sum3A_718 : i32 to vector<16xi32>
      %ne3A_726 = arith.cmpi ne, %select_n3A_698, %ne3A_725 : vector<16xi32>
      %and3A_727 = arith.andi %and3A_724, %ne3A_726 : vector<16xi1>
      %or3A_728 = arith.ori %or3A_692, %and3A_727 : vector<16xi1>
      %lt3A_729 = arith.constant 0 : i32
      %lt3A_730 = vector.broadcast %lt3A_729 : i32 to vector<16xi32>
      %lt3A_731 = arith.cmpi slt, %select_n3A_698, %lt3A_730 : vector<16xi32>
      %and3A_732 = arith.andi %eq3A_720, %lt3A_731 : vector<16xi1>
      %broadcast_in_dim3A_733 = vector.broadcast %reduce_sum3A_718 : i32 to vector<16xi32>
      %select_n3A_734 = arith.select %and3A_732, %broadcast_in_dim3A_733, %select_n3A_698 : vector<16xi1>, vector<16xi32>
      %all_reduce_population_count3A_735 = tpu.all_reduce %or3A_728 {dim = 0 : i64, kind = #tpu.reduction_kind<sum>} : vector<16xi1> -> vector<16xi32>
      %gt3A_736 = arith.constant 0 : i32
      %gt3A_737 = vector.broadcast %gt3A_736 : i32 to vector<16xi32>
      %gt3A_738 = arith.cmpi sgt, %all_reduce_population_count3A_735, %gt3A_737 : vector<16xi32>
      %select_n3A_739 = arith.select %gt3A_738, %broadcast_in_dim3A_7, %broadcast_in_dim3A_5 : vector<16xi1>, vector<16xf32>
      %broadcast_in_dim3A_740 = arith.constant 0 : i32
      %broadcast_in_dim3A_741 = vector.broadcast %broadcast_in_dim3A_740 : i32 to vector<16xi32>
      %eq3A_742 = arith.constant 0 : i32
      %eq3A_743 = vector.broadcast %eq3A_742 : i32 to vector<16xi32>
      %eq3A_744 = arith.cmpi eq, %iota3A, %eq3A_743 : vector<16xi32>
      %jit3A_745 = arith.constant 0 : i32
      %broadcast_in_dim3A_746 = vector.broadcast %jit3A_745 : i32 to vector<16xi32>
      %select_n3A_747 = arith.select %eq3A_744, %select_n3A_734, %broadcast_in_dim3A_746 : vector<16xi1>, vector<16xi32>
      %reduce_sum3A_748 = arith.constant true
      %reduce_sum3A_749 = vector.broadcast %reduce_sum3A_748 : i1 to vector<16xi1>
      %reduce_sum3A_750 = tpu.scan <sum>, %select_n3A_747 masked %reduce_sum3A_749 : vector<16xi32>, vector<16xi1> -> vector<16xi32>
      %reduce_sum3A_751 = vector.extract %reduce_sum3A_750[15] : i32 from vector<16xi32>
      %add3A_752 = vector.broadcast %reduce_sum3A_751 : i32 to vector<16xi32>
      %add3A_753 = arith.addi %broadcast_in_dim3A_741, %add3A_752 : vector<16xi32>
      %broadcast_in_dim3A_754 = arith.constant 0 : i32
      %broadcast_in_dim3A_755 = vector.broadcast %broadcast_in_dim3A_754 : i32 to vector<16xi32>
      %eq3A_756 = arith.constant 1 : i32
      %eq3A_757 = vector.broadcast %eq3A_756 : i32 to vector<16xi32>
      %eq3A_758 = arith.cmpi eq, %iota3A, %eq3A_757 : vector<16xi32>
      %jit3A_759 = arith.constant 0 : i32
      %broadcast_in_dim3A_760 = vector.broadcast %jit3A_759 : i32 to vector<16xi32>
      %select_n3A_761 = arith.select %eq3A_758, %select_n3A_734, %broadcast_in_dim3A_760 : vector<16xi1>, vector<16xi32>
      %reduce_sum3A_762 = arith.constant true
      %reduce_sum3A_763 = vector.broadcast %reduce_sum3A_762 : i1 to vector<16xi1>
      %reduce_sum3A_764 = tpu.scan <sum>, %select_n3A_761 masked %reduce_sum3A_763 : vector<16xi32>, vector<16xi1> -> vector<16xi32>
      %reduce_sum3A_765 = vector.extract %reduce_sum3A_764[15] : i32 from vector<16xi32>
      %add3A_766 = vector.broadcast %reduce_sum3A_765 : i32 to vector<16xi32>
      %add3A_767 = arith.addi %broadcast_in_dim3A_755, %add3A_766 : vector<16xi32>
      %broadcast_in_dim3A_768 = arith.constant 0 : i32
      %broadcast_in_dim3A_769 = vector.broadcast %broadcast_in_dim3A_768 : i32 to vector<16xi32>
      %eq3A_770 = arith.constant 2 : i32
      %eq3A_771 = vector.broadcast %eq3A_770 : i32 to vector<16xi32>
      %eq3A_772 = arith.cmpi eq, %iota3A, %eq3A_771 : vector<16xi32>
      %jit3A_773 = arith.constant 0 : i32
      %broadcast_in_dim3A_774 = vector.broadcast %jit3A_773 : i32 to vector<16xi32>
      %select_n3A_775 = arith.select %eq3A_772, %select_n3A_734, %broadcast_in_dim3A_774 : vector<16xi1>, vector<16xi32>
      %reduce_sum3A_776 = arith.constant true
      %reduce_sum3A_777 = vector.broadcast %reduce_sum3A_776 : i1 to vector<16xi1>
      %reduce_sum3A_778 = tpu.scan <sum>, %select_n3A_775 masked %reduce_sum3A_777 : vector<16xi32>, vector<16xi1> -> vector<16xi32>
      %reduce_sum3A_779 = vector.extract %reduce_sum3A_778[15] : i32 from vector<16xi32>
      %add3A_780 = vector.broadcast %reduce_sum3A_779 : i32 to vector<16xi32>
      %add3A_781 = arith.addi %broadcast_in_dim3A_769, %add3A_780 : vector<16xi32>
      %broadcast_in_dim3A_782 = arith.constant 0 : i32
      %broadcast_in_dim3A_783 = vector.broadcast %broadcast_in_dim3A_782 : i32 to vector<16xi32>
      %eq3A_784 = arith.constant 3 : i32
      %eq3A_785 = vector.broadcast %eq3A_784 : i32 to vector<16xi32>
      %eq3A_786 = arith.cmpi eq, %iota3A, %eq3A_785 : vector<16xi32>
      %jit3A_787 = arith.constant 0 : i32
      %broadcast_in_dim3A_788 = vector.broadcast %jit3A_787 : i32 to vector<16xi32>
      %select_n3A_789 = arith.select %eq3A_786, %select_n3A_734, %broadcast_in_dim3A_788 : vector<16xi1>, vector<16xi32>
      %reduce_sum3A_790 = arith.constant true
      %reduce_sum3A_791 = vector.broadcast %reduce_sum3A_790 : i1 to vector<16xi1>
      %reduce_sum3A_792 = tpu.scan <sum>, %select_n3A_789 masked %reduce_sum3A_791 : vector<16xi32>, vector<16xi1> -> vector<16xi32>
      %reduce_sum3A_793 = vector.extract %reduce_sum3A_792[15] : i32 from vector<16xi32>
      %add3A_794 = vector.broadcast %reduce_sum3A_793 : i32 to vector<16xi32>
      %add3A_795 = arith.addi %broadcast_in_dim3A_783, %add3A_794 : vector<16xi32>
      %broadcast_in_dim3A_796 = arith.constant 0 : i32
      %broadcast_in_dim3A_797 = vector.broadcast %broadcast_in_dim3A_796 : i32 to vector<16xi32>
      %eq3A_798 = arith.constant 4 : i32
      %eq3A_799 = vector.broadcast %eq3A_798 : i32 to vector<16xi32>
      %eq3A_800 = arith.cmpi eq, %iota3A, %eq3A_799 : vector<16xi32>
      %jit3A_801 = arith.constant 0 : i32
      %broadcast_in_dim3A_802 = vector.broadcast %jit3A_801 : i32 to vector<16xi32>
      %select_n3A_803 = arith.select %eq3A_800, %select_n3A_734, %broadcast_in_dim3A_802 : vector<16xi1>, vector<16xi32>
      %reduce_sum3A_804 = arith.constant true
      %reduce_sum3A_805 = vector.broadcast %reduce_sum3A_804 : i1 to vector<16xi1>
      %reduce_sum3A_806 = tpu.scan <sum>, %select_n3A_803 masked %reduce_sum3A_805 : vector<16xi32>, vector<16xi1> -> vector<16xi32>
      %reduce_sum3A_807 = vector.extract %reduce_sum3A_806[15] : i32 from vector<16xi32>
      %add3A_808 = vector.broadcast %reduce_sum3A_807 : i32 to vector<16xi32>
      %add3A_809 = arith.addi %broadcast_in_dim3A_797, %add3A_808 : vector<16xi32>
      %broadcast_in_dim3A_810 = arith.constant 0 : i32
      %broadcast_in_dim3A_811 = vector.broadcast %broadcast_in_dim3A_810 : i32 to vector<16xi32>
      %eq3A_812 = arith.constant 5 : i32
      %eq3A_813 = vector.broadcast %eq3A_812 : i32 to vector<16xi32>
      %eq3A_814 = arith.cmpi eq, %iota3A, %eq3A_813 : vector<16xi32>
      %jit3A_815 = arith.constant 0 : i32
      %broadcast_in_dim3A_816 = vector.broadcast %jit3A_815 : i32 to vector<16xi32>
      %select_n3A_817 = arith.select %eq3A_814, %select_n3A_734, %broadcast_in_dim3A_816 : vector<16xi1>, vector<16xi32>
      %reduce_sum3A_818 = arith.constant true
      %reduce_sum3A_819 = vector.broadcast %reduce_sum3A_818 : i1 to vector<16xi1>
      %reduce_sum3A_820 = tpu.scan <sum>, %select_n3A_817 masked %reduce_sum3A_819 : vector<16xi32>, vector<16xi1> -> vector<16xi32>
      %reduce_sum3A_821 = vector.extract %reduce_sum3A_820[15] : i32 from vector<16xi32>
      %add3A_822 = vector.broadcast %reduce_sum3A_821 : i32 to vector<16xi32>
      %add3A_823 = arith.addi %broadcast_in_dim3A_811, %add3A_822 : vector<16xi32>
      %broadcast_in_dim3A_824 = arith.constant 0 : i32
      %broadcast_in_dim3A_825 = vector.broadcast %broadcast_in_dim3A_824 : i32 to vector<16xi32>
      %eq3A_826 = arith.constant 6 : i32
      %eq3A_827 = vector.broadcast %eq3A_826 : i32 to vector<16xi32>
      %eq3A_828 = arith.cmpi eq, %iota3A, %eq3A_827 : vector<16xi32>
      %jit3A_829 = arith.constant 0 : i32
      %broadcast_in_dim3A_830 = vector.broadcast %jit3A_829 : i32 to vector<16xi32>
      %select_n3A_831 = arith.select %eq3A_828, %select_n3A_734, %broadcast_in_dim3A_830 : vector<16xi1>, vector<16xi32>
      %reduce_sum3A_832 = arith.constant true
      %reduce_sum3A_833 = vector.broadcast %reduce_sum3A_832 : i1 to vector<16xi1>
      %reduce_sum3A_834 = tpu.scan <sum>, %select_n3A_831 masked %reduce_sum3A_833 : vector<16xi32>, vector<16xi1> -> vector<16xi32>
      %reduce_sum3A_835 = vector.extract %reduce_sum3A_834[15] : i32 from vector<16xi32>
      %add3A_836 = vector.broadcast %reduce_sum3A_835 : i32 to vector<16xi32>
      %add3A_837 = arith.addi %broadcast_in_dim3A_825, %add3A_836 : vector<16xi32>
      %broadcast_in_dim3A_838 = arith.constant 0 : i32
      %broadcast_in_dim3A_839 = vector.broadcast %broadcast_in_dim3A_838 : i32 to vector<16xi32>
      %eq3A_840 = arith.constant 7 : i32
      %eq3A_841 = vector.broadcast %eq3A_840 : i32 to vector<16xi32>
      %eq3A_842 = arith.cmpi eq, %iota3A, %eq3A_841 : vector<16xi32>
      %jit3A_843 = arith.constant 0 : i32
      %broadcast_in_dim3A_844 = vector.broadcast %jit3A_843 : i32 to vector<16xi32>
      %select_n3A_845 = arith.select %eq3A_842, %select_n3A_734, %broadcast_in_dim3A_844 : vector<16xi1>, vector<16xi32>
      %reduce_sum3A_846 = arith.constant true
      %reduce_sum3A_847 = vector.broadcast %reduce_sum3A_846 : i1 to vector<16xi1>
      %reduce_sum3A_848 = tpu.scan <sum>, %select_n3A_845 masked %reduce_sum3A_847 : vector<16xi32>, vector<16xi1> -> vector<16xi32>
      %reduce_sum3A_849 = vector.extract %reduce_sum3A_848[15] : i32 from vector<16xi32>
      %add3A_850 = vector.broadcast %reduce_sum3A_849 : i32 to vector<16xi32>
      %add3A_851 = arith.addi %broadcast_in_dim3A_839, %add3A_850 : vector<16xi32>
      %lt3A_852 = arith.constant 0 : i32
      %lt3A_853 = vector.broadcast %lt3A_852 : i32 to vector<16xi32>
      %lt3A_854 = arith.cmpi slt, %add3A_753, %lt3A_853 : vector<16xi32>
      %lt3A_855 = arith.constant 0 : i32
      %lt3A_856 = vector.broadcast %lt3A_855 : i32 to vector<16xi32>
      %lt3A_857 = arith.cmpi slt, %add3A_767, %lt3A_856 : vector<16xi32>
      %lt3A_858 = arith.constant 0 : i32
      %lt3A_859 = vector.broadcast %lt3A_858 : i32 to vector<16xi32>
      %lt3A_860 = arith.cmpi slt, %add3A_781, %lt3A_859 : vector<16xi32>
      %lt3A_861 = arith.constant 0 : i32
      %lt3A_862 = vector.broadcast %lt3A_861 : i32 to vector<16xi32>
      %lt3A_863 = arith.cmpi slt, %add3A_795, %lt3A_862 : vector<16xi32>
      %lt3A_864 = arith.constant 0 : i32
      %lt3A_865 = vector.broadcast %lt3A_864 : i32 to vector<16xi32>
      %lt3A_866 = arith.cmpi slt, %add3A_809, %lt3A_865 : vector<16xi32>
      %lt3A_867 = arith.constant 0 : i32
      %lt3A_868 = vector.broadcast %lt3A_867 : i32 to vector<16xi32>
      %lt3A_869 = arith.cmpi slt, %add3A_823, %lt3A_868 : vector<16xi32>
      %lt3A_870 = arith.constant 0 : i32
      %lt3A_871 = vector.broadcast %lt3A_870 : i32 to vector<16xi32>
      %lt3A_872 = arith.cmpi slt, %add3A_837, %lt3A_871 : vector<16xi32>
      %lt3A_873 = arith.constant 0 : i32
      %lt3A_874 = vector.broadcast %lt3A_873 : i32 to vector<16xi32>
      %lt3A_875 = arith.cmpi slt, %add3A_851, %lt3A_874 : vector<16xi32>
      %swap3A_876 = arith.constant 0 : index
      %swap3A_877 = tpu.vector_load %arg11[%swap3A_876] {strides = array<i32>} : memref<32xf32, #tpu.memory_space<vmem>>, vector<16xf32>,
      tpu.vector_store %arg11[%swap3A_876], %broadcast_in_dim3A_7 {strides = array<i32>} : memref<32xf32, #tpu.memory_space<vmem>>, vector<16xf32>,
      %swap3A_878 = arith.constant 16 : index
      %swap3A_879 = tpu.vector_load %arg11[%swap3A_878] {strides = array<i32>} : memref<32xf32, #tpu.memory_space<vmem>>, vector<16xf32>,
      tpu.vector_store %arg11[%swap3A_878], %broadcast_in_dim3A_7 {strides = array<i32>} : memref<32xf32, #tpu.memory_space<vmem>>, vector<16xf32>,
      %swap3A_880 = arith.constant 0 : index
      %swap3A_881 = tpu.vector_load %arg12[%swap3A_880] {strides = array<i32>} : memref<256xf32, #tpu.memory_space<vmem>>, vector<16xf32>,
      tpu.vector_store %arg12[%swap3A_880], %broadcast_in_dim3A_7 {strides = array<i32>} : memref<256xf32, #tpu.memory_space<vmem>>, vector<16xf32>,
      %swap3A_882 = arith.constant 16 : index
      %swap3A_883 = tpu.vector_load %arg12[%swap3A_882] {strides = array<i32>} : memref<256xf32, #tpu.memory_space<vmem>>, vector<16xf32>,
      tpu.vector_store %arg12[%swap3A_882], %broadcast_in_dim3A_7 {strides = array<i32>} : memref<256xf32, #tpu.memory_space<vmem>>, vector<16xf32>,
      %swap3A_884 = arith.constant 32 : index
      %swap3A_885 = tpu.vector_load %arg12[%swap3A_884] {strides = array<i32>} : memref<256xf32, #tpu.memory_space<vmem>>, vector<16xf32>,
      tpu.vector_store %arg12[%swap3A_884], %broadcast_in_dim3A_7 {strides = array<i32>} : memref<256xf32, #tpu.memory_space<vmem>>, vector<16xf32>,
      %swap3A_886 = arith.constant 48 : index
      %swap3A_887 = tpu.vector_load %arg12[%swap3A_886] {strides = array<i32>} : memref<256xf32, #tpu.memory_space<vmem>>, vector<16xf32>,
      tpu.vector_store %arg12[%swap3A_886], %broadcast_in_dim3A_7 {strides = array<i32>} : memref<256xf32, #tpu.memory_space<vmem>>, vector<16xf32>,
      %swap3A_888 = arith.constant 64 : index
      %swap3A_889 = tpu.vector_load %arg12[%swap3A_888] {strides = array<i32>} : memref<256xf32, #tpu.memory_space<vmem>>, vector<16xf32>,
      tpu.vector_store %arg12[%swap3A_888], %broadcast_in_dim3A_7 {strides = array<i32>} : memref<256xf32, #tpu.memory_space<vmem>>, vector<16xf32>,
      %swap3A_890 = arith.constant 80 : index
      %swap3A_891 = tpu.vector_load %arg12[%swap3A_890] {strides = array<i32>} : memref<256xf32, #tpu.memory_space<vmem>>, vector<16xf32>,
      tpu.vector_store %arg12[%swap3A_890], %broadcast_in_dim3A_7 {strides = array<i32>} : memref<256xf32, #tpu.memory_space<vmem>>, vector<16xf32>,
      %swap3A_892 = arith.constant 96 : index
      %swap3A_893 = tpu.vector_load %arg12[%swap3A_892] {strides = array<i32>} : memref<256xf32, #tpu.memory_space<vmem>>, vector<16xf32>,
      tpu.vector_store %arg12[%swap3A_892], %broadcast_in_dim3A_7 {strides = array<i32>} : memref<256xf32, #tpu.memory_space<vmem>>, vector<16xf32>,
      %swap3A_894 = arith.constant 112 : index
      %swap3A_895 = tpu.vector_load %arg12[%swap3A_894] {strides = array<i32>} : memref<256xf32, #tpu.memory_space<vmem>>, vector<16xf32>,
      tpu.vector_store %arg12[%swap3A_894], %broadcast_in_dim3A_7 {strides = array<i32>} : memref<256xf32, #tpu.memory_space<vmem>>, vector<16xf32>,
      %swap3A_896 = arith.constant 128 : index
      %swap3A_897 = tpu.vector_load %arg12[%swap3A_896] {strides = array<i32>} : memref<256xf32, #tpu.memory_space<vmem>>, vector<16xf32>,
      tpu.vector_store %arg12[%swap3A_896], %broadcast_in_dim3A_7 {strides = array<i32>} : memref<256xf32, #tpu.memory_space<vmem>>, vector<16xf32>,
      %swap3A_898 = arith.constant 144 : index
      %swap3A_899 = tpu.vector_load %arg12[%swap3A_898] {strides = array<i32>} : memref<256xf32, #tpu.memory_space<vmem>>, vector<16xf32>,
      tpu.vector_store %arg12[%swap3A_898], %broadcast_in_dim3A_7 {strides = array<i32>} : memref<256xf32, #tpu.memory_space<vmem>>, vector<16xf32>,
      %swap3A_900 = arith.constant 160 : index
      %swap3A_901 = tpu.vector_load %arg12[%swap3A_900] {strides = array<i32>} : memref<256xf32, #tpu.memory_space<vmem>>, vector<16xf32>,
      tpu.vector_store %arg12[%swap3A_900], %broadcast_in_dim3A_7 {strides = array<i32>} : memref<256xf32, #tpu.memory_space<vmem>>, vector<16xf32>,
      %swap3A_902 = arith.constant 176 : index
      %swap3A_903 = tpu.vector_load %arg12[%swap3A_902] {strides = array<i32>} : memref<256xf32, #tpu.memory_space<vmem>>, vector<16xf32>,
      tpu.vector_store %arg12[%swap3A_902], %broadcast_in_dim3A_7 {strides = array<i32>} : memref<256xf32, #tpu.memory_space<vmem>>, vector<16xf32>,
      %swap3A_904 = arith.constant 192 : index
      %swap3A_905 = tpu.vector_load %arg12[%swap3A_904] {strides = array<i32>} : memref<256xf32, #tpu.memory_space<vmem>>, vector<16xf32>,
      tpu.vector_store %arg12[%swap3A_904], %broadcast_in_dim3A_7 {strides = array<i32>} : memref<256xf32, #tpu.memory_space<vmem>>, vector<16xf32>,
      %swap3A_906 = arith.constant 208 : index
      %swap3A_907 = tpu.vector_load %arg12[%swap3A_906] {strides = array<i32>} : memref<256xf32, #tpu.memory_space<vmem>>, vector<16xf32>,
      tpu.vector_store %arg12[%swap3A_906], %broadcast_in_dim3A_7 {strides = array<i32>} : memref<256xf32, #tpu.memory_space<vmem>>, vector<16xf32>,
      %swap3A_908 = arith.constant 224 : index
      %swap3A_909 = tpu.vector_load %arg12[%swap3A_908] {strides = array<i32>} : memref<256xf32, #tpu.memory_space<vmem>>, vector<16xf32>,
      tpu.vector_store %arg12[%swap3A_908], %broadcast_in_dim3A_7 {strides = array<i32>} : memref<256xf32, #tpu.memory_space<vmem>>, vector<16xf32>,
      %swap3A_910 = arith.constant 240 : index
      %swap3A_911 = tpu.vector_load %arg12[%swap3A_910] {strides = array<i32>} : memref<256xf32, #tpu.memory_space<vmem>>, vector<16xf32>,
      tpu.vector_store %arg12[%swap3A_910], %broadcast_in_dim3A_7 {strides = array<i32>} : memref<256xf32, #tpu.memory_space<vmem>>, vector<16xf32>,
      %parallel_loop3A_912 = arith.constant 0 : i32
      %parallel_loop3A_913 = arith.constant 256 : i32
      %parallel_loop3A_914 = arith.constant 1 : i32
      scf.for %parallel_loop3A_1068 = %parallel_loop3A_912 to %parallel_loop3A_913 step %parallel_loop3A_914  : i32 {
        %parallel_loop3A_1069 = arith.constant 16 : i32
        %parallel_loop3A_1070 = arith.muli %parallel_loop3A_1068, %parallel_loop3A_1069 : i32
        %parallel_loop3A_1071 = arith.constant 0 : i32
        %parallel_loop3A_1072 = arith.index_cast %parallel_loop3A_1071 : i32 to index
        %parallel_loop3A_1073 = arith.index_cast %parallel_loop3A_1070 : i32 to index
        %parallel_loop3A_1074 = tpu.vector_load %arg7[%parallel_loop3A_1072, %parallel_loop3A_1073] {strides = array<i32>} : memref<8x4096xi32, #tpu.memory_space<vmem>>, vector<16xi32>,
        %parallel_loop3A_1075 = arith.constant 1 : i32
        %parallel_loop3A_1076 = arith.index_cast %parallel_loop3A_1075 : i32 to index
        %parallel_loop3A_1077 = arith.index_cast %parallel_loop3A_1070 : i32 to index
        %parallel_loop3A_1078 = tpu.vector_load %arg7[%parallel_loop3A_1076, %parallel_loop3A_1077] {strides = array<i32>} : memref<8x4096xi32, #tpu.memory_space<vmem>>, vector<16xi32>,
        %parallel_loop3A_1079 = arith.constant 2 : i32
        %parallel_loop3A_1080 = arith.index_cast %parallel_loop3A_1079 : i32 to index
        %parallel_loop3A_1081 = arith.index_cast %parallel_loop3A_1070 : i32 to index
        %parallel_loop3A_1082 = tpu.vector_load %arg7[%parallel_loop3A_1080, %parallel_loop3A_1081] {strides = array<i32>} : memref<8x4096xi32, #tpu.memory_space<vmem>>, vector<16xi32>,
        %parallel_loop3A_1083 = arith.constant 3 : i32
        %parallel_loop3A_1084 = arith.index_cast %parallel_loop3A_1083 : i32 to index
        %parallel_loop3A_1085 = arith.index_cast %parallel_loop3A_1070 : i32 to index
        %parallel_loop3A_1086 = tpu.vector_load %arg7[%parallel_loop3A_1084, %parallel_loop3A_1085] {strides = array<i32>} : memref<8x4096xi32, #tpu.memory_space<vmem>>, vector<16xi32>,
        %parallel_loop3A_1087 = arith.constant 4 : i32
        %parallel_loop3A_1088 = arith.index_cast %parallel_loop3A_1087 : i32 to index
        %parallel_loop3A_1089 = arith.index_cast %parallel_loop3A_1070 : i32 to index
        %parallel_loop3A_1090 = tpu.vector_load %arg7[%parallel_loop3A_1088, %parallel_loop3A_1089] {strides = array<i32>} : memref<8x4096xi32, #tpu.memory_space<vmem>>, vector<16xi32>,
        %parallel_loop3A_1091 = arith.constant 5 : i32
        %parallel_loop3A_1092 = arith.index_cast %parallel_loop3A_1091 : i32 to index
        %parallel_loop3A_1093 = arith.index_cast %parallel_loop3A_1070 : i32 to index
        %parallel_loop3A_1094 = tpu.vector_load %arg7[%parallel_loop3A_1092, %parallel_loop3A_1093] {strides = array<i32>} : memref<8x4096xi32, #tpu.memory_space<vmem>>, vector<16xi32>,
        %parallel_loop3A_1095 = arith.constant 6 : i32
        %parallel_loop3A_1096 = arith.index_cast %parallel_loop3A_1095 : i32 to index
        %parallel_loop3A_1097 = arith.index_cast %parallel_loop3A_1070 : i32 to index
        %parallel_loop3A_1098 = tpu.vector_load %arg7[%parallel_loop3A_1096, %parallel_loop3A_1097] {strides = array<i32>} : memref<8x4096xi32, #tpu.memory_space<vmem>>, vector<16xi32>,
        %parallel_loop3A_1099 = arith.constant 7 : i32
        %parallel_loop3A_1100 = arith.index_cast %parallel_loop3A_1099 : i32 to index
        %parallel_loop3A_1101 = arith.index_cast %parallel_loop3A_1070 : i32 to index
        %parallel_loop3A_1102 = tpu.vector_load %arg7[%parallel_loop3A_1100, %parallel_loop3A_1101] {strides = array<i32>} : memref<8x4096xi32, #tpu.memory_space<vmem>>, vector<16xi32>,
        %parallel_loop3A_1103 = arith.cmpi eq, %parallel_loop3A_1074, %add3A_753 : vector<16xi32>
        %parallel_loop3A_1104 = arith.ori %lt3A_854, %parallel_loop3A_1103 : vector<16xi1>
        %parallel_loop3A_1105 = arith.cmpi eq, %parallel_loop3A_1078, %add3A_767 : vector<16xi32>
        %parallel_loop3A_1106 = arith.ori %lt3A_857, %parallel_loop3A_1105 : vector<16xi1>
        %parallel_loop3A_1107 = arith.andi %parallel_loop3A_1104, %parallel_loop3A_1106 : vector<16xi1>
        %parallel_loop3A_1108 = arith.cmpi eq, %parallel_loop3A_1082, %add3A_781 : vector<16xi32>
        %parallel_loop3A_1109 = arith.ori %lt3A_860, %parallel_loop3A_1108 : vector<16xi1>
        %parallel_loop3A_1110 = arith.andi %parallel_loop3A_1107, %parallel_loop3A_1109 : vector<16xi1>
        %parallel_loop3A_1111 = arith.cmpi eq, %parallel_loop3A_1086, %add3A_795 : vector<16xi32>
        %parallel_loop3A_1112 = arith.ori %lt3A_863, %parallel_loop3A_1111 : vector<16xi1>
        %parallel_loop3A_1113 = arith.andi %parallel_loop3A_1110, %parallel_loop3A_1112 : vector<16xi1>
        %parallel_loop3A_1114 = arith.cmpi eq, %parallel_loop3A_1090, %add3A_809 : vector<16xi32>
        %parallel_loop3A_1115 = arith.ori %lt3A_866, %parallel_loop3A_1114 : vector<16xi1>
        %parallel_loop3A_1116 = arith.andi %parallel_loop3A_1113, %parallel_loop3A_1115 : vector<16xi1>
        %parallel_loop3A_1117 = arith.cmpi eq, %parallel_loop3A_1094, %add3A_823 : vector<16xi32>
        %parallel_loop3A_1118 = arith.ori %lt3A_869, %parallel_loop3A_1117 : vector<16xi1>
        %parallel_loop3A_1119 = arith.andi %parallel_loop3A_1116, %parallel_loop3A_1118 : vector<16xi1>
        %parallel_loop3A_1120 = arith.cmpi eq, %parallel_loop3A_1098, %add3A_837 : vector<16xi32>
        %parallel_loop3A_1121 = arith.ori %lt3A_872, %parallel_loop3A_1120 : vector<16xi1>
        %parallel_loop3A_1122 = arith.andi %parallel_loop3A_1119, %parallel_loop3A_1121 : vector<16xi1>
        %parallel_loop3A_1123 = arith.cmpi eq, %parallel_loop3A_1102, %add3A_851 : vector<16xi32>
        %parallel_loop3A_1124 = arith.ori %lt3A_875, %parallel_loop3A_1123 : vector<16xi1>
        %parallel_loop3A_1125 = arith.andi %parallel_loop3A_1122, %parallel_loop3A_1124 : vector<16xi1>
        %parallel_loop3A_1126 = arith.index_cast %parallel_loop3A_1070 : i32 to index
        %parallel_loop3A_1127 = tpu.vector_load %arg9[%parallel_loop3A_1126] {strides = array<i32>} : memref<4096xi32, #tpu.memory_space<vmem>>, vector<16xi32>,
        tpu.vector_store_idx %arg11[%parallel_loop3A_1127], %broadcast_in_dim3A_5 masked %parallel_loop3A_1125 {add = true} : memref<32xf32, #tpu.memory_space<vmem>>[vector<16xi32>], vector<16xf32>, vector<16xi1>
        %parallel_loop3A_1128 = arith.constant 0 : i32
        %parallel_loop3A_1129 = vector.broadcast %parallel_loop3A_1128 : i32 to vector<16xi32>
        %parallel_loop3A_1130 = arith.addi %parallel_loop3A_1074, %parallel_loop3A_1129 : vector<16xi32>
        tpu.vector_store_idx %arg12[%parallel_loop3A_1130], %broadcast_in_dim3A_5 masked %parallel_loop3A_1125 : memref<256xf32, #tpu.memory_space<vmem>>[vector<16xi32>], vector<16xf32>, vector<16xi1>
        %parallel_loop3A_1131 = arith.constant 32 : i32
        %parallel_loop3A_1132 = vector.broadcast %parallel_loop3A_1131 : i32 to vector<16xi32>
        %parallel_loop3A_1133 = arith.addi %parallel_loop3A_1078, %parallel_loop3A_1132 : vector<16xi32>
        tpu.vector_store_idx %arg12[%parallel_loop3A_1133], %broadcast_in_dim3A_5 masked %parallel_loop3A_1125 : memref<256xf32, #tpu.memory_space<vmem>>[vector<16xi32>], vector<16xf32>, vector<16xi1>
        %parallel_loop3A_1134 = arith.constant 64 : i32
        %parallel_loop3A_1135 = vector.broadcast %parallel_loop3A_1134 : i32 to vector<16xi32>
        %parallel_loop3A_1136 = arith.addi %parallel_loop3A_1082, %parallel_loop3A_1135 : vector<16xi32>
        tpu.vector_store_idx %arg12[%parallel_loop3A_1136], %broadcast_in_dim3A_5 masked %parallel_loop3A_1125 : memref<256xf32, #tpu.memory_space<vmem>>[vector<16xi32>], vector<16xf32>, vector<16xi1>
        %parallel_loop3A_1137 = arith.constant 96 : i32
        %parallel_loop3A_1138 = vector.broadcast %parallel_loop3A_1137 : i32 to vector<16xi32>
        %parallel_loop3A_1139 = arith.addi %parallel_loop3A_1086, %parallel_loop3A_1138 : vector<16xi32>
        tpu.vector_store_idx %arg12[%parallel_loop3A_1139], %broadcast_in_dim3A_5 masked %parallel_loop3A_1125 : memref<256xf32, #tpu.memory_space<vmem>>[vector<16xi32>], vector<16xf32>, vector<16xi1>
        %parallel_loop3A_1140 = arith.constant 128 : i32
        %parallel_loop3A_1141 = vector.broadcast %parallel_loop3A_1140 : i32 to vector<16xi32>
        %parallel_loop3A_1142 = arith.addi %parallel_loop3A_1090, %parallel_loop3A_1141 : vector<16xi32>
        tpu.vector_store_idx %arg12[%parallel_loop3A_1142], %broadcast_in_dim3A_5 masked %parallel_loop3A_1125 : memref<256xf32, #tpu.memory_space<vmem>>[vector<16xi32>], vector<16xf32>, vector<16xi1>
        %parallel_loop3A_1143 = arith.constant 160 : i32
        %parallel_loop3A_1144 = vector.broadcast %parallel_loop3A_1143 : i32 to vector<16xi32>
        %parallel_loop3A_1145 = arith.addi %parallel_loop3A_1094, %parallel_loop3A_1144 : vector<16xi32>
        tpu.vector_store_idx %arg12[%parallel_loop3A_1145], %broadcast_in_dim3A_5 masked %parallel_loop3A_1125 : memref<256xf32, #tpu.memory_space<vmem>>[vector<16xi32>], vector<16xf32>, vector<16xi1>
        %parallel_loop3A_1146 = arith.constant 192 : i32
        %parallel_loop3A_1147 = vector.broadcast %parallel_loop3A_1146 : i32 to vector<16xi32>
        %parallel_loop3A_1148 = arith.addi %parallel_loop3A_1098, %parallel_loop3A_1147 : vector<16xi32>
        tpu.vector_store_idx %arg12[%parallel_loop3A_1148], %broadcast_in_dim3A_5 masked %parallel_loop3A_1125 : memref<256xf32, #tpu.memory_space<vmem>>[vector<16xi32>], vector<16xf32>, vector<16xi1>
        %parallel_loop3A_1149 = arith.constant 224 : i32
        %parallel_loop3A_1150 = vector.broadcast %parallel_loop3A_1149 : i32 to vector<16xi32>
        %parallel_loop3A_1151 = arith.addi %parallel_loop3A_1102, %parallel_loop3A_1150 : vector<16xi32>
        tpu.vector_store_idx %arg12[%parallel_loop3A_1151], %broadcast_in_dim3A_5 masked %parallel_loop3A_1125 : memref<256xf32, #tpu.memory_space<vmem>>[vector<16xi32>], vector<16xf32>, vector<16xi1>
      } {sc.loop_unroll_factor = 4 : i64, sc.parallel_access}
      %get3A_915 = arith.constant 0 : index
      %get3A_916 = tpu.vector_load %arg11[%get3A_915] {strides = array<i32>} : memref<32xf32, #tpu.memory_space<vmem>>, vector<16xf32>,
      %mul3A_917 = arith.mulf %get3A_916, %select_n3A_739 : vector<16xf32>
      %swap3A_918 = arith.constant 0 : index
      %swap3A_919 = tpu.vector_load %arg13[%swap3A_918] {strides = array<i32>} : memref<64xf32, #tpu.memory_space<vmem>>, vector<16xf32>,
      tpu.vector_store %arg13[%swap3A_918], %mul3A_917 {strides = array<i32>} : memref<64xf32, #tpu.memory_space<vmem>>, vector<16xf32>,
      %get3A_920 = arith.constant 16 : index
      %get3A_921 = tpu.vector_load %arg11[%get3A_920] {strides = array<i32>} : memref<32xf32, #tpu.memory_space<vmem>>, vector<16xf32>,
      %mul3A_922 = arith.mulf %get3A_921, %select_n3A_739 : vector<16xf32>
      %swap3A_923 = arith.constant 16 : index
      %swap3A_924 = tpu.vector_load %arg13[%swap3A_923] {strides = array<i32>} : memref<64xf32, #tpu.memory_space<vmem>>, vector<16xf32>,
      tpu.vector_store %arg13[%swap3A_923], %mul3A_922 {strides = array<i32>} : memref<64xf32, #tpu.memory_space<vmem>>, vector<16xf32>,
      %broadcast_in_dim3A_925 = arith.constant 0.000000e+00 : f32
      %broadcast_in_dim3A_926 = vector.broadcast %broadcast_in_dim3A_925 : f32 to vector<16xf32>
      %get3A_927 = arith.constant 0 : index
      %get3A_928 = tpu.vector_load %arg12[%get3A_927] {strides = array<i32>} : memref<256xf32, #tpu.memory_space<vmem>>, vector<16xf32>,
      %get3A_929 = arith.constant 16 : index
      %get3A_930 = tpu.vector_load %arg12[%get3A_929] {strides = array<i32>} : memref<256xf32, #tpu.memory_space<vmem>>, vector<16xf32>,
      %add3A_931 = arith.addf %get3A_928, %get3A_930 : vector<16xf32>
      %reduce_sum3A_932 = arith.constant true
      %reduce_sum3A_933 = vector.broadcast %reduce_sum3A_932 : i1 to vector<16xi1>
      %reduce_sum3A_934 = tpu.scan <sum>, %add3A_931 masked %reduce_sum3A_933 : vector<16xf32>, vector<16xi1> -> vector<16xf32>
      %reduce_sum3A_935 = vector.extract %reduce_sum3A_934[15] : f32 from vector<16xf32>
      %eq3A_936 = arith.constant 0 : i32
      %eq3A_937 = vector.broadcast %eq3A_936 : i32 to vector<16xi32>
      %eq3A_938 = arith.cmpi eq, %iota3A, %eq3A_937 : vector<16xi32>
      %jit3A_939 = arith.constant 0.000000e+00 : f32
      %broadcast_in_dim3A_940 = vector.broadcast %reduce_sum3A_935 : f32 to vector<16xf32>
      %broadcast_in_dim3A_941 = vector.broadcast %jit3A_939 : f32 to vector<16xf32>
      %select_n3A_942 = arith.select %eq3A_938, %broadcast_in_dim3A_940, %broadcast_in_dim3A_941 : vector<16xi1>, vector<16xf32>
      %add3A_943 = arith.addf %broadcast_in_dim3A_926, %select_n3A_942 : vector<16xf32>
      %get3A_944 = arith.constant 32 : index
      %get3A_945 = tpu.vector_load %arg12[%get3A_944] {strides = array<i32>} : memref<256xf32, #tpu.memory_space<vmem>>, vector<16xf32>,
      %get3A_946 = arith.constant 48 : index
      %get3A_947 = tpu.vector_load %arg12[%get3A_946] {strides = array<i32>} : memref<256xf32, #tpu.memory_space<vmem>>, vector<16xf32>,
      %add3A_948 = arith.addf %get3A_945, %get3A_947 : vector<16xf32>
      %reduce_sum3A_949 = arith.constant true
      %reduce_sum3A_950 = vector.broadcast %reduce_sum3A_949 : i1 to vector<16xi1>
      %reduce_sum3A_951 = tpu.scan <sum>, %add3A_948 masked %reduce_sum3A_950 : vector<16xf32>, vector<16xi1> -> vector<16xf32>
      %reduce_sum3A_952 = vector.extract %reduce_sum3A_951[15] : f32 from vector<16xf32>
      %eq3A_953 = arith.constant 1 : i32
      %eq3A_954 = vector.broadcast %eq3A_953 : i32 to vector<16xi32>
      %eq3A_955 = arith.cmpi eq, %iota3A, %eq3A_954 : vector<16xi32>
      %jit3A_956 = arith.constant 0.000000e+00 : f32
      %broadcast_in_dim3A_957 = vector.broadcast %reduce_sum3A_952 : f32 to vector<16xf32>
      %broadcast_in_dim3A_958 = vector.broadcast %jit3A_956 : f32 to vector<16xf32>
      %select_n3A_959 = arith.select %eq3A_955, %broadcast_in_dim3A_957, %broadcast_in_dim3A_958 : vector<16xi1>, vector<16xf32>
      %add3A_960 = arith.addf %add3A_943, %select_n3A_959 : vector<16xf32>
      %get3A_961 = arith.constant 64 : index
      %get3A_962 = tpu.vector_load %arg12[%get3A_961] {strides = array<i32>} : memref<256xf32, #tpu.memory_space<vmem>>, vector<16xf32>,
      %get3A_963 = arith.constant 80 : index
      %get3A_964 = tpu.vector_load %arg12[%get3A_963] {strides = array<i32>} : memref<256xf32, #tpu.memory_space<vmem>>, vector<16xf32>,
      %add3A_965 = arith.addf %get3A_962, %get3A_964 : vector<16xf32>
      %reduce_sum3A_966 = arith.constant true
      %reduce_sum3A_967 = vector.broadcast %reduce_sum3A_966 : i1 to vector<16xi1>
      %reduce_sum3A_968 = tpu.scan <sum>, %add3A_965 masked %reduce_sum3A_967 : vector<16xf32>, vector<16xi1> -> vector<16xf32>
      %reduce_sum3A_969 = vector.extract %reduce_sum3A_968[15] : f32 from vector<16xf32>
      %eq3A_970 = arith.constant 2 : i32
      %eq3A_971 = vector.broadcast %eq3A_970 : i32 to vector<16xi32>
      %eq3A_972 = arith.cmpi eq, %iota3A, %eq3A_971 : vector<16xi32>
      %jit3A_973 = arith.constant 0.000000e+00 : f32
      %broadcast_in_dim3A_974 = vector.broadcast %reduce_sum3A_969 : f32 to vector<16xf32>
      %broadcast_in_dim3A_975 = vector.broadcast %jit3A_973 : f32 to vector<16xf32>
      %select_n3A_976 = arith.select %eq3A_972, %broadcast_in_dim3A_974, %broadcast_in_dim3A_975 : vector<16xi1>, vector<16xf32>
      %add3A_977 = arith.addf %add3A_960, %select_n3A_976 : vector<16xf32>
      %get3A_978 = arith.constant 96 : index
      %get3A_979 = tpu.vector_load %arg12[%get3A_978] {strides = array<i32>} : memref<256xf32, #tpu.memory_space<vmem>>, vector<16xf32>,
      %get3A_980 = arith.constant 112 : index
      %get3A_981 = tpu.vector_load %arg12[%get3A_980] {strides = array<i32>} : memref<256xf32, #tpu.memory_space<vmem>>, vector<16xf32>,
      %add3A_982 = arith.addf %get3A_979, %get3A_981 : vector<16xf32>
      %reduce_sum3A_983 = arith.constant true
      %reduce_sum3A_984 = vector.broadcast %reduce_sum3A_983 : i1 to vector<16xi1>
      %reduce_sum3A_985 = tpu.scan <sum>, %add3A_982 masked %reduce_sum3A_984 : vector<16xf32>, vector<16xi1> -> vector<16xf32>
      %reduce_sum3A_986 = vector.extract %reduce_sum3A_985[15] : f32 from vector<16xf32>
      %eq3A_987 = arith.constant 3 : i32
      %eq3A_988 = vector.broadcast %eq3A_987 : i32 to vector<16xi32>
      %eq3A_989 = arith.cmpi eq, %iota3A, %eq3A_988 : vector<16xi32>
      %jit3A_990 = arith.constant 0.000000e+00 : f32
      %broadcast_in_dim3A_991 = vector.broadcast %reduce_sum3A_986 : f32 to vector<16xf32>
      %broadcast_in_dim3A_992 = vector.broadcast %jit3A_990 : f32 to vector<16xf32>
      %select_n3A_993 = arith.select %eq3A_989, %broadcast_in_dim3A_991, %broadcast_in_dim3A_992 : vector<16xi1>, vector<16xf32>
      %add3A_994 = arith.addf %add3A_977, %select_n3A_993 : vector<16xf32>
      %get3A_995 = arith.constant 128 : index
      %get3A_996 = tpu.vector_load %arg12[%get3A_995] {strides = array<i32>} : memref<256xf32, #tpu.memory_space<vmem>>, vector<16xf32>,
      %get3A_997 = arith.constant 144 : index
      %get3A_998 = tpu.vector_load %arg12[%get3A_997] {strides = array<i32>} : memref<256xf32, #tpu.memory_space<vmem>>, vector<16xf32>,
      %add3A_999 = arith.addf %get3A_996, %get3A_998 : vector<16xf32>
      %reduce_sum3A_1000 = arith.constant true
      %reduce_sum3A_1001 = vector.broadcast %reduce_sum3A_1000 : i1 to vector<16xi1>
      %reduce_sum3A_1002 = tpu.scan <sum>, %add3A_999 masked %reduce_sum3A_1001 : vector<16xf32>, vector<16xi1> -> vector<16xf32>
      %reduce_sum3A_1003 = vector.extract %reduce_sum3A_1002[15] : f32 from vector<16xf32>
      %eq3A_1004 = arith.constant 4 : i32
      %eq3A_1005 = vector.broadcast %eq3A_1004 : i32 to vector<16xi32>
      %eq3A_1006 = arith.cmpi eq, %iota3A, %eq3A_1005 : vector<16xi32>
      %jit3A_1007 = arith.constant 0.000000e+00 : f32
      %broadcast_in_dim3A_1008 = vector.broadcast %reduce_sum3A_1003 : f32 to vector<16xf32>
      %broadcast_in_dim3A_1009 = vector.broadcast %jit3A_1007 : f32 to vector<16xf32>
      %select_n3A_1010 = arith.select %eq3A_1006, %broadcast_in_dim3A_1008, %broadcast_in_dim3A_1009 : vector<16xi1>, vector<16xf32>
      %add3A_1011 = arith.addf %add3A_994, %select_n3A_1010 : vector<16xf32>
      %get3A_1012 = arith.constant 160 : index
      %get3A_1013 = tpu.vector_load %arg12[%get3A_1012] {strides = array<i32>} : memref<256xf32, #tpu.memory_space<vmem>>, vector<16xf32>,
      %get3A_1014 = arith.constant 176 : index
      %get3A_1015 = tpu.vector_load %arg12[%get3A_1014] {strides = array<i32>} : memref<256xf32, #tpu.memory_space<vmem>>, vector<16xf32>,
      %add3A_1016 = arith.addf %get3A_1013, %get3A_1015 : vector<16xf32>
      %reduce_sum3A_1017 = arith.constant true
      %reduce_sum3A_1018 = vector.broadcast %reduce_sum3A_1017 : i1 to vector<16xi1>
      %reduce_sum3A_1019 = tpu.scan <sum>, %add3A_1016 masked %reduce_sum3A_1018 : vector<16xf32>, vector<16xi1> -> vector<16xf32>
      %reduce_sum3A_1020 = vector.extract %reduce_sum3A_1019[15] : f32 from vector<16xf32>
      %eq3A_1021 = arith.constant 5 : i32
      %eq3A_1022 = vector.broadcast %eq3A_1021 : i32 to vector<16xi32>
      %eq3A_1023 = arith.cmpi eq, %iota3A, %eq3A_1022 : vector<16xi32>
      %jit3A_1024 = arith.constant 0.000000e+00 : f32
      %broadcast_in_dim3A_1025 = vector.broadcast %reduce_sum3A_1020 : f32 to vector<16xf32>
      %broadcast_in_dim3A_1026 = vector.broadcast %jit3A_1024 : f32 to vector<16xf32>
      %select_n3A_1027 = arith.select %eq3A_1023, %broadcast_in_dim3A_1025, %broadcast_in_dim3A_1026 : vector<16xi1>, vector<16xf32>
      %add3A_1028 = arith.addf %add3A_1011, %select_n3A_1027 : vector<16xf32>
      %get3A_1029 = arith.constant 192 : index
      %get3A_1030 = tpu.vector_load %arg12[%get3A_1029] {strides = array<i32>} : memref<256xf32, #tpu.memory_space<vmem>>, vector<16xf32>,
      %get3A_1031 = arith.constant 208 : index
      %get3A_1032 = tpu.vector_load %arg12[%get3A_1031] {strides = array<i32>} : memref<256xf32, #tpu.memory_space<vmem>>, vector<16xf32>,
      %add3A_1033 = arith.addf %get3A_1030, %get3A_1032 : vector<16xf32>
      %reduce_sum3A_1034 = arith.constant true
      %reduce_sum3A_1035 = vector.broadcast %reduce_sum3A_1034 : i1 to vector<16xi1>
      %reduce_sum3A_1036 = tpu.scan <sum>, %add3A_1033 masked %reduce_sum3A_1035 : vector<16xf32>, vector<16xi1> -> vector<16xf32>
      %reduce_sum3A_1037 = vector.extract %reduce_sum3A_1036[15] : f32 from vector<16xf32>
      %eq3A_1038 = arith.constant 6 : i32
      %eq3A_1039 = vector.broadcast %eq3A_1038 : i32 to vector<16xi32>
      %eq3A_1040 = arith.cmpi eq, %iota3A, %eq3A_1039 : vector<16xi32>
      %jit3A_1041 = arith.constant 0.000000e+00 : f32
      %broadcast_in_dim3A_1042 = vector.broadcast %reduce_sum3A_1037 : f32 to vector<16xf32>
      %broadcast_in_dim3A_1043 = vector.broadcast %jit3A_1041 : f32 to vector<16xf32>
      %select_n3A_1044 = arith.select %eq3A_1040, %broadcast_in_dim3A_1042, %broadcast_in_dim3A_1043 : vector<16xi1>, vector<16xf32>
      %add3A_1045 = arith.addf %add3A_1028, %select_n3A_1044 : vector<16xf32>
      %get3A_1046 = arith.constant 224 : index
      %get3A_1047 = tpu.vector_load %arg12[%get3A_1046] {strides = array<i32>} : memref<256xf32, #tpu.memory_space<vmem>>, vector<16xf32>,
      %get3A_1048 = arith.constant 240 : index
      %get3A_1049 = tpu.vector_load %arg12[%get3A_1048] {strides = array<i32>} : memref<256xf32, #tpu.memory_space<vmem>>, vector<16xf32>,
      %add3A_1050 = arith.addf %get3A_1047, %get3A_1049 : vector<16xf32>
      %reduce_sum3A_1051 = arith.constant true
      %reduce_sum3A_1052 = vector.broadcast %reduce_sum3A_1051 : i1 to vector<16xi1>
      %reduce_sum3A_1053 = tpu.scan <sum>, %add3A_1050 masked %reduce_sum3A_1052 : vector<16xf32>, vector<16xi1> -> vector<16xf32>
      %reduce_sum3A_1054 = vector.extract %reduce_sum3A_1053[15] : f32 from vector<16xf32>
      %eq3A_1055 = arith.constant 7 : i32
      %eq3A_1056 = vector.broadcast %eq3A_1055 : i32 to vector<16xi32>
      %eq3A_1057 = arith.cmpi eq, %iota3A, %eq3A_1056 : vector<16xi32>
      %jit3A_1058 = arith.constant 0.000000e+00 : f32
      %broadcast_in_dim3A_1059 = vector.broadcast %reduce_sum3A_1054 : f32 to vector<16xf32>
      %broadcast_in_dim3A_1060 = vector.broadcast %jit3A_1058 : f32 to vector<16xf32>
      %select_n3A_1061 = arith.select %eq3A_1057, %broadcast_in_dim3A_1059, %broadcast_in_dim3A_1060 : vector<16xi1>, vector<16xf32>
      %add3A_1062 = arith.addf %add3A_1045, %select_n3A_1061 : vector<16xf32>
      %mul3A_1063 = arith.mulf %add3A_1062, %select_n3A_739 : vector<16xf32>
      %swap3A_1064 = arith.constant 32 : index
      %swap3A_1065 = tpu.vector_load %arg13[%swap3A_1064] {strides = array<i32>} : memref<64xf32, #tpu.memory_space<vmem>>, vector<16xf32>,
      tpu.vector_store %arg13[%swap3A_1064], %mul3A_1063 {strides = array<i32>} : memref<64xf32, #tpu.memory_space<vmem>>, vector<16xf32>,
      %swap3A_1066 = arith.constant 48 : index
      %swap3A_1067 = tpu.vector_load %arg13[%swap3A_1066] {strides = array<i32>} : memref<64xf32, #tpu.memory_space<vmem>>, vector<16xf32>,
      tpu.vector_store %arg13[%swap3A_1066], %broadcast_in_dim3A_7 {strides = array<i32>} : memref<64xf32, #tpu.memory_space<vmem>>, vector<16xf32>,
      "tpu.region"() ({
        %run_scoped3A = tpu.sem_alloc : memref<!tpu.dma_semaphore, #tpu.memory_space<semaphore_mem>>
        %dma_start3A_1068 = arith.constant 0 : i32
        %dma_start3A_1069 = tpu.memref_slice %arg5[%add3A_567, %dma_start3A_1068] : memref<1024x64xf32, #tpu.memory_space<hbm>> -> memref<1x64xf32, #tpu.memory_space<hbm>>
        %dma_start3A_1070 = tpu.memref_squeeze %dma_start3A_1069 : memref<1x64xf32, #tpu.memory_space<hbm>> -> memref<64xf32, #tpu.memory_space<hbm>>
        %dma_start3A_1071 = arith.constant 0 : i32
        %dma_start3A_1072 = tpu.memref_slice %arg5[%add3A_567, %dma_start3A_1071] : memref<1024x64xf32, #tpu.memory_space<hbm>> -> memref<1x64xf32, #tpu.memory_space<hbm>>
        %dma_start3A_1073 = tpu.memref_squeeze %dma_start3A_1072 : memref<1x64xf32, #tpu.memory_space<hbm>> -> memref<64xf32, #tpu.memory_space<hbm>>
        tpu.enqueue_dma source(%arg13 : memref<64xf32, #tpu.memory_space<vmem>>) target(%dma_start3A_1073 : memref<64xf32, #tpu.memory_space<hbm>>) target_semaphore(%run_scoped3A : memref<!tpu.dma_semaphore, #tpu.memory_space<semaphore_mem>>)
        %dma_wait3A_1074 = arith.constant 0 : i32
        %dma_wait3A_1075 = tpu.memref_slice %arg5[%add3A_567, %dma_wait3A_1074] : memref<1024x64xf32, #tpu.memory_space<hbm>> -> memref<1x64xf32, #tpu.memory_space<hbm>>
        %dma_wait3A_1076 = tpu.memref_squeeze %dma_wait3A_1075 : memref<1x64xf32, #tpu.memory_space<hbm>> -> memref<64xf32, #tpu.memory_space<hbm>>
        %dma_wait3A_1077 = arith.constant 0 : i32
        %dma_wait3A_1078 = tpu.memref_slice %arg5[%add3A_567, %dma_wait3A_1077] : memref<1024x64xf32, #tpu.memory_space<hbm>> -> memref<1x64xf32, #tpu.memory_space<hbm>>
        %dma_wait3A_1079 = tpu.memref_squeeze %dma_wait3A_1078 : memref<1x64xf32, #tpu.memory_space<hbm>> -> memref<64xf32, #tpu.memory_space<hbm>>
        tpu.wait_dma2 semaphore(%run_scoped3A : memref<!tpu.dma_semaphore, #tpu.memory_space<semaphore_mem>>) src(%arg13 : memref<64xf32, #tpu.memory_space<vmem>>) dst(%dma_wait3A_1079 : memref<64xf32, #tpu.memory_space<hbm>>)
        tpu.yield
      }) : () -> ()
    }
    %scan3A_25 = arith.constant 16 : i32
    return
  }
}

module attributes {stable_mosaic.version = 14 : i64} {
  func.func @_mlp_body(%arg0: memref<1024x64xf32, #tpu.memory_space<vmem>>, %arg1: memref<44x256xf32, #tpu.memory_space<vmem>>, %arg2: memref<1x256xf32, #tpu.memory_space<vmem>>, %arg3: memref<256x8xf32, #tpu.memory_space<vmem>>, %arg4: memref<1x8xf32, #tpu.memory_space<vmem>>, %arg5: memref<40x256xf32, #tpu.memory_space<vmem>>, %arg6: memref<1x256xf32, #tpu.memory_space<vmem>>, %arg7: memref<256x32xf32, #tpu.memory_space<vmem>>, %arg8: memref<1x32xf32, #tpu.memory_space<vmem>>, %arg9: memref<1024x32xf32, #tpu.memory_space<vmem>>) attributes {dimension_semantics = [], scalar_prefetch = 0 : i64, scratch_operands = 0 : i64, tpu.core_type = #tpu.core_type<tc>} {
    %get3A = arith.constant 0 : index
    %get3A_0 = arith.constant 0 : index
    %get3A_1 = vector.load %arg0[%get3A, %get3A_0] : memref<1024x64xf32, #tpu.memory_space<vmem>>, vector<1024x64xf32>
    %slice3A = vector.extract_strided_slice %get3A_1 {offsets = [0, 0], sizes = [1024, 32], strides = [1, 1]} : vector<1024x64xf32> to vector<1024x32xf32>
    %slice3A_2 = vector.extract_strided_slice %get3A_1 {offsets = [0, 32], sizes = [1024, 8], strides = [1, 1]} : vector<1024x64xf32> to vector<1024x8xf32>
    %reduce_sum3A = arith.constant dense<0.000000e+00> : vector<1024xf32>
    %reduce_sum3A_3 = vector.multi_reduction <add>, %slice3A, %reduce_sum3A [1] : vector<1024x32xf32> to vector<1024xf32>
    %broadcast_in_dim3A = vector.shape_cast %reduce_sum3A_3 : vector<1024xf32> to vector<1024x1xf32>
    %max3A = arith.constant 1.000000e+00 : f32
    %max3A_4 = vector.broadcast %max3A : f32 to vector<1024x1xf32>
    %max3A_5 = arith.maximumf %broadcast_in_dim3A, %max3A_4 : vector<1024x1xf32>
    %div3A = vector.broadcast %max3A_5 : vector<1024x1xf32> to vector<1024x32xf32>
    %div3A_6 = arith.divf %slice3A, %div3A : vector<1024x32xf32>
    %gt3A = arith.constant 0.000000e+00 : f32
    %gt3A_7 = vector.broadcast %gt3A : f32 to vector<1024x1xf32>
    %gt3A_8 = arith.cmpf ogt, %broadcast_in_dim3A, %gt3A_7 : vector<1024x1xf32>
    %div3A_9 = arith.constant 1.000000e+00 : f32
    %div3A_10 = vector.broadcast %div3A_9 : f32 to vector<1024x1xf32>
    %div3A_11 = arith.divf %div3A_10, %max3A_5 : vector<1024x1xf32>
    %jit3A = arith.constant 0.000000e+00 : f32
    %broadcast_in_dim3A_12 = vector.broadcast %jit3A : f32 to vector<1024x1xf32>
    %select_n3A = arith.select %gt3A_8, %div3A_11, %broadcast_in_dim3A_12 : vector<1024x1xi1>, vector<1024x1xf32>
    %iota3A = tpu.iota {dimensions = array<i32: 1>} : vector<1024x32xi32>
    %max3A_13 = arith.constant 9.99999971E-10 : f32
    %max3A_14 = vector.broadcast %max3A_13 : f32 to vector<1024x32xf32>
    %max3A_15 = arith.maximumf %div3A_6, %max3A_14 : vector<1024x32xf32>
    %log3A = math.log %max3A_15 : vector<1024x32xf32>
    %mul3A = arith.mulf %max3A_15, %log3A : vector<1024x32xf32>
    %reduce_sum3A_16 = arith.constant dense<0.000000e+00> : vector<1024xf32>
    %reduce_sum3A_17 = vector.multi_reduction <add>, %mul3A, %reduce_sum3A_16 [1] : vector<1024x32xf32> to vector<1024xf32>
    %broadcast_in_dim3A_18 = vector.shape_cast %reduce_sum3A_17 : vector<1024xf32> to vector<1024x1xf32>
    %neg3A = arith.constant 0.000000e+00 : f32
    %neg3A_19 = vector.broadcast %neg3A : f32 to vector<1024x1xf32>
    %neg3A_20 = arith.subf %neg3A_19, %broadcast_in_dim3A_18 : vector<1024x1xf32>
    %reduce_max3A = arith.constant dense<0xFF800000> : vector<1024xf32>
    %reduce_max3A_21 = vector.multi_reduction <maximumf>, %div3A_6, %reduce_max3A [1] : vector<1024x32xf32> to vector<1024xf32>
    %broadcast_in_dim3A_22 = vector.shape_cast %reduce_max3A_21 : vector<1024xf32> to vector<1024x1xf32>
    %ge3A = vector.broadcast %broadcast_in_dim3A_22 : vector<1024x1xf32> to vector<1024x32xf32>
    %ge3A_23 = arith.cmpf oge, %div3A_6, %ge3A : vector<1024x32xf32>
    %jit3A_24 = arith.constant 32 : i32
    %broadcast_in_dim3A_25 = vector.broadcast %jit3A_24 : i32 to vector<1024x32xi32>
    %select_n3A_26 = arith.select %ge3A_23, %iota3A, %broadcast_in_dim3A_25 : vector<1024x32xi1>, vector<1024x32xi32>
    %reduce_min3A = arith.constant dense<2147483647> : vector<1024xi32>
    %reduce_min3A_27 = vector.multi_reduction <minsi>, %select_n3A_26, %reduce_min3A [1] : vector<1024x32xi32> to vector<1024xi32>
    %broadcast_in_dim3A_28 = vector.shape_cast %reduce_min3A_27 : vector<1024xi32> to vector<1024x1xi32>
    %eq3A = vector.broadcast %broadcast_in_dim3A_28 : vector<1024x1xi32> to vector<1024x32xi32>
    %eq3A_29 = arith.cmpi eq, %iota3A, %eq3A : vector<1024x32xi32>
    %jit3A_30 = arith.constant 0xFF800000 : f32
    %broadcast_in_dim3A_31 = vector.broadcast %jit3A_30 : f32 to vector<1024x32xf32>
    %select_n3A_32 = arith.select %eq3A_29, %broadcast_in_dim3A_31, %div3A_6 : vector<1024x32xi1>, vector<1024x32xf32>
    %reduce_max3A_33 = arith.constant dense<0xFF800000> : vector<1024xf32>
    %reduce_max3A_34 = vector.multi_reduction <maximumf>, %select_n3A_32, %reduce_max3A_33 [1] : vector<1024x32xf32> to vector<1024xf32>
    %broadcast_in_dim3A_35 = vector.shape_cast %reduce_max3A_34 : vector<1024xf32> to vector<1024x1xf32>
    %concatenate3A = tpu.concatenate %div3A_6, %slice3A_2, %neg3A_20, %broadcast_in_dim3A_22, %broadcast_in_dim3A_35, %select_n3A in 1 : vector<1024x32xf32>, vector<1024x8xf32>, vector<1024x1xf32>, vector<1024x1xf32>, vector<1024x1xf32>, vector<1024x1xf32> -> vector<1024x44xf32>
    %get3A_36 = arith.constant 0 : index
    %get3A_37 = arith.constant 0 : index
    %get3A_38 = vector.load %arg1[%get3A_36, %get3A_37] : memref<44x256xf32, #tpu.memory_space<vmem>>, vector<44x256xf32>
    %dot_general3A = arith.constant dense<0.000000e+00> : vector<1024x256xf32>
    %dot_general3A_39 = tpu.matmul %concatenate3A, %get3A_38, %dot_general3A {dimension_numbers = #tpu.dot_dimension_numbers<[1], [0], [0], [1], [0, 0, 1, 1], [], []>, transpose_lhs_hint = false} : vector<1024x44xf32>, vector<44x256xf32>, vector<1024x256xf32> -> vector<1024x256xf32>
    %get3A_40 = arith.constant 0 : index
    %get3A_41 = arith.constant 0 : index
    %get3A_42 = vector.load %arg2[%get3A_40, %get3A_41] : memref<1x256xf32, #tpu.memory_space<vmem>>, vector<1x256xf32>
    %add3A = vector.broadcast %get3A_42 : vector<1x256xf32> to vector<1024x256xf32>
    %add3A_43 = arith.addf %dot_general3A_39, %add3A : vector<1024x256xf32>
    %mul3A_44 = arith.constant 5.000000e-01 : f32
    %mul3A_45 = vector.broadcast %mul3A_44 : f32 to vector<1024x256xf32>
    %mul3A_46 = arith.mulf %mul3A_45, %add3A_43 : vector<1024x256xf32>
    %div3A_47 = arith.constant 1.41421354 : f32
    %div3A_48 = vector.broadcast %div3A_47 : f32 to vector<1024x256xf32>
    %div3A_49 = arith.divf %add3A_43, %div3A_48 : vector<1024x256xf32>
    %erf3A = math.erf %div3A_49 : vector<1024x256xf32>
    %add3A_50 = arith.constant 1.000000e+00 : f32
    %add3A_51 = vector.broadcast %add3A_50 : f32 to vector<1024x256xf32>
    %add3A_52 = arith.addf %add3A_51, %erf3A : vector<1024x256xf32>
    %mul3A_53 = arith.mulf %mul3A_46, %add3A_52 : vector<1024x256xf32>
    %get3A_54 = arith.constant 0 : index
    %get3A_55 = arith.constant 0 : index
    %get3A_56 = vector.load %arg3[%get3A_54, %get3A_55] : memref<256x8xf32, #tpu.memory_space<vmem>>, vector<256x8xf32>
    %dot_general3A_57 = arith.constant dense<0.000000e+00> : vector<1024x8xf32>
    %dot_general3A_58 = tpu.matmul %mul3A_53, %get3A_56, %dot_general3A_57 {dimension_numbers = #tpu.dot_dimension_numbers<[1], [0], [0], [1], [0, 0, 1, 1], [], []>, transpose_lhs_hint = false} : vector<1024x256xf32>, vector<256x8xf32>, vector<1024x8xf32> -> vector<1024x8xf32>
    %get3A_59 = arith.constant 0 : index
    %get3A_60 = arith.constant 0 : index
    %get3A_61 = vector.load %arg4[%get3A_59, %get3A_60] : memref<1x8xf32, #tpu.memory_space<vmem>>, vector<1x8xf32>
    %add3A_62 = vector.broadcast %get3A_61 : vector<1x8xf32> to vector<1024x8xf32>
    %add3A_63 = arith.addf %dot_general3A_58, %add3A_62 : vector<1024x8xf32>
    %iota3A_64 = tpu.iota {dimensions = array<i32: 1>} : vector<1024x8xi32>
    %reduce_max3A_65 = arith.constant dense<0xFF800000> : vector<1024xf32>
    %reduce_max3A_66 = vector.multi_reduction <maximumf>, %add3A_63, %reduce_max3A_65 [1] : vector<1024x8xf32> to vector<1024xf32>
    %broadcast_in_dim3A_67 = vector.shape_cast %reduce_max3A_66 : vector<1024xf32> to vector<1024x1xf32>
    %sub3A = vector.broadcast %broadcast_in_dim3A_67 : vector<1024x1xf32> to vector<1024x8xf32>
    %sub3A_68 = arith.subf %add3A_63, %sub3A : vector<1024x8xf32>
    %exp3A = math.exp %sub3A_68 : vector<1024x8xf32>
    %reduce_sum3A_69 = arith.constant dense<0.000000e+00> : vector<1024xf32>
    %reduce_sum3A_70 = vector.multi_reduction <add>, %exp3A, %reduce_sum3A_69 [1] : vector<1024x8xf32> to vector<1024xf32>
    %broadcast_in_dim3A_71 = vector.shape_cast %reduce_sum3A_70 : vector<1024xf32> to vector<1024x1xf32>
    %div3A_72 = vector.broadcast %broadcast_in_dim3A_71 : vector<1024x1xf32> to vector<1024x8xf32>
    %div3A_73 = arith.divf %exp3A, %div3A_72 : vector<1024x8xf32>
    %reduce_max3A_74 = arith.constant dense<0xFF800000> : vector<1024xf32>
    %reduce_max3A_75 = vector.multi_reduction <maximumf>, %div3A_73, %reduce_max3A_74 [1] : vector<1024x8xf32> to vector<1024xf32>
    %broadcast_in_dim3A_76 = vector.shape_cast %reduce_max3A_75 : vector<1024xf32> to vector<1024x1xf32>
    %ge3A_77 = vector.broadcast %broadcast_in_dim3A_76 : vector<1024x1xf32> to vector<1024x8xf32>
    %ge3A_78 = arith.cmpf oge, %div3A_73, %ge3A_77 : vector<1024x8xf32>
    %jit3A_79 = arith.constant 8 : i32
    %broadcast_in_dim3A_80 = vector.broadcast %jit3A_79 : i32 to vector<1024x8xi32>
    %select_n3A_81 = arith.select %ge3A_78, %iota3A_64, %broadcast_in_dim3A_80 : vector<1024x8xi1>, vector<1024x8xi32>
    %reduce_min3A_82 = arith.constant dense<2147483647> : vector<1024xi32>
    %reduce_min3A_83 = vector.multi_reduction <minsi>, %select_n3A_81, %reduce_min3A_82 [1] : vector<1024x8xi32> to vector<1024xi32>
    %broadcast_in_dim3A_84 = vector.shape_cast %reduce_min3A_83 : vector<1024xi32> to vector<1024x1xi32>
    %eq3A_85 = vector.broadcast %broadcast_in_dim3A_84 : vector<1024x1xi32> to vector<1024x8xi32>
    %eq3A_86 = arith.cmpi eq, %iota3A_64, %eq3A_85 : vector<1024x8xi32>
    %convert_element_type3A = arith.extui %eq3A_86 : vector<1024x8xi1> to vector<1024x8xi32>
    %convert_element_type3A_87 = arith.sitofp %convert_element_type3A : vector<1024x8xi32> to vector<1024x8xf32>
    %concatenate3A_88 = tpu.concatenate %div3A_6, %convert_element_type3A_87 in 1 : vector<1024x32xf32>, vector<1024x8xf32> -> vector<1024x40xf32>
    %get3A_89 = arith.constant 0 : index
    %get3A_90 = arith.constant 0 : index
    %get3A_91 = vector.load %arg5[%get3A_89, %get3A_90] : memref<40x256xf32, #tpu.memory_space<vmem>>, vector<40x256xf32>
    %dot_general3A_92 = arith.constant dense<0.000000e+00> : vector<1024x256xf32>
    %dot_general3A_93 = tpu.matmul %concatenate3A_88, %get3A_91, %dot_general3A_92 {dimension_numbers = #tpu.dot_dimension_numbers<[1], [0], [0], [1], [0, 0, 1, 1], [], []>, transpose_lhs_hint = false} : vector<1024x40xf32>, vector<40x256xf32>, vector<1024x256xf32> -> vector<1024x256xf32>
    %get3A_94 = arith.constant 0 : index
    %get3A_95 = arith.constant 0 : index
    %get3A_96 = vector.load %arg6[%get3A_94, %get3A_95] : memref<1x256xf32, #tpu.memory_space<vmem>>, vector<1x256xf32>
    %add3A_97 = vector.broadcast %get3A_96 : vector<1x256xf32> to vector<1024x256xf32>
    %add3A_98 = arith.addf %dot_general3A_93, %add3A_97 : vector<1024x256xf32>
    %mul3A_99 = arith.constant 5.000000e-01 : f32
    %mul3A_100 = vector.broadcast %mul3A_99 : f32 to vector<1024x256xf32>
    %mul3A_101 = arith.mulf %mul3A_100, %add3A_98 : vector<1024x256xf32>
    %div3A_102 = arith.constant 1.41421354 : f32
    %div3A_103 = vector.broadcast %div3A_102 : f32 to vector<1024x256xf32>
    %div3A_104 = arith.divf %add3A_98, %div3A_103 : vector<1024x256xf32>
    %erf3A_105 = math.erf %div3A_104 : vector<1024x256xf32>
    %add3A_106 = arith.constant 1.000000e+00 : f32
    %add3A_107 = vector.broadcast %add3A_106 : f32 to vector<1024x256xf32>
    %add3A_108 = arith.addf %add3A_107, %erf3A_105 : vector<1024x256xf32>
    %mul3A_109 = arith.mulf %mul3A_101, %add3A_108 : vector<1024x256xf32>
    %get3A_110 = arith.constant 0 : index
    %get3A_111 = arith.constant 0 : index
    %get3A_112 = vector.load %arg7[%get3A_110, %get3A_111] : memref<256x32xf32, #tpu.memory_space<vmem>>, vector<256x32xf32>
    %dot_general3A_113 = arith.constant dense<0.000000e+00> : vector<1024x32xf32>
    %dot_general3A_114 = tpu.matmul %mul3A_109, %get3A_112, %dot_general3A_113 {dimension_numbers = #tpu.dot_dimension_numbers<[1], [0], [0], [1], [0, 0, 1, 1], [], []>, transpose_lhs_hint = false} : vector<1024x256xf32>, vector<256x32xf32>, vector<1024x32xf32> -> vector<1024x32xf32>
    %get3A_115 = arith.constant 0 : index
    %get3A_116 = arith.constant 0 : index
    %get3A_117 = vector.load %arg8[%get3A_115, %get3A_116] : memref<1x32xf32, #tpu.memory_space<vmem>>, vector<1x32xf32>
    %add3A_118 = vector.broadcast %get3A_117 : vector<1x32xf32> to vector<1024x32xf32>
    %add3A_119 = arith.addf %dot_general3A_114, %add3A_118 : vector<1024x32xf32>
    %swap3A = arith.constant 0 : index
    %swap3A_120 = arith.constant 0 : index
    %swap3A_121 = vector.load %arg9[%swap3A, %swap3A_120] : memref<1024x32xf32, #tpu.memory_space<vmem>>, vector<1024x32xf32>
    tpu.vector_store %arg9[%swap3A, %swap3A_120], %add3A_119 {strides = array<i32>} : memref<1024x32xf32, #tpu.memory_space<vmem>>, vector<1024x32xf32>,
    return
  }
}

</mosaic_0001>

<sc_bundles>
// kernel: kernel.4.cloned.1.call-start
scs
__scs_entry_jumppad:
0x0: {  	(pc) =	sbr.rel $0x88, $3  }
0x1: {  	(tag) =	ssettag $0x0;
	lr =	simm.s32 $0x1  }
0x2: {  	[smem:$0x3F93] =	sst lr;
	_ =	strace $0xD0000000  }
0x3: {  	_ = 	snop  }
0x4: {  	_ = 	snop  }
0x5: {  	_ = 	snop  }
0x6: {  	_ = 	snop  }
0x7: {  	_ = 	snop  }
__scs_overlays_trampoline_lowered:
0x8: {  	[smem:$0x3FA2] =	sst s0  }
0x9: {  	[smem:$0x3FA3] =	sst s1  }
0xa: {  	[smem:$0x3FA4] =	sst s2  }
0xb: {  	[smem:$0x3FA5] =	sst s3  }
0xc: {  	[smem:$0x3FA6] =	sst s4  }
0xd: {  	[smem:$0x3FA7] =	sst s5  }
0xe: {  	[smem:$0x3FA8] =	sst s6  }
0xf: {  	[smem:$0x3FA9] =	sst s7  }
0x10: {  	[smem:$0x3FAA] =	sst s8  }
0x11: {  	[smem:$0x3FAB] =	sst s9;
	s0 =	simm.s32 @!p0 $0x0  }
0x12: {  	s1 =	sld [smem:$0x3F91];
	s0 =	simm.s32 @p0 $0x1  }
0x13: {  	[smem:$0x3FAC] =	sst s0;
	s0 =	simm.s32 @!p1 $0x0  }
0x14: {  	s2 =	sld [smem:$0x3F90];
	s0 =	simm.s32 @p1 $0x1  }
0x15: {  	[smem:$0x3FAD] =	sst s0;
	s0 =	simm.s32 @!p2 $0x0  }
0x16: {  	s3 =	sld [smem:$0x3FDB];
	s0 =	simm.s32 @p2 $0x1  }
0x17: {  	s4 =	simm.s32 $0x1BF5;
	[smem:$0x3FAF] =	sst s0  }
0x18: {  	s0 =	sld [smem:$0x3F92];
	_ =	swait.ge [sflag:s4], $0x0  }
0x19: {  	s7 =	sld [smem:$0x3F93]  }
0x1a: {  	s8 =	sadd.s32 $0xFFFFE003, lr  }
0x1b: {  	s9 =	sadd.s32 $0xFFFFFEF7, lr;
	s5 =	simm.s32 $0xFFFFFFFF;
	p2 =	slt.u32 s8, $0xFFFFF086  }
0x1c: {  	p1 =	slt.u32 s9, $0xF7A;
	s5 =	simm.s32 @!p2 $0x0  }
0x1d: {  	s5 =	simm.s32 @p1 $0x1;
	p0 =	seq.s32 s7, s2  }
0x1e: {  	s7 =	smul.u32 @!p0 $0xF7A, s2;
	p2 =	seq.s32 @!p0 s5, $0x0  }
0x1f: {  	s9 =	smul.u32 $0xF7A, s1;
	s8 =	simm.s32 @!p0 $0x1BF5;
	p2 =	por !p2, p0  }
0x20: {  	[sflag:s8] =	ssyncset.s32 @!p0 $0xFFFFF086;
	s6 =	sadd.s32 @!p0 s3, s7;
	s7 =	simm.s32 @!p0 $0x108  }
0x21: {  	s3 =	sadd.s32 s3, s9;
	s6 =	sadd.s32 @!p0 $0x88, s6;
	s7 =	simm.s32 @p2 $0x1082  }
0x22: {  	[simem:s7], [sflag:s8] =	dma.local @!p0 [hbm:s6], $0xF7A  }
0x23: {  	s9 =	sor.u32 $0xD0000000, s2;
	s6 =	simm.s32 $0x108;
	_ =	swait.ge @!p0 [sflag:s8], $0x0  }
0x24: {  	s3 =	sadd.s32 $0x88, s3;
	s6 =	simm.s32 @!p1 $0x1082;
	[sflag:s4] =	ssyncset.s32 $0xFFFFF086  }
0x25: {  	[simem:s6], [sflag:s4] =	dma.local [hbm:s3], $0xF7A  }
0x26: {  	[smem:$0x3F93] =	sst s1;
	(tag) =	ssettag s2;
	_ =	strace s9  }
0x27: {  	s1 =	sld [smem:$0x3FA3]  }
0x28: {  	s2 =	sld [smem:$0x3FA4]  }
0x29: {  	s4 =	sld [smem:$0x3FA6]  }
0x2a: {  	p0 =	seq.s32 s5, $0x0;
	s5 =	sld [smem:$0x3FA7]  }
0x2b: {  	s6 =	sld [smem:$0x3FA8]  }
0x2c: {  	s7 =	sld [smem:$0x3FA9]  }
0x2d: {  	s3 =	simm.s32 $0x108;
	s8 =	sld [smem:$0x3FAA]  }
0x2e: {  	s3 =	simm.s32 @!p0 $0x1082;
	s9 =	sld [smem:$0x3FAB]  }
0x2f: {  	lr =	sadd.s32 s0, s3;
	s0 =	sld [smem:$0x3FA2]  }
0x30: {  	s3 =	sld [smem:$0x3FA5]  }
0x31: {  	[smem:$0x3FAE] =	sst s10  }
0x32: {  	s10 =	sld [smem:$0x3FAC];
	_ =	sdelay $0x3  }
0x33: {  	p0 =	seq.s32 s10, $0x1;
	s10 =	sld [smem:$0x3FAE];
	_ =	sdelay $0x3  }
0x34: {  	[smem:$0x3FAE] =	sst s10  }
0x35: {  	s10 =	sld [smem:$0x3FAD];
	_ =	sdelay $0x3  }
0x36: {  	p1 =	seq.s32 s10, $0x1;
	s10 =	sld [smem:$0x3FAE];
	_ =	sdelay $0x3  }
0x37: {  	[smem:$0x3FAE] =	sst s10  }
0x38: {  	s10 =	sld [smem:$0x3FAF]  }
0x39: {  	_ = 	snop;
	(pc) =	sbr.ind lr, $3  }
0x3a: {  	_ = 	snop  }
0x3b: {  	_ = 	snop  }
0x3c: {  	p2 =	seq.s32 s10, $0x1;
	s10 =	sld [smem:$0x3FAE]  }
0x3d: {  	_ =	shalt  }
0x3e: {  	_ =	shalt  }
0x3f: {  	_ =	shalt  }
0x40: {  	_ =	shalt  }
0x41: {  	_ =	shalt  }
0x42: {  	_ =	shalt  }
0x43: {  	_ =	shalt  }
0x44: {  	_ =	shalt  }
0x45: {  	_ =	shalt  }
0x46: {  	_ =	shalt  }
0x47: {  	_ =	shalt  }
0x48: {  	_ =	shalt  }
0x49: {  	_ =	shalt  }
0x4a: {  	_ =	shalt  }
0x4b: {  	_ =	shalt  }
0x4c: {  	_ =	shalt  }
0x4d: {  	_ =	shalt  }
0x4e: {  	_ =	shalt  }
0x4f: {  	_ =	shalt  }
0x50: {  	_ =	shalt  }
0x51: {  	_ =	shalt  }
0x52: {  	_ =	shalt  }
0x53: {  	_ =	shalt  }
0x54: {  	_ =	shalt  }
0x55: {  	_ =	shalt  }
0x56: {  	_ =	shalt  }
0x57: {  	_ =	shalt  }
0x58: {  	_ =	shalt  }
0x59: {  	_ =	shalt  }
0x5a: {  	_ =	shalt  }
0x5b: {  	_ =	shalt  }
0x5c: {  	_ =	shalt  }
0x5d: {  	_ =	shalt  }
0x5e: {  	_ =	shalt  }
0x5f: {  	_ =	shalt  }
0x60: {  	_ =	shalt  }
0x61: {  	_ =	shalt  }
0x62: {  	_ =	shalt  }
0x63: {  	_ =	shalt  }
0x64: {  	_ =	shalt  }
0x65: {  	_ =	shalt  }
0x66: {  	_ =	shalt  }
0x67: {  	_ =	shalt  }
0x68: {  	_ =	shalt  }
0x69: {  	_ =	shalt  }
0x6a: {  	_ =	shalt  }
0x6b: {  	_ =	shalt  }
0x6c: {  	_ =	shalt  }
0x6d: {  	_ =	shalt  }
0x6e: {  	_ =	shalt  }
0x6f: {  	_ =	shalt  }
0x70: {  	_ =	shalt  }
0x71: {  	_ =	shalt  }
0x72: {  	_ =	shalt  }
0x73: {  	_ =	shalt  }
0x74: {  	_ =	shalt  }
0x75: {  	_ =	shalt  }
0x76: {  	_ =	shalt  }
0x77: {  	_ =	shalt  }
0x78: {  	_ =	shalt  }
0x79: {  	_ =	shalt  }
0x7a: {  	_ =	shalt  }
0x7b: {  	_ =	shalt  }
0x7c: {  	_ =	shalt  }
0x7d: {  	_ =	shalt  }
0x7e: {  	_ =	shalt  }
0x7f: {  	_ =	shalt  }
0x80: {  	_ =	shalt  }
0x81: {  	_ =	shalt  }
0x82: {  	_ =	shalt  }
0x83: {  	_ =	shalt  }
0x84: {  	_ =	shalt  }
0x85: {  	_ =	shalt  }
0x86: {  	_ =	shalt  }
0x87: {  	_ =	shalt  }
.Lfunc_end0:
.L_simem_size_0:
called_computation_lowered:
.L_overlay_start_0:
0x88: {  	s2 =	sld [smem:$0x3FD9]  }
0x89: {  	s3 =	sld [smem:$0x3FFE];
	_ =	sdelay $0x1  }
0x8a: {  	s1 =	srdreg.scid  }
0x8b: {  	s0 =	sand.u32 $0x1, s1  }
0x8c: {  	s17 =	sshll.u32 s0, $0xA;
	s2 =	sadd.s32 s3, s2  }
0x8d: {  	s2 =	sadd.s32 s2, s17  }
0x8e: {  	[smem:$0x3FBA] =	sst s2  }
0x8f: {  	_ = 	snop  }
0x90: {  	s2 =	sld [smem:$0x3FC9]  }
0x91: {  	s18 =	sld [smem:$0x3FC8]  }
0x92: {  	s4 =	sld [smem:$0x3FD0];
	(tm) =	ssettm $0x1  }
0x93: {  	s5 =	sld [smem:$0x3FFB];
	_ =	sdelay $0x3  }
0x94: {  	_ =	strace s5  }
0x95: {  	s5 =	sld [smem:$0x3FFC];
	_ =	sdelay $0x3  }
0x96: {  	_ =	strace s5  }
0x97: {  	s5 =	sld [smem:$0x3FFD];
	_ =	sdelay $0x3  }
0x98: {  	_ =	strace s5  }
0x99: {  	_ =	strace $0x8FFFFFFF  }
0x9a: {  	s19 =	sld [smem:$0x3FDB];
	_ =	sdelay $0x1  }
0x9b: {  	s6 =	simm.s32 $_scs_section_size  }
0x9c: {  	s7 =	simm.s32 $_size__tile_overlayer_lowered;
	s8 =	simm.s32 $_tile_overlayer_lowered  }
0x9d: {  	s22 =	simm.s32 $0x1BFF;
	s21 =	sshll.u32 s8, $0x1;
	s5 =	sadd.s32 s6, s19  }
0x9e: {  	s9 =	simm.s32 $0x0;
	s20 =	sshll.u32 s7, $0x1;
	s7 =	sadd.s32 s21, s5  }
0x9f: {  	[timem:s9], [sflag:s22] =	dma.local [hbm:s7], s20  }
0xa0: {  	_ =	swait.ge [sflag:s22], s20  }
0xa1: {  	s6 =	ssub.s32 $0x0, s20;
	[sflag:s22] =	ssyncset.done $0x0  }
0xa2: {  	[sflag:s22] =	ssyncadd.s32 s6;
	_ =	sdelay $0x1  }
0xa3: {  	s23 =	simm.s32 $0x1B8B  }
0xa4: {  	_ =	swait.ge [sflag:s23], $0x1  }
0xa5: {  	[sflag:s23] =	ssyncset.done $0x0  }
0xa6: {  	s25 =	simm.s32 $0x1B8E;
	s24 =	sld [smem:$0x3FFE];
	[sflag:s23] =	ssyncadd.s32 $0xFFFFFFFF  }
0xa7: {  	s26 =	simm.s32 $execute0_lowered;
	[smem:$0x3FD2] =	sst s25  }
0xa8: {  	s7 =	sshll.u32 s26, $0x1;
	_ =	strace $0x80000046;
	[dreg:$0x1] =	wrdreg $0xFFFFFFFF  }
0xa9: {  	s28 =	simm.s32 $_size_execute0_lowered;
	s5 =	sadd.s32 s5, s7;
	[dreg:$0x0] =	wrdreg $0x0  }
0xaa: {  	s7 =	sshll.u32 s28, $0x1;
	[dreg:$0x2] =	wrdreg s5  }
0xab: {  	[dreg:$0x3] =	wrdreg s7  }
0xac: {  	[dreg:$0x4] =	wrdreg $0xC0  }
0xad: {  	_ =	task [dreg:s9], $0x5FFFF  }
0xae: {  	[dreg:$0x1] =	wrdreg $0xFFFFFFFF  }
0xaf: {  	[dreg:$0x0] =	wrdreg $0x60  }
0xb0: {  	[dreg:$0x2] =	wrdreg s2  }
0xb1: {  	[dreg:$0x3] =	wrdreg s18  }
0xb2: {  	[dreg:$0x4] =	wrdreg s4  }
0xb3: {  	[dreg:$0x5] =	wrdreg s24  }
0xb4: {  	[dreg:$0x6] =	wrdreg $0x9  }
0xb5: {  	_ =	task.clear_ibuf [dreg:s9], $0x7FFFF;
	_ =	strace $0x90000046  }
0xb6: {  	s29 =	simm.s32 $0x9;
	_ =	strace $0x80000048  }
0xb7: {  	_ =	swait.ge [sflag:s29], $0x1  }
0xb8: {  	[sflag:s29] =	ssyncadd.s32 $0xFFFFFFFF  }
0xb9: {  	_ =	strace $0x90000048  }
0xba: {  	_ =	sfence  }
0xbb: {  	s30 =	sld [smem:$0x0];
	_ =	sdelay $0x2  }
0xbc: {  	s31 =	sshll.u32 s1, $0xD;
	s1 =	sshrl.u32 s1, $0x2  }
0xbd: {  	s3 =	sand.u32 $0x4000, s31;
	s1 =	sadd.s32 s1, s30  }
0xbe: {  	s0 =	sor.u32 s3, s0;
	s1 =	sshll.u32 s1, $0x11  }
0xbf: {  	s0 =	sor.u32 s1, s0  }
0xc0: {  	s0 =	sadd.s32 $0x8F2B, s0  }
0xc1: {  	[sflag:s0] =	ssyncadd.remote.s32 $0x1  }
0xc2: {  	_ =	sfence.sel $0xFFFF  }
0xc3: {  	[dreg:$0x0] =	wrdreg $0xFFFFFFFF;
	(pc) =	sbr.abs _section_cstart, $3  }
0xc4: {  	[dreg:$0x1] =	wrdreg $0xFFFFFFFF  }
0xc5: {  	_ =	task.clear_ibuf [dreg:s9], $0x2FFFF;
	_ =	strace $0x9FFFFFFF  }
0xc6: {  	(tm) =	ssettm $0x7FFFFFFF  }
0xc7: {  	_ =	shalt  }
tec
execute0_lowered:
.L_overlay_start_1:
0x0: {  	(tag) =	ssettag $0x1  }
0x1: {  	s1 =	rddreg [dreg:$0x0]  }
0x2: {  	s2 =	rddreg [dreg:$0x1]  }
0x3: {  	s0 =	rddreg [dreg:$0x2]  }
0x4: {  	s3 =	rddreg [dreg:$0x3];
	s5 =	srdreg.scid;
	s4 =	simm.s32 $0x0  }
0x5: {  	s24 =	stileid.u32;
	s12 =	simm.s32 $0x3;
	s13 =	simm.s32 $0x80  }
0x6: {  	s14 =	simm.s32 $0x400;
	s16 =	simm.s32 $0x8000;
	s17 =	simm.s32 $0x11000  }
0x7: {  	s18 =	simm.s32 $0x1;
	s19 =	simm.s32 $0x12200;
	s20 =	simm.s32 $0x12280  }
0x8: {  	s21 =	simm.s32 $0x12380;
	s6 =	sand.u32 $0x1, s5;
	s9 =	sshll.u32 s24, $0x1  }
0x9: {  	s22 =	simm.s32 $0x2;
	[smem:$0x7FF] =	sst s4;
	s26 =	sor.u32 s6, s9  }
0xa: {  	s7 =	ssub.s32 $0x2, s6;
	_ =	strace $0x80000047;
	s28 =	sshll.u32 s26, $0x6  }
0xb: {  	s8 =	sshrl.u32 s7, $0x1;
	s9 =	sshll.u32 s26, $0x11;
	s0 =	sadd.s32 s0, s28  }
0xc: {  	s30 =	sshll.u32 s26, $0xE;
	s29 =	sadd.s32 s1, s9;
	[dreg:$0x5] =	wrdreg s0  }
0xd: {  	vm7 =	vmmov $0x1;
	v3 =	vimm.s32 $0x0;
	s25 =	ssub.s32 s7, s8;
	[dreg:$0x6] =	wrdreg s29;
	s0 =	sadd.s32 s2, s30  }
0xe: {  	s5 =	sadd.s32 $0x1600, s3;
	v3 =	vsel vm7, $0xFFFFFFFF, v3;
	s31 =	smax.u32 s25, $0x1;
	[dreg:$0x7] =	wrdreg s0  }
0xf: {  	v0 =	vlaneseq.u32;
	v1 =	vimm.f32 $0.0e+00;
	v2 =	vimm.f32 $1.000000000e+00;
	s3 =	simm.s32 $0x0;
	[tilespmem:$0x1FFF0] =	vst v3;
	s6 =	sshll.u32 s26, $0x5;
	[dreg:$0x8] =	wrdreg s31  }
.LBB2_1:
0x10: {  	[dreg:$0x9] =	wrdreg s3  }
0x11: {  	s0 =	rddreg [dreg:$0x5];
	s28 =	simm.s32 $0x12000  }
0x12: {  	[tilespmem:s28], [sflag:$0x3] =	stream.linear.gather [hbm4b:s0+s4], $0x200, $0x38;
	[tilespmem:$0x12400] =	vst v63  }
0x13: {  	_ =	swait.ge [sflag:s12], $0x200  }
0x14: {  	[sflag:s12] =	ssyncset.done $0x0  }
0x15: {  	s29 =	rddreg [dreg:$0x6];
	[sflag:s12] =	ssyncadd.s32 $0xFFFFFE00  }
0x16: {  	[tilespmem:s4], [sflag:$0x1] =	stream.linear.gather [hbm4b:s29+s4], $0x8000, $0x38;
	[tilespmem:$0x12400] =	vst v63  }
0x17: {  	s31 =	simm.s32 $0x10000;
	s24 =	simm.s32 $0x0;
	s30 =	rddreg [dreg:$0x7]  }
0x18: {  	[tilespmem:s31], [sflag:$0x1] =	stream.strided.gather [hbm4b:s30+s13], $0x1000, s14, s13, $0x38;
	[tilespmem:$0x12400] =	vst v63  }
.LBB2_2:
0x19: {  	s25 =	sshll.u32 s24, $0x1  }
0x1a: {  	s28 =	sadd.s32 s6, s25  }
0x1b: {  	s0 =	sor.u32 $0x1, s28  }
0x1c: {  	s3 =	sshll.u32 s0, $0xC  }
0x1d: {  	s3 =	sand.u32 $0x1FFFF000, s3  }
0x1e: {  	s23 =	simm.s32 $0x0;
	s26 =	sshll.u32 s28, $0x9;
	s7 =	sadd.s32 s1, s3  }
0x1f: {  	[tilespmem:s16], [sflag:$0x2] =	stream.linear.gather [hbm4b:s7+s23], $0x8000, $0x38;
	[tilespmem:$0x12400] =	vst v63  }
0x20: {  	s0 =	sshll.u32 s0, $0x4;
	s7 =	sand.u32 $0xFFFF000, s26  }
0x21: {  	s0 =	sand.u32 $0x70, s0;
	s7 =	sadd.s32 s2, s7  }
0x22: {  	s0 =	sadd.s32 s0, s7  }
0x23: {  	[tilespmem:s17], [sflag:$0x2] =	stream.strided.gather [hbm4b:s0+s13], $0x1000, s14, s13, $0x38;
	[tilespmem:$0x12400] =	vst v63  }
0x24: {  	_ =	swait.ge [sflag:s18], $0x8000  }
0x25: {  	[sflag:s18] =	ssyncset.done $0x0  }
0x26: {  	[sflag:s18] =	ssyncadd.s32 $0xFFFF8000  }
0x27: {  	_ =	swait.ge [sflag:s18], $0x1000  }
0x28: {  	s26 =	sshll.u32 s24, $0x5;
	[sflag:s18] =	ssyncset.done $0x0  }
0x29: {  	s7 =	sand.u32 $0x3FFFFFE0, s26;
	[sflag:s18] =	ssyncadd.s32 $0xFFFFF000  }
0x2a: {  	v3 =	vld [tilespmem:s7+$0x12000];
	_ =	sdelay $0x4  }
0x2b: {  	vm8 =	vcmask $0x308;
	v4 =	vnsel vm7, $0x0, v3  }
0x2c: {  	(xrf0) =	vadd.scan.msk.s32 $0xffff, v4;
	v4 =	vsel vm8, $0x0, v3  }
0x2d: {  	vm9 =	vcmask $0x1318;
	(xrf0) =	vadd.scan.msk.s32 $0xffff, v4  }
0x2e: {  	vm10 =	vcmask $0x70C;
	v4 =	vsel vm9, $0x0, v3  }
0x2f: {  	(xrf0) =	vadd.scan.msk.s32 $0xffff, v4;
	v4 =	vsel vm10, $0x0, v3  }
0x30: {  	(xrf0) =	vadd.scan.msk.s32 $0xffff, v4  }
0x31: {  	vm11 =	vcmask $0x171C  }
0x32: {  	vm12 =	vcmask $0xB10;
	v4 =	vsel vm11, $0x0, v3;
	v5, _, _ =	vpop (xrf0)  }
0x33: {  	(xrf0) =	vadd.scan.msk.s32 $0xffff, v4;
	v4 =	vsel vm12, $0x0, v3;
	v6, _, _ =	vpop (xrf0)  }
0x34: {  	vm13 =	vcmask $0x1B20;
	(xrf0) =	vadd.scan.msk.s32 $0xffff, v4;
	v4 =	vbroadcast v6, $0xF  }
0x35: {  	vm14 =	vcmask $0xF14;
	v5 =	vbroadcast v5, $0xF;
	v6 =	vsel vm13, $0x0, v3;
	v7, _, _ =	vpop (xrf0)  }
0x36: {  	(xrf0) =	vadd.scan.msk.s32 $0xffff, v6;
	v6 =	vsel vm14, $0x0, v3;
	vm3 =	veq.s32 v4, v0;
	v4 =	vbroadcast v7, $0xF;
	v7, _, _ =	vpop (xrf0)  }
0x37: {  	v5 =	vnsel vm7, $0xFFFFFFFF, v5;
	(xrf0) =	vadd.scan.msk.s32 $0xffff, v6;
	v6 =	vbroadcast v7, $0xF  }
0x38: {  	vm1 =	vcmask $0x1F24;
	vm0 =	vlt.s32 v5, $0x0  }
0x39: {  	v3 =	vsel vm1, $0x0, v3;
	vm0 =	vmand vm3, vm0  }
0x3a: {  	[tilespmem:$0x12200] =	vst v1;
	v8, _, _ =	vpop (xrf0);
	(xrf0) =	vadd.scan.msk.s32 $0xffff, v3;
	v7 =	vsel vm0, v4, v5  }
0x3b: {  	[tilespmem:$0x12210] =	vst v1;
	v3 =	vbroadcast v8, $0xF;
	vm2 =	veq.s32 v6, v0;
	vm0 =	vlt.s32 v7, $0x0;
	v6, _, _ =	vpop (xrf0)  }
0x3c: {  	[tilespmem:$0x12280] =	vst v1;
	vm0 =	vmand vm2, vm0;
	v6 =	vbroadcast v6, $0xF  }
0x3d: {  	[tilespmem:$0x12290] =	vst v1;
	v8 =	vsel vm0, v3, v7;
	v9, _, _ =	vpop (xrf0)  }
0x3e: {  	[tilespmem:$0x122A0] =	vst v1;
	vm1 =	vlt.s32 v8, $0x0;
	vm0 =	veq.s32 v6, v0;
	v6 =	vbroadcast v9, $0xF;
	v9, _, _ =	vpop (xrf0)  }
0x3f: {  	[tilespmem:$0x122B0] =	vst v1;
	vm1 =	vmand vm0, vm1;
	v9 =	vbroadcast v9, $0xF  }
0x40: {  	[tilespmem:$0x122C0] =	vst v1;
	v11, _, _ =	vpop (xrf0);
	v10 =	vsel vm1, v6, v8  }
0x41: {  	[tilespmem:$0x122D0] =	vst v1;
	vm1 =	veq.s32 v9, v0;
	v9 =	vbroadcast v11, $0xF;
	vm4 =	vlt.s32 v10, $0x0  }
0x42: {  	[tilespmem:$0x122E0] =	vst v1;
	vm4 =	vmand vm1, vm4  }
0x43: {  	[tilespmem:$0x122F0] =	vst v1;
	vm6 =	vne.s32 v5, v4;
	v4 =	vsel vm4, v9, v10  }
0x44: {  	[tilespmem:$0x12300] =	vst v1;
	vm5 =	vgt.s32 v5, $0xFFFFFFFF;
	v5 =	vnsel vm7, $0x0, v4  }
0x45: {  	[tilespmem:$0x12310] =	vst v1;
	(xrf0) =	vadd.scan.msk.s32 $0xffff, v5;
	v5 =	vsel vm8, $0x0, v4  }
0x46: {  	[tilespmem:$0x12320] =	vst v1;
	(xrf0) =	vadd.scan.msk.s32 $0xffff, v5;
	v5 =	vsel vm10, $0x0, v4  }
0x47: {  	vm4 =	vmand vm5, vm6;
	vm5 =	vne.s32 v7, v3;
	v3 =	vsel vm12, $0x0, v4;
	(xrf0) =	vadd.scan.msk.s32 $0xffff, v5  }
0x48: {  	[tilespmem:$0x12330] =	vst v1;
	(xrf0) =	vadd.scan.msk.s32 $0xffff, v3;
	v3 =	vsel vm14, $0x0, v4  }
0x49: {  	[tilespmem:$0x12340] =	vst v1;
	(xrf0) =	vadd.scan.msk.s32 $0xffff, v3;
	v3 =	vsel vm9, $0x0, v4  }
0x4a: {  	[tilespmem:$0x12350] =	vst v1;
	(xrf0) =	vadd.scan.msk.s32 $0xffff, v3;
	v3 =	vsel vm11, $0x0, v4  }
0x4b: {  	s8 =	sand.u32 $0x40, s23;
	s11 =	sand.u32 $0x7C00, s23;
	[tilespmem:$0x12360] =	vst v1;
	vm3 =	vmand vm3, vm4;
	vm4 =	vgt.s32 v7, $0xFFFFFFFF;
	v5, _, _ =	vpop (xrf0);
	(xrf0) =	vadd.scan.msk.s32 $0xffff, v3  }
0x4c: {  	[tilespmem:$0x12370] =	vst v1;
	s7 =	sor.u32 s8, s11;
	vm4 =	vmand vm4, vm5;
	v3 =	vsel vm13, $0x0, v4;
	v4, _, _ =	vpop (xrf0)  }
0x4d: {  	s15 =	sor.u32 $0x30, s8;
	s0 =	sor.u32 $0x10, s8;
	s8 =	sor.u32 $0x20, s8;
	v21 =	vld [tilespmem:s7+$0x300];
	vm5 =	vne.s32 v8, v6;
	vm2 =	vmand vm2, vm4;
	vm4 =	vgt.s32 v8, $0xFFFFFFFF;
	v6, _, _ =	vpop (xrf0)  }
0x4e: {  	s10 =	sor.u32 s15, s11;
	s9 =	sor.u32 s0, s11;
	v20 =	vld [tilespmem:s7+$0x200];
	s11 =	sor.u32 s8, s11;
	vm6 =	vne.s32 v10, v9;
	vm4 =	vmand vm4, vm5;
	vm5 =	vgt.s32 v10, $0xFFFFFFFF;
	v10, _, _ =	vpop (xrf0)  }
0x4f: {  	v14 =	vld [tilespmem:s11+$0x100];
	v11, _, _ =	vpop (xrf0)  }
0x50: {  	v15 =	vld [tilespmem:s11+$0x80];
	vm2 =	vmor vm3, vm2;
	vm0 =	vmand vm0, vm4;
	v12, _, _ =	vpop (xrf0)  }
0x51: {  	v40 =	vld [tilespmem:s10+$0x0];
	vm3 =	vmand vm5, vm6;
	vm0 =	vmor vm2, vm0;
	v13, _, _ =	vpop (xrf0)  }
0x52: {  	v23 =	vld [tilespmem:s11+$0x0];
	vm1 =	vmand vm1, vm3;
	v8 =	vbroadcast v5, $0xF;
	v5 =	vbroadcast v13, $0xF  }
0x53: {  	v25 =	vld [tilespmem:s9+$0x200];
	vm0 =	vmor vm0, vm1;
	v9 =	vbroadcast v6, $0xF  }
0x54: {  	v34 =	vld [tilespmem:s9+$0x80];
	v6 =	vbroadcast v12, $0xF;
	v12 =	vimm.s32 $0x0;
	vm1 =	veq.s32 v21, v5  }
0x55: {  	v29 =	vld [tilespmem:s7+$0x100];
	v51 =	vadd.s32 $0x20, v15;
	v52 =	vadd.s32 $0x40, v14;
	v12 =	vsel vm1, $0xFFFFFFFF, v12  }
0x56: {  	v27 =	vld [tilespmem:s7+$0x0];
	(xrf0) =	vadd.scan.msk.s32 $0xffff, v3;
	v3 =	vmpcnt.ones.xlane vm0;
	v7 =	vbroadcast v4, $0xF;
	[tilespmem:$0x1FF50] =	vst v12  }
0x57: {  	vm13 =	vlt.s32 v8, $0x0;
	vm3 =	veq.s32 v40, v8;
	vm4 =	veq.s32 v23, v8;
	v45 =	vld [tilespmem:s9+$0x0]  }
0x58: {  	v10 =	vbroadcast v10, $0xF;
	vm10 =	vlt.s32 v7, $0x0;
	vm5 =	veq.s32 v15, v7;
	v32 =	vld [tilespmem:s7+$0x180]  }
0x59: {  	vm4 =	vmor vm13, vm4;
	vm7 =	veq.s32 v34, v7;
	vm3 =	vmor vm13, vm3;
	v43 =	vld [tilespmem:s10+$0x80]  }
0x5a: {  	v15 =	vimm.s32 $0x0;
	v11 =	vbroadcast v11, $0xF;
	vm14 =	vlt.s32 v9, $0x0;
	v19 =	vld [tilespmem:s11+$0x180]  }
0x5b: {  	vm6 =	veq.s32 v14, v9;
	vm5 =	vmor vm10, vm5;
	vm7 =	vmor vm10, vm7;
	v28 =	vld [tilespmem:s10+$0x100]  }
0x5c: {  	vm15 =	vlt.s32 v10, $0x0;
	vm4 =	vmand vm4, vm5;
	vm6 =	vmor vm14, vm6;
	v4, _, _ =	vpop (xrf0);
	v46 =	vld [tilespmem:s9+$0x100]  }
0x5d: {  	vm9 =	vlt.s32 v11, $0x0;
	vm4 =	vmand vm4, vm6;
	v4 =	vbroadcast v4, $0xF;
	v12 =	vld [tilespmem:s11+$0x280]  }
0x5e: {  	vm11 =	vlt.s32 v6, $0x0;
	vm12 =	vlt.s32 v5, $0x0;
	vm1 =	veq.s32 v27, v8;
	v24 =	vld [tilespmem:s11+$0x200]  }
0x5f: {  	vm0 =	vlt.s32 v4, $0x0;
	vm2 =	vmor vm13, vm1;
	v36 =	vld [tilespmem:s10+$0x180];
	vm5 =	veq.s32 v45, v8  }
0x60: {  	vm1 =	veq.s32 v29, v9;
	v15 =	vsel vm0, $0xFFFFFFFF, v15;
	v26 =	vld [tilespmem:s9+$0x180];
	vm5 =	vmor vm13, vm5  }
0x61: {  	v35 =	vld [tilespmem:s10+$0x200];
	vm1 =	vmor vm14, vm1;
	vm5 =	vmand vm5, vm7;
	vm7 =	veq.s32 v43, v7  }
0x62: {  	v33 =	vld [tilespmem:s11+$0x300];
	vm6 =	veq.s32 v19, v10;
	v50 =	vadd.s32 $0xA0, v12;
	vm7 =	vmor vm10, vm7  }
0x63: {  	v30 =	vld [tilespmem:s10+$0x280];
	vm6 =	vmor vm15, vm6;
	vm3 =	vmand vm3, vm7;
	vm7 =	veq.s32 v28, v9  }
0x64: {  	v13 =	vld [tilespmem:s10+$0x300];
	vm4 =	vmand vm4, vm6;
	vm6 =	veq.s32 v46, v9;
	vm7 =	vmor vm14, vm7  }
0x65: {  	v31 =	vld [tilespmem:s11+$0x380];
	vm6 =	vmor vm14, vm6;
	vm3 =	vmand vm3, vm7;
	vm7 =	veq.s32 v24, v11  }
0x66: {  	v39 =	vld [tilespmem:s7+$0x80];
	vm5 =	vmand vm5, vm6;
	vm6 =	veq.s32 v36, v10;
	vm7 =	vmor vm9, vm7  }
0x67: {  	v47 =	vld [tilespmem:s9+$0x280];
	vm6 =	vmor vm15, vm6;
	vm4 =	vmand vm4, vm7;
	vm7 =	veq.s32 v26, v10  }
0x68: {  	v18 =	vld [tilespmem:s9+$0x380];
	vm6 =	vmand vm3, vm6;
	vm3 =	veq.s32 v12, v6;
	vm7 =	vmor vm15, vm7  }
0x69: {  	v38 =	vld [tilespmem:s7+$0x280];
	vm8 =	vmor vm11, vm3;
	vm3 =	vmand vm5, vm7;
	vm5 =	veq.s32 v35, v11  }
0x6a: {  	s3 =	sand.u32 $0xF80, s23;
	v41 =	vld [tilespmem:s7+$0x380];
	v53 =	vadd.s32 $0x60, v19;
	v54 =	vadd.s32 $0xE0, v31;
	vm5 =	vmor vm9, vm5  }
0x6b: {  	s11 =	sor.u32 $0x10000, s3;
	v49 =	vld [tilespmem:s9+$0x300];
	v55 =	vadd.s32 $0x80, v24;
	vm5 =	vmand vm6, vm5;
	vm6 =	veq.s32 v30, v6  }
0x6c: {  	v22 =	vld [tilespmem:s10+$0x380];
	s8 =	sor.u32 s8, s11;
	vm4 =	vmand vm4, vm8;
	vm7 =	veq.s32 v33, v5;
	vm6 =	vmor vm11, vm6  }
0x6d: {  	s23 =	simm.s32 $0x200;
	v37 =	vld [tilespmem:s8+$0x0];
	vm7 =	vmor vm12, vm7;
	vm5 =	vmand vm5, vm6;
	vm6 =	veq.s32 v31, v4  }
0x6e: {  	v44 =	vld [tilespmem:$0x1FF50];
	s3 =	sor.u32 s15, s11;
	s15 =	simm.s32 $0x10000;
	s8 =	simm.s32 $0x40;
	vm4 =	vmand vm4, vm7;
	vm7 =	veq.s32 v13, v5;
	vm6 =	vmor vm0, vm6  }
0x6f: {  	s23 =	sand.u32 $0x7C00, s23;
	v48 =	vld [tilespmem:s15+$0x0];
	s15 =	sand.u32 $0x40, s8;
	v56 =	vadd.s32 $0xA0, v38;
	vm7 =	vmor vm12, vm7;
	vm4 =	vmand vm4, vm6  }
0x70: {  	v42 =	vld [tilespmem:s3+$0x0];
	s30 =	sor.u32 s15, s23;
	v57 =	vadd.s32 $0xE0, v41;
	vm5 =	vmand vm5, vm7;
	vm7 =	veq.s32 v39, v7  }
0x71: {  	s9 =	sor.u32 $0x30, s15;
	v16 =	vld [tilespmem:s30+$0x300];
	v62 =	vadd.s32 $0xC0, v33;
	vm6 =	veq.s32 v32, v10;
	vm7 =	vmor vm10, vm7  }
0x72: {  	s3 =	sor.u32 $0x10, s15;
	v17 =	vld [tilespmem:s30+$0x200];
	s29 =	sor.u32 s9, s23;
	vm2 =	vmand vm2, vm7;
	vm7 =	veq.s32 v20, v11;
	vm6 =	vmor vm15, vm6  }
0x73: {  	s7 =	sor.u32 s3, s23;
	v14 =	vld [tilespmem:s29+$0x0];
	vm1 =	vmand vm2, vm1;
	vm2 =	veq.s32 v25, v11;
	vm7 =	vmor vm9, vm7  }
0x74: {  	v19 =	vld [tilespmem:s7+$0x80];
	vm8 =	vmor vm9, vm2;
	vm1 =	vmand vm1, vm6;
	vm6 =	veq.s32 v38, v6  }
0x75: {  	vm1 =	vmand vm1, vm7;
	vm6 =	vmor vm11, vm6;
	vm7 =	vnez.u8 v44;
	[tilespmem:v37+s19+$0x0] =	vst.idx.add.f32.msk vm4, v2  }
0x76: {  	s10 =	sor.u32 $0x20, s15;
	v12 =	vld [tilespmem:s7+$0x200];
	vm1 =	vmand vm1, vm6;
	vm6 =	veq.s32 v41, v4;
	vm7 =	vmor vm12, vm7;
	[tilespmem:$0x1FFD0] =	vst v15  }
0x77: {  	s15 =	sor.u32 s10, s23;
	vm8 =	vmand vm3, vm8;
	vm1 =	vmand vm1, vm7;
	vm3 =	vmor vm0, vm6;
	v15 =	vld [tilespmem:s7+$0x0]  }
0x78: {  	vm2 =	veq.s32 v47, v6;
	vm3 =	vmand vm1, vm3;
	vm1 =	veq.s32 v22, v4;
	v44 =	vld [tilespmem:s15+$0x80]  }
0x79: {  	vm2 =	vmor vm11, vm2;
	vm6 =	veq.s32 v49, v5;
	vm1 =	vmor vm0, vm1;
	v38 =	vld [tilespmem:s15+$0x0]  }
0x7a: {  	v37 =	vadd.s32 $0x60, v26;
	v41 =	vld [tilespmem:s15+$0x100];
	vm1 =	vmand vm5, vm1;
	vm5 =	veq.s32 v18, v4  }
0x7b: {  	vm6 =	vmor vm12, vm6;
	v26 =	vld [tilespmem:s29+$0x80];
	[tilespmem:v23+s20+$0x0] =	vst.idx.msk vm4, v2;
	vm5 =	vmor vm0, vm5;
	vm0 =	vmand vm8, vm2  }
0x7c: {  	v31 =	vadd.s32 $0x80, v25;
	v33 =	vld [tilespmem:s15+$0x180];
	[tilespmem:v51+s20+$0x0] =	vst.idx.msk vm4, v2;
	v51 =	vadd.s32 $0xC0, v21;
	vm0 =	vmand vm0, vm6  }
0x7d: {  	v58 =	vld [tilespmem:s15+$0x280];
	v21 =	vimm.s32 $0x0;
	vm6 =	veq.s32 v19, v7;
	vm2 =	vmand vm0, vm5  }
0x7e: {  	v23 =	vld [tilespmem:s29+$0x100];
	vm5 =	vmor vm10, vm6;
	vm7 =	veq.s32 v15, v8;
	vm6 =	veq.s32 v38, v8  }
0x7f: {  	v25 =	vld [tilespmem:s7+$0x100];
	[tilespmem:v52+s20+$0x0] =	vst.idx.msk vm4, v2;
	vm0 =	vmor vm13, vm7;
	vm7 =	veq.s32 v44, v7;
	vm6 =	vmor vm13, vm6  }
0x80: {  	[tilespmem:v48+s19+$0x0] =	vst.idx.add.f32.msk vm3, v2;
	vm0 =	vmand vm0, vm5;
	vm5 =	veq.s32 v41, v9;
	vm7 =	vmor vm10, vm7  }
0x81: {  	v21 =	vsel vm10, $0xFFFFFFFF, v21;
	[tilespmem:v42+s19+$0x0] =	vst.idx.add.f32.msk vm1, v2;
	vm5 =	vmor vm14, vm5;
	vm6 =	vmand vm6, vm7  }
0x82: {  	v42 =	vld [tilespmem:s15+$0x200];
	vm7 =	veq.s32 v14, v8;
	[tilespmem:$0x1FF60] =	vst v21;
	vm5 =	vmand vm6, vm5;
	vm6 =	veq.s32 v26, v7  }
0x83: {  	v63 =	vadd.s32 $0x80, v20;
	vm7 =	vmor vm13, vm7;
	[tilespmem:v53+s20+$0x0] =	vst.idx.msk vm4, v2;
	vm6 =	vmor vm10, vm6  }
0x84: {  	v39 =	vadd.s32 $0x20, v39;
	v21 =	vld [tilespmem:s29+$0x180];
	[tilespmem:v27+s20+$0x0] =	vst.idx.msk vm3, v2;
	vm6 =	vmand vm7, vm6;
	vm7 =	veq.s32 v33, v10  }
0x85: {  	v60 =	vadd.s32 $0x40, v29;
	v61 =	vadd.s32 $0x60, v32;
	v20 =	vld [tilespmem:s7+$0x180];
	[tilespmem:v55+s20+$0x0] =	vst.idx.msk vm4, v2;
	vm7 =	vmor vm15, vm7  }
0x86: {  	v52 =	vadd.s32 $0x40, v28;
	v28 =	vld [tilespmem:s30+$0x0];
	[tilespmem:v50+s20+$0x0] =	vst.idx.msk vm4, v2;
	vm5 =	vmand vm5, vm7;
	vm7 =	veq.s32 v23, v9  }
0x87: {  	v59 =	vadd.s32 $0x60, v36;
	v36 =	vld [tilespmem:s29+$0x200];
	[tilespmem:v62+s20+$0x0] =	vst.idx.msk vm4, v2;
	vm7 =	vmor vm14, vm7  }
0x88: {  	s0 =	sor.u32 s0, s11;
	v24 =	vadd.s32 $0xC0, v49;
	v29 =	vld [tilespmem:s30+$0x180];
	[tilespmem:v54+s20+$0x0] =	vst.idx.msk vm4, v2;
	vm4 =	vmand vm6, vm7;
	vm6 =	veq.s32 v42, v11  }
0x89: {  	v49 =	vimm.s32 $0x0;
	vm8 =	veq.s32 v25, v9;
	[tilespmem:v39+s20+$0x0] =	vst.idx.msk vm3, v2;
	v62 =	vld [tilespmem:s0+$0x0];
	vm6 =	vmor vm9, vm6  }
0x8a: {  	v32 =	vld [tilespmem:s15+$0x300];
	[tilespmem:v60+s20+$0x0] =	vst.idx.msk vm3, v2;
	vm7 =	vmor vm14, vm8;
	vm5 =	vmand vm5, vm6;
	vm6 =	veq.s32 v20, v10  }
0x8b: {  	v48 =	vadd.s32 $0x80, v35;
	v27 =	vld [tilespmem:s29+$0x280];
	[tilespmem:v61+s20+$0x0] =	vst.idx.msk vm3, v2;
	vm0 =	vmand vm0, vm7;
	vm6 =	vmor vm15, vm6  }
0x8c: {  	v35 =	vld [tilespmem:s30+$0x80];
	v53 =	vimm.s32 $0x0;
	[tilespmem:v63+s20+$0x0] =	vst.idx.msk vm3, v2;
	vm10 =	vmand vm0, vm6;
	vm0 =	veq.s32 v28, v8  }
0x8d: {  	v39 =	vld [tilespmem:s29+$0x300];
	v63 =	vadd.s32 $0x20, v43;
	v43 =	vsel vm13, $0xFFFFFFFF, v49;
	[tilespmem:v56+s20+$0x0] =	vst.idx.msk vm3, v2;
	vm0 =	vmor vm13, vm0  }
0x8e: {  	v54 =	vadd.s32 $0x20, v34;
	v34 =	vld [tilespmem:s30+$0x100];
	[tilespmem:$0x1FF70] =	vst v43;
	v43 =	vsel vm0, $0xFFFFFFFF, v53  }
0x8f: {  	[tilespmem:$0x1FF80] =	vst v43  }
0x90: {  	[tilespmem:v51+s20+$0x0] =	vst.idx.msk vm3, v2  }
0x91: {  	v56 =	vimm.s32 $0x0;
	[tilespmem:v62+s19+$0x0] =	vst.idx.add.f32.msk vm2, v2  }
0x92: {  	s11 =	sand.u32 $0xF80, s8;
	vm7 =	veq.s32 v21, v10;
	v49 =	vld [tilespmem:s15+$0x380];
	v51 =	vsel vm12, $0xFFFFFFFF, v56;
	[tilespmem:v57+s20+$0x0] =	vst.idx.msk vm3, v2  }
0x93: {  	s8 =	sor.u32 $0x10000, s11;
	vm7 =	vmor vm15, vm7;
	v43 =	vld [tilespmem:s7+$0x280];
	v57 =	vimm.s32 $0x0;
	[tilespmem:$0x1FF90] =	vst v51  }
0x94: {  	s0 =	sor.u32 s9, s8;
	vm4 =	vmand vm4, vm7;
	vm7 =	veq.s32 v58, v6;
	v51 =	vsel vm14, $0xFFFFFFFF, v57;
	[tilespmem:v40+s20+$0x0] =	vst.idx.msk vm1, v2  }
0x95: {  	vm7 =	vmor vm11, vm7;
	vm6 =	veq.s32 v36, v11;
	v40 =	vld [tilespmem:s0+$0x0];
	[tilespmem:$0x1FFA0] =	vst v51  }
0x96: {  	v60 =	vimm.s32 $0x0;
	vm5 =	vmand vm5, vm7;
	vm6 =	vmor vm9, vm6;
	[tilespmem:v63+s20+$0x0] =	vst.idx.msk vm1, v2  }
0x97: {  	vm0 =	vmand vm4, vm6;
	vm4 =	veq.s32 v32, v5;
	s15 =	simm.s32 $0x10040;
	v51 =	vsel vm15, $0xFFFFFFFF, v60;
	v50 =	vld [tilespmem:s7+$0x380];
	[tilespmem:v52+s20+$0x0] =	vst.idx.msk vm1, v2  }
0x98: {  	vm6 =	veq.s32 v27, v6;
	v53 =	vadd.s32 $0x40, v46;
	vm4 =	vmor vm12, vm4;
	v46 =	vld [tilespmem:s15+$0x0];
	[tilespmem:$0x1FFB0] =	vst v51  }
0x99: {  	vm13 =	vmand vm5, vm4;
	vm4 =	vmor vm11, vm6;
	vm3 =	veq.s32 v39, v5;
	[tilespmem:v59+s20+$0x0] =	vst.idx.msk vm1, v2  }
0x9a: {  	v30 =	vadd.s32 $0xA0, v30;
	vm0 =	vmand vm0, vm4;
	vm3 =	vmor vm12, vm3;
	v62 =	vld [tilespmem:$0x1FFD0]  }
0x9b: {  	v47 =	vadd.s32 $0xA0, v47;
	vm6 =	vmand vm0, vm3;
	vm0 =	veq.s32 v17, v11  }
0x9c: {  	v61 =	vimm.s32 $0x0;
	vm5 =	vmor vm9, vm0;
	vm0 =	veq.s32 v29, v10  }
0x9d: {  	s23 =	sor.u32 s10, s8;
	vm4 =	veq.s32 v34, v9;
	vm15 =	vmor vm15, vm0;
	v51 =	vsel vm9, $0xFFFFFFFF, v61  }
0x9e: {  	vm0 =	veq.s32 v12, v11;
	vm3 =	veq.s32 v49, v4;
	v63 =	vimm.s32 $0x0;
	v55 =	vld [tilespmem:s23+$0x0];
	[tilespmem:$0x1FFC0] =	vst v51  }
0x9f: {  	vm9 =	vmor vm9, vm0;
	v51 =	vld [tilespmem:s7+$0x300];
	[tilespmem:v45+s20+$0x0] =	vst.idx.msk vm2, v2;
	v45 =	vsel vm11, $0xFFFFFFFF, v63;
	vm0 =	vnez.u8 v62  }
0xa0: {  	s31 =	simm.s32 $0x80;
	s11 =	simm.s32 $0x400;
	vm12 =	vmor vm14, vm4;
	v56 =	vld [tilespmem:s30+$0x280];
	[tilespmem:$0x1FFE0] =	vst v45;
	vm14 =	vmor vm0, vm3;
	vm0 =	veq.s32 v43, v6  }
0xa1: {  	s3 =	sor.u32 s3, s8;
	vm7 =	veq.s32 v16, v5;
	s0 =	simm.s32 $0x4;
	s15 =	simm.s32 $0x10080;
	v52 =	vadd.s32 $0xA0, v58;
	[tilespmem:v54+s20+$0x0] =	vst.idx.msk vm2, v2;
	vm8 =	vmor vm11, vm0  }
.LBB2_3:
0xa2: {  	s7 =	sand.u32 $0x40, s31;
	s23 =	sand.u32 $0x7C00, s11;
	v45 =	vld [tilespmem:s30+$0x380];
	[tilespmem:v53+s20+$0x0] =	vst.idx.msk vm2, v2  }
0xa3: {  	v62 =	vld [tilespmem:$0x1FF60];
	s30 =	sor.u32 s7, s23;
	s9 =	sor.u32 $0x10, s7;
	[tilespmem:v37+s20+$0x0] =	vst.idx.msk vm2, v2  }
0xa4: {  	v54 =	vld [tilespmem:$0x1FF80];
	s8 =	sor.u32 $0x30, s7;
	s10 =	sor.u32 $0x20, s7;
	[tilespmem:v31+s20+$0x0] =	vst.idx.msk vm2, v2;
	s7 =	sor.u32 s9, s23  }
0xa5: {  	v58 =	vld [tilespmem:s7+$0x200];
	[tilespmem:v47+s20+$0x0] =	vst.idx.msk vm2, v2  }
0xa6: {  	[tilespmem:v24+s20+$0x0] =	vst.idx.msk vm2, v2;
	v24 =	vld [tilespmem:$0x1FFE0]  }
0xa7: {  	vm0 =	veq.s32 v35, v7;
	v37 =	vadd.s32 $0xC0, v13  }
0xa8: {  	vm9 =	vmand vm10, vm9;
	vm10 =	vmand vm13, vm14;
	v53 =	vld [tilespmem:s29+$0x380];
	[tilespmem:v48+s20+$0x0] =	vst.idx.msk vm1, v2;
	vm3 =	vnez.u8 v62  }
0xa9: {  	[tilespmem:v30+s20+$0x0] =	vst.idx.msk vm1, v2;
	v30 =	vld [tilespmem:$0x1FFD0];
	vm0 =	vmor vm3, vm0;
	vm3 =	vnez.u8 v54;
	v54 =	vadd.s32 $0xE0, v18  }
0xaa: {  	v44 =	vadd.s32 $0x20, v44;
	v41 =	vadd.s32 $0x40, v41;
	v13 =	vmovc v39;
	v39 =	vld [tilespmem:s30+$0x300];
	vm0 =	vmand vm3, vm0  }
0xab: {  	v48 =	vadd.s32 $0xE0, v22;
	vm0 =	vmand vm0, vm12;
	vm4 =	vnez.u8 v24;
	v24 =	vld [tilespmem:$0x1FF90]  }
0xac: {  	v31 =	vadd.s32 $0x80, v12;
	[tilespmem:v37+s20+$0x0] =	vst.idx.msk vm1, v2;
	v37 =	vadd.s32 $0x60, v20;
	v20 =	vld [tilespmem:s7+$0x180];
	vm0 =	vmand vm0, vm15  }
0xad: {  	v18 =	vmovc v50;
	v50 =	vadd.s32 $0xE0, v45;
	v12 =	vmovc v58;
	v58 =	vld [tilespmem:s30+$0x0];
	vm0 =	vmand vm0, vm5;
	vm5 =	veq.s32 v56, v6  }
0xae: {  	vm3 =	veq.s32 v45, v4;
	vm5 =	vmor vm4, vm5;
	[tilespmem:v54+s20+$0x0] =	vst.idx.msk vm2, v2;
	v54 =	vadd.s32 $0x20, v19;
	v19 =	vld [tilespmem:$0x1FF70]  }
0xaf: {  	vm4 =	veq.s32 v39, v5;
	vm2 =	veq.s32 v18, v4;
	vm5 =	vmand vm0, vm5  }
0xb0: {  	vm0 =	veq.s32 v51, v5;
	vm12 =	vnez.u8 v24;
	v24 =	vimm.s32 $0x0  }
0xb1: {  	s29 =	sor.u32 s8, s23;
	v57 =	vld [tilespmem:s30+$0x200];
	s23 =	sor.u32 s10, s23;
	vm7 =	vmor vm12, vm7;
	v24 =	vsel vm4, $0xFFFFFFFF, v24;
	vm4 =	vnez.u8 v30  }
0xb2: {  	v63 =	vld [tilespmem:s23+$0x300];
	vm0 =	vmor vm12, vm0;
	vm5 =	vmand vm5, vm7;
	vm3 =	vmor vm4, vm3  }
0xb3: {  	v45 =	vld [tilespmem:s23+$0x280];
	vm12 =	vnez.u8 v19;
	vm11 =	vmand vm5, vm3;
	vm3 =	veq.s32 v58, v8  }
0xb4: {  	[tilespmem:v55+s19+$0x0] =	vst.idx.add.f32.msk vm10, v2;
	vm7 =	vmor vm4, vm2;
	v19 =	vimm.s32 $0x0;
	vm2 =	vmor vm12, vm3  }
0xb5: {  	v59 =	vadd.s32 $0x60, v33;
	v47 =	vld [tilespmem:s30+$0x100];
	[tilespmem:v48+s20+$0x0] =	vst.idx.msk vm1, v2;
	v19 =	vsel vm2, $0xFFFFFFFF, v19  }
0xb6: {  	v42 =	vadd.s32 $0x80, v42;
	[tilespmem:$0x1FF80] =	vst v19;
	v19 =	vld [tilespmem:$0x1FFA0]  }
0xb7: {  	[tilespmem:v38+s20+$0x0] =	vst.idx.msk vm10, v2  }
0xb8: {  	v55 =	vadd.s32 $0x40, v23;
	v38 =	vadd.s32 $0xC0, v32;
	v23 =	vld [tilespmem:s29+$0x100];
	[tilespmem:v44+s20+$0x0] =	vst.idx.msk vm10, v2  }
0xb9: {  	v49 =	vadd.s32 $0xE0, v49;
	v22 =	vmov v53;
	v33 =	vld [tilespmem:s23+$0x180];
	[tilespmem:v41+s20+$0x0] =	vst.idx.msk vm10, v2  }
0xba: {  	v62 =	vadd.s32 $0x80, v17;
	v53 =	vadd.s32 $0x40, v25;
	v17 =	vmovc v57;
	v57 =	vadd.s32 $0x40, v34;
	v34 =	vmovc v47;
	[tilespmem:v59+s20+$0x0] =	vst.idx.msk vm10, v2  }
0xbb: {  	vm1 =	veq.s32 v22, v4;
	[tilespmem:v42+s20+$0x0] =	vst.idx.msk vm10, v2;
	vm3 =	veq.s32 v34, v9;
	vm2 =	vnez.u8 v19  }
0xbc: {  	[tilespmem:v52+s20+$0x0] =	vst.idx.msk vm10, v2;
	vm1 =	vmor vm4, vm1;
	v19 =	vimm.s32 $0x0;
	vm3 =	vmor vm2, vm3  }
0xbd: {  	[tilespmem:v38+s20+$0x0] =	vst.idx.msk vm10, v2;
	vm4 =	veq.s32 v23, v9;
	v19 =	vsel vm3, $0xFFFFFFFF, v19;
	vm3 =	vmand vm9, vm8  }
0xbe: {  	v25 =	vimm.s32 $0x0;
	[tilespmem:v49+s20+$0x0] =	vst.idx.msk vm10, v2;
	vm10 =	vmand vm3, vm0;
	vm0 =	vmor vm2, vm4  }
0xbf: {  	v25 =	vsel vm0, $0xFFFFFFFF, v25  }
0xc0: {  	[tilespmem:$0x1FED0] =	vst v25;
	v25 =	vld [tilespmem:$0x1FFC0];
	_ =	sdelay $0x2  }
0xc1: {  	[tilespmem:$0x1FEF0] =	vst v24;
	v24 =	vadd.s32 $0xC0, v51;
	v51 =	vadd.s32 $0x60, v21;
	v21 =	vld [tilespmem:s29+$0x180];
	_ =	sdelay $0x1  }
0xc2: {  	v30 =	vadd.s32 $0xA0, v27;
	v27 =	vld [tilespmem:s29+$0x280];
	vm5 =	veq.s32 v17, v11;
	vm3 =	vnez.u8 v25  }
0xc3: {  	v52 =	vld [tilespmem:s29+$0x0];
	v25 =	vimm.s32 $0x0;
	vm0 =	vmor vm3, vm5  }
0xc4: {  	v25 =	vsel vm0, $0xFFFFFFFF, v25  }
0xc5: {  	v60 =	vld [tilespmem:s30+$0x180];
	vm0 =	veq.s32 v21, v10;
	[tilespmem:$0x1FF30] =	vst v25;
	v25 =	vimm.s32 $0x0  }
0xc6: {  	v25 =	vsel vm0, $0xFFFFFFFF, v25  }
0xc7: {  	vm0 =	veq.s32 v27, v6;
	[tilespmem:$0x1FE80] =	vst v25;
	v25 =	vimm.s32 $0x0  }
0xc8: {  	vm8 =	veq.s32 v52, v8;
	v25 =	vsel vm0, $0xFFFFFFFF, v25  }
0xc9: {  	v44 =	vadd.s32 $0x60, v29;
	vm0 =	vmor vm12, vm8;
	[tilespmem:$0x1FE70] =	vst v25;
	v25 =	vimm.s32 $0x0  }
0xca: {  	v29 =	vmovc v60;
	v60 =	vadd.s32 $0x20, v26;
	v26 =	vld [tilespmem:$0x1FF90];
	v59 =	vadd.s32 $0x20, v35;
	v25 =	vsel vm0, $0xFFFFFFFF, v25  }
0xcb: {  	[tilespmem:$0x1FEA0] =	vst v25;
	v25 =	vld [tilespmem:$0x1FFB0]  }
0xcc: {  	v35 =	vld [tilespmem:s30+$0x80]  }
0xcd: {  	[tilespmem:v46+s19+$0x0] =	vst.idx.add.f32.msk vm11, v2  }
0xce: {  	v61 =	vadd.s32 $0xC0, v16;
	v16 =	vmov v39;
	v39 =	vld [tilespmem:s29+$0x300];
	[tilespmem:v28+s20+$0x0] =	vst.idx.msk vm11, v2  }
0xcf: {  	v47 =	vadd.s32 $0xA0, v43;
	v56 =	vadd.s32 $0xA0, v56;
	v43 =	vld [tilespmem:s3+$0x0];
	[tilespmem:v59+s20+$0x0] =	vst.idx.msk vm11, v2  }
0xd0: {  	v42 =	vld [tilespmem:s23+$0x200];
	vm1 =	vmand vm6, vm1;
	vm6 =	veq.s32 v29, v10;
	[tilespmem:v57+s20+$0x0] =	vst.idx.msk vm11, v2;
	vm0 =	vnez.u8 v25  }
0xd1: {  	v41 =	vld [tilespmem:s23+$0x100];
	[tilespmem:v44+s20+$0x0] =	vst.idx.msk vm11, v2;
	v25 =	vimm.s32 $0x0;
	vm5 =	vmor vm0, vm6  }
0xd2: {  	v49 =	vld [tilespmem:s23+$0x380];
	[tilespmem:v62+s20+$0x0] =	vst.idx.msk vm11, v2;
	v25 =	vsel vm5, $0xFFFFFFFF, v25  }
0xd3: {  	[tilespmem:$0x1FEE0] =	vst v25;
	v25 =	vld [tilespmem:$0x1FFE0]  }
0xd4: {  	[tilespmem:v56+s20+$0x0] =	vst.idx.msk vm11, v2;
	v56 =	vld [tilespmem:$0x1FF60]  }
0xd5: {  	v38 =	vld [tilespmem:s23+$0x0]  }
0xd6: {  	v57 =	vld [tilespmem:s7+$0x0]  }
0xd7: {  	v44 =	vld [tilespmem:s23+$0x80];
	[tilespmem:$0x1FEC0] =	vst v19  }
0xd8: {  	v19 =	vld [tilespmem:s7+$0x80];
	[tilespmem:v61+s20+$0x0] =	vst.idx.msk vm11, v2;
	vm6 =	veq.s32 v45, v6;
	vm9 =	vnez.u8 v25  }
0xd9: {  	v62 =	vld [tilespmem:$0x1FFD0];
	[tilespmem:v50+s20+$0x0] =	vst.idx.msk vm11, v2;
	vm11 =	vnez.u8 v56;
	v25 =	vimm.s32 $0x0;
	vm5 =	vmor vm9, vm6  }
0xda: {  	v56 =	vld [tilespmem:$0x1FEF0];
	vm8 =	veq.s32 v12, v11;
	v25 =	vsel vm5, $0xFFFFFFFF, v25;
	vm5 =	vmand vm10, vm7  }
0xdb: {  	v48 =	vadd.s32 $0x80, v36;
	v50 =	vld [tilespmem:$0x1FE80];
	vm6 =	vmor vm3, vm8;
	[tilespmem:$0x1FF00] =	vst v25;
	v25 =	vimm.s32 $0x0  }
0xdc: {  	v32 =	vmovc v63;
	vm14 =	veq.s32 v33, v10;
	vm4 =	veq.s32 v39, v5;
	v63 =	vld [tilespmem:$0x1FE70];
	v25 =	vsel vm6, $0xFFFFFFFF, v25  }
0xdd: {  	v61 =	vimm.s32 $0x0;
	v59 =	vld [tilespmem:$0x1FEA0];
	vm6 =	vmor vm0, vm14;
	[tilespmem:$0x1FE90] =	vst v25;
	v25 =	vimm.s32 $0x0  }
0xde: {  	v28 =	vmovc v58;
	vm7 =	veq.s32 v32, v5;
	v25 =	vsel vm6, $0xFFFFFFFF, v25;
	vm6 =	vnez.u8 v26;
	v58 =	vld [tilespmem:$0x1FE90]  }
0xdf: {  	vm8 =	veq.s32 v49, v4;
	v26 =	vimm.s32 $0x0;
	[tilespmem:$0x1FEB0] =	vst v25;
	v25 =	vld [tilespmem:s7+$0x100];
	vm7 =	vmor vm6, vm7  }
0xe0: {  	vm4 =	vmor vm6, vm4;
	vm6 =	vnez.u8 v62;
	v26 =	vsel vm7, $0xFFFFFFFF, v26;
	[tilespmem:v43+s19+$0x0] =	vst.idx.add.f32.msk vm5, v2  }
0xe1: {  	v62 =	vld [tilespmem:$0x1FED0];
	v36 =	vsel vm4, $0xFFFFFFFF, v61;
	vm14 =	vmor vm6, vm8;
	vm6 =	vnez.u8 v63;
	[tilespmem:$0x1FF10] =	vst v26  }
0xe2: {  	vm15 =	veq.s32 v42, v11;
	v46 =	vimm.s32 $0x0;
	v26 =	vld [tilespmem:s29+$0x80];
	[tilespmem:$0x1FF40] =	vst v36;
	vm6 =	vmor vm9, vm6  }
0xe3: {  	vm13 =	veq.s32 v20, v10;
	s23 =	sand.u32 $0xF80, s31;
	vm15 =	vmor vm3, vm15;
	[tilespmem:v40+s19+$0x0] =	vst.idx.add.f32.msk vm1, v2;
	v36 =	vsel vm6, $0xFFFFFFFF, v46  }
0xe4: {  	s23 =	sor.u32 $0x10000, s23;
	vm13 =	vmor vm0, vm13;
	vm7 =	veq.s32 v41, v9;
	vm8 =	veq.s32 v57, v8;
	v61 =	vld [tilespmem:$0x1FEC0];
	[tilespmem:$0x1FF20] =	vst v36  }
0xe5: {  	s8 =	sor.u32 s8, s23;
	vm4 =	veq.s32 v19, v7;
	vm7 =	vmor vm2, vm7;
	vm8 =	vmor vm12, vm8;
	v36 =	vld [tilespmem:s29+$0x200];
	[tilespmem:v14+s20+$0x0] =	vst.idx.msk vm1, v2  }
0xe6: {  	vm9 =	veq.s32 v38, v8;
	vm4 =	vmor vm11, vm4;
	vm6 =	vnez.u8 v50;
	v40 =	vld [tilespmem:s8+$0x0]  }
0xe7: {  	vm9 =	vmor vm12, vm9;
	vm4 =	vmand vm8, vm4;
	vm10 =	vmor vm0, vm6;
	[tilespmem:v60+s20+$0x0] =	vst.idx.msk vm1, v2;
	v60 =	vld [tilespmem:$0x1FEB0]  }
0xe8: {  	v63 =	vld [tilespmem:$0x1FEE0];
	vm6 =	veq.s32 v44, v7;
	v14 =	vmovc v52;
	v52 =	vadd.s32 $0xA0, v45;
	vm0 =	veq.s32 v25, v9  }
0xe9: {  	v43 =	vld [tilespmem:s7+$0x280];
	vm6 =	vmor vm11, vm6;
	vm0 =	vmor vm2, vm0;
	vm2 =	vmmov vm5  }
0xea: {  	vm6 =	vmand vm9, vm6;
	vm5 =	vnez.u8 v59;
	v59 =	vld [tilespmem:$0x1FF10];
	vm8 =	veq.s32 v26, v7  }
0xeb: {  	vm9 =	vnez.u8 v58;
	vm12 =	vnez.u8 v61;
	v58 =	vld [tilespmem:$0x1FF00];
	vm8 =	vmor vm11, vm8  }
0xec: {  	v61 =	vld [tilespmem:$0x1FFE0];
	vm6 =	vmand vm6, vm7;
	vm7 =	vmand vm5, vm8;
	vm5 =	vnez.u8 v60  }
0xed: {  	vm0 =	vmand vm4, vm0;
	vm8 =	veq.s32 v36, v11;
	v60 =	vld [tilespmem:$0x1FF20];
	vm6 =	vmand vm6, vm5  }
0xee: {  	s0 =	sadd.s32 $0x4, s0;
	vm5 =	vnez.u8 v62;
	vm4 =	vmand vm6, vm15;
	vm15 =	vnez.u8 v63;
	v63 =	vld [tilespmem:$0x1FF40]  }
0xef: {  	p0 =	slt.u32 s0, $0xFC;
	vm8 =	vmor vm3, vm8;
	vm3 =	vnez.u8 v59;
	v62 =	vld [tilespmem:$0x1FF30];
	vm7 =	vmand vm7, vm5  }
.Ltmp0:
0xf0: {  	v50 =	vld [tilespmem:s7+$0x380];
	vm5 =	vmand vm7, vm10;
	vm10 =	vmand vm0, vm13;
	vm0 =	vnez.u8 v58;
	(pc) =	sbr.rel @p0 .LBB2_3-.Ltmp0, $4  }
0xf1: {  	s10 =	sor.u32 s10, s23;
	v46 =	vld [tilespmem:s15+$0x0];
	[tilespmem:v55+s20+$0x0] =	vst.idx.msk vm1, v2;
	vm0 =	vmand vm4, vm0;
	vm4 =	vmand vm5, vm8;
	vm5 =	veq.s32 v43, v6  }
0xf2: {  	v55 =	vld [tilespmem:s10+$0x0];
	[tilespmem:v51+s20+$0x0] =	vst.idx.msk vm1, v2;
	vm13 =	vmand vm0, vm3;
	vm0 =	vnez.u8 v60;
	vm3 =	vnez.u8 v61  }
0xf3: {  	s11 =	sadd.s32 $0x200, s11;
	v51 =	vld [tilespmem:s7+$0x300];
	[tilespmem:v15+s20+$0x0] =	vst.idx.msk vm2, v2;
	vm0 =	vmand vm4, vm0;
	vm8 =	vmor vm3, vm5;
	vm3 =	vnez.u8 v63  }
0xf4: {  	s31 =	sadd.s32 $0x40, s31;
	s3 =	sor.u32 s9, s23;
	s15 =	sadd.s32 $0x40, s15;
	v15 =	vmovc v57;
	vm7 =	vnez.u8 v56;
	v56 =	vld [tilespmem:s30+$0x280];
	[tilespmem:v54+s20+$0x0] =	vst.idx.msk vm2, v2;
	vm5 =	vnez.u8 v62;
	vm6 =	vmand vm0, vm3  }
0xf5: {  	_ =	sdelay $0x4  }
0xf6: {  	[tilespmem:v53+s20+$0x0] =	vst.idx.msk vm2, v2  }
0xf7: {  	[tilespmem:v48+s20+$0x0] =	vst.idx.msk vm1, v2  }
0xf8: {  	[tilespmem:v37+s20+$0x0] =	vst.idx.msk vm2, v2  }
0xf9: {  	vm0 =	vmand vm13, vm14;
	v8 =	vadd.s32 $0xC0, v13;
	[tilespmem:v30+s20+$0x0] =	vst.idx.msk vm1, v2  }
0xfa: {  	[tilespmem:v31+s20+$0x0] =	vst.idx.msk vm2, v2  }
0xfb: {  	v9 =	vadd.s32 $0xE0, v22;
	[tilespmem:v47+s20+$0x0] =	vst.idx.msk vm2, v2  }
0xfc: {  	vm3 =	veq.s32 v35, v7;
	v7 =	vld [tilespmem:$0x1FF60];
	[tilespmem:v24+s20+$0x0] =	vst.idx.msk vm2, v2  }
0xfd: {  	v11 =	vld [tilespmem:$0x1FF80]  }
0xfe: {  	[tilespmem:v8+s20+$0x0] =	vst.idx.msk vm1, v2  }
0xff: {  	[tilespmem:v55+s19+$0x0] =	vst.idx.add.f32.msk vm0, v2  }
0x100: {  	v10 =	vadd.s32 $0xE0, v18;
	[tilespmem:v9+s20+$0x0] =	vst.idx.msk vm1, v2  }
0x101: {  	v9 =	vld [tilespmem:$0x1FFE0];
	vm4 =	vnez.u8 v7  }
0x102: {  	vm3 =	vmor vm4, vm3;
	vm4 =	vnez.u8 v11  }
0x103: {  	vm3 =	vmand vm4, vm3  }
0x104: {  	vm3 =	vmand vm3, vm12  }
0x105: {  	[tilespmem:v10+s20+$0x0] =	vst.idx.msk vm2, v2;
	vm3 =	vmand vm3, vm15  }
0x106: {  	vm1 =	vmand vm3, vm5;
	vm3 =	vnez.u8 v9;
	v9 =	vld [tilespmem:$0x1FF90];
	_ =	sdelay $0x3  }
0x107: {  	v7 =	vld [tilespmem:s30+$0x380];
	[tilespmem:v38+s20+$0x0] =	vst.idx.msk vm0, v2  }
0x108: {  	v11 =	vadd.s32 $0x20, v44;
	vm5 =	vnez.u8 v9;
	v9 =	vld [tilespmem:$0x1FFD0]  }
0x109: {  	v8 =	vadd.s32 $0x40, v41;
	_ =	sdelay $0x1  }
0x10a: {  	v13 =	vadd.s32 $0x60, v33;
	vm4 =	veq.s32 v56, v6  }
0x10b: {  	v6 =	vadd.s32 $0x80, v42;
	vm2 =	veq.s32 v7, v4;
	vm3 =	vmor vm3, vm4  }
0x10c: {  	vm1 =	vmand vm1, vm3;
	[tilespmem:v11+s20+$0x0] =	vst.idx.msk vm0, v2;
	vm4 =	vmor vm5, vm7;
	vm7 =	vnez.u8 v9  }
0x10d: {  	[tilespmem:v8+s20+$0x0] =	vst.idx.msk vm0, v2;
	v8 =	vld [tilespmem:s29+$0x380];
	vm1 =	vmand vm1, vm4;
	v9 =	vadd.s32 $0xC0, v32;
	vm2 =	vmor vm7, vm2  }
0x10e: {  	v10 =	vadd.s32 $0xE0, v49;
	vm1 =	vmand vm1, vm2  }
0x10f: {  	[tilespmem:v13+s20+$0x0] =	vst.idx.msk vm0, v2  }
0x110: {  	[tilespmem:v6+s20+$0x0] =	vst.idx.msk vm0, v2  }
0x111: {  	v6 =	vadd.s32 $0x20, v35;
	[tilespmem:v52+s20+$0x0] =	vst.idx.msk vm0, v2  }
0x112: {  	v11 =	vadd.s32 $0x40, v34;
	vm3 =	veq.s32 v8, v4;
	[tilespmem:v9+s20+$0x0] =	vst.idx.msk vm0, v2  }
0x113: {  	v13 =	vadd.s32 $0x60, v29;
	vm3 =	vmor vm7, vm3;
	[tilespmem:v10+s20+$0x0] =	vst.idx.msk vm0, v2;
	vm0 =	veq.s32 v51, v5  }
0x114: {  	v5 =	vadd.s32 $0x80, v17;
	vm5 =	vmor vm5, vm0;
	vm0 =	vmand vm6, vm3;
	[tilespmem:v46+s19+$0x0] =	vst.idx.add.f32.msk vm1, v2  }
0x115: {  	vm2 =	vmand vm10, vm9;
	[tilespmem:v28+s20+$0x0] =	vst.idx.msk vm1, v2  }
0x116: {  	vm4 =	veq.s32 v50, v4;
	v4 =	vld [tilespmem:s3+$0x0];
	vm2 =	vmand vm2, vm8;
	v9 =	vadd.s32 $0xA0, v56;
	[tilespmem:v6+s20+$0x0] =	vst.idx.msk vm1, v2  }
0x117: {  	vm4 =	vmor vm7, vm4;
	vm2 =	vmand vm2, vm5;
	[tilespmem:v11+s20+$0x0] =	vst.idx.msk vm1, v2  }
0x118: {  	v10 =	vadd.s32 $0xC0, v16;
	vm2 =	vmand vm2, vm4;
	[tilespmem:v13+s20+$0x0] =	vst.idx.msk vm1, v2  }
0x119: {  	[tilespmem:v5+s20+$0x0] =	vst.idx.msk vm1, v2  }
0x11a: {  	v7 =	vadd.s32 $0xE0, v7;
	[tilespmem:v40+s19+$0x0] =	vst.idx.add.f32.msk vm0, v2  }
0x11b: {  	[tilespmem:v9+s20+$0x0] =	vst.idx.msk vm1, v2  }
0x11c: {  	v5 =	vadd.s32 $0x20, v26;
	[tilespmem:v14+s20+$0x0] =	vst.idx.msk vm0, v2  }
0x11d: {  	v6 =	vadd.s32 $0x40, v23;
	[tilespmem:v10+s20+$0x0] =	vst.idx.msk vm1, v2  }
0x11e: {  	[tilespmem:v4+s19+$0x0] =	vst.idx.add.f32.msk vm2, v2;
	v4 =	vadd.s32 $0x20, v19  }
0x11f: {  	[tilespmem:v7+s20+$0x0] =	vst.idx.msk vm1, v2;
	v7 =	vadd.s32 $0x60, v21  }
0x120: {  	v9 =	vadd.s32 $0x40, v25;
	[tilespmem:v15+s20+$0x0] =	vst.idx.msk vm2, v2  }
0x121: {  	[tilespmem:v5+s20+$0x0] =	vst.idx.msk vm0, v2;
	v5 =	vadd.s32 $0x60, v20  }
0x122: {  	[tilespmem:v6+s20+$0x0] =	vst.idx.msk vm0, v2;
	v6 =	vadd.s32 $0x80, v12  }
0x123: {  	[tilespmem:v4+s20+$0x0] =	vst.idx.msk vm2, v2;
	v4 =	vadd.s32 $0xA0, v43  }
0x124: {  	[tilespmem:v7+s20+$0x0] =	vst.idx.msk vm0, v2;
	v7 =	vadd.s32 $0x80, v36  }
0x125: {  	[tilespmem:v9+s20+$0x0] =	vst.idx.msk vm2, v2;
	v9 =	vadd.s32 $0xC0, v51  }
0x126: {  	v10 =	vadd.s32 $0xA0, v27;
	[tilespmem:v5+s20+$0x0] =	vst.idx.msk vm2, v2  }
0x127: {  	v5 =	vadd.s32 $0xC0, v39;
	[tilespmem:v6+s20+$0x0] =	vst.idx.msk vm2, v2  }
0x128: {  	v6 =	vadd.s32 $0xE0, v8;
	[tilespmem:v4+s20+$0x0] =	vst.idx.msk vm2, v2  }
0x129: {  	[tilespmem:v7+s20+$0x0] =	vst.idx.msk vm0, v2;
	v7 =	vadd.s32 $0xE0, v50  }
0x12a: {  	[tilespmem:v9+s20+$0x0] =	vst.idx.msk vm2, v2  }
0x12b: {  	[tilespmem:v10+s20+$0x0] =	vst.idx.msk vm0, v2  }
0x12c: {  	[tilespmem:v5+s20+$0x0] =	vst.idx.msk vm0, v2  }
0x12d: {  	[tilespmem:v6+s20+$0x0] =	vst.idx.msk vm0, v2  }
0x12e: {  	[tilespmem:v7+s20+$0x0] =	vst.idx.msk vm2, v2  }
0x12f: {  	v4 =	vld [tilespmem:$0x12280]  }
0x130: {  	v5 =	vld [tilespmem:$0x12290]  }
0x131: {  	v6 =	vld [tilespmem:$0x122A0]  }
0x132: {  	v7 =	vld [tilespmem:$0x122B0]  }
0x133: {  	v8 =	vld [tilespmem:$0x122C0]  }
0x134: {  	v9 =	vld [tilespmem:$0x122D0]  }
0x135: {  	v10 =	vld [tilespmem:$0x122F0];
	v4 =	vadd.f32 v5, v4  }
0x136: {  	v5 =	vld [tilespmem:$0x122E0]  }
0x137: {  	(xrf2) =	vadd.scan.msk.f32 $0xffff, v4;
	v4 =	vadd.f32 v7, v6;
	v6 =	vld [tilespmem:$0x12300]  }
0x138: {  	v7 =	vld [tilespmem:$0x12310]  }
0x139: {  	(xrf2) =	vadd.scan.msk.f32 $0xffff, v4;
	v4 =	vadd.f32 v9, v8;
	v8 =	vld [tilespmem:$0x12320]  }
0x13a: {  	v9 =	vld [tilespmem:$0x12330]  }
0x13b: {  	(xrf2) =	vadd.scan.msk.f32 $0xffff, v4;
	v4 =	vadd.f32 v10, v5;
	v5 =	vld [tilespmem:$0x12340]  }
0x13c: {  	v10 =	vld [tilespmem:$0x12350]  }
0x13d: {  	(xrf2) =	vadd.scan.msk.f32 $0xffff, v4;
	v4 =	vadd.f32 v7, v6;
	v6 =	vld [tilespmem:$0x12360]  }
0x13e: {  	v7 =	vld [tilespmem:$0x12370]  }
0x13f: {  	(xrf2) =	vadd.scan.msk.f32 $0xffff, v4;
	v4 =	vadd.f32 v9, v8;
	_ =	sdelay $0x1  }
0x140: {  	v8, _, _ =	vpop (xrf2);
	(xrf2) =	vadd.scan.msk.f32 $0xffff, v4;
	v4 =	vadd.f32 v10, v5;
	_ =	sdelay $0x1  }
0x141: {  	v5 =	vbroadcast v8, $0xF;
	v8, _, _ =	vpop (xrf2);
	(xrf2) =	vadd.scan.msk.f32 $0xffff, v4;
	v4 =	vadd.f32 v7, v6;
	v6 =	vld [tilespmem:$0x1FFF0];
	_ =	sdelay $0x4  }
0x142: {  	vm8 =	vnez.u8 v6;
	v6 =	vbroadcast v8, $0xF  }
0x143: {  	vm0 =	vcmask $0x704;
	v7, _, _ =	vpop (xrf2);
	v5 =	vnsel vm8, $0x0, v5  }
0x144: {  	(xrf2) =	vadd.scan.msk.f32 $0xffff, v4;
	v5 =	vadd.f32 $0.0e+00, v5;
	v4 =	vnsel vm0, $0x0, v6;
	v6 =	vbroadcast v7, $0xF  }
0x145: {  	v7, _, _ =	vpop (xrf2);
	vm0 =	vcmask $0xB08  }
0x146: {  	v4 =	vadd.f32 v4, v5;
	v5 =	vnsel vm0, $0x0, v6;
	v6 =	vbroadcast v7, $0xF  }
0x147: {  	v7, _, _ =	vpop (xrf2);
	vm0 =	vcmask $0xF0C  }
0x148: {  	v4 =	vadd.f32 v5, v4;
	v5 =	vnsel vm0, $0x0, v6;
	v6 =	vbroadcast v7, $0xF  }
0x149: {  	v7, _, _ =	vpop (xrf2);
	vm0 =	vcmask $0x1310  }
0x14a: {  	v4 =	vadd.f32 v5, v4;
	v5 =	vnsel vm0, $0x0, v6;
	v6 =	vbroadcast v7, $0xF  }
0x14b: {  	vm0 =	vcmask $0x1714  }
0x14c: {  	v6 =	vnsel vm0, $0x0, v6  }
0x14d: {  	v7, _, _ =	vpop (xrf2);
	v4 =	vadd.f32 v5, v4  }
0x14e: {  	v7 =	vbroadcast v7, $0xF;
	v5 =	vld [tilespmem:$0x12200]  }
0x14f: {  	v8 =	vld [tilespmem:$0x12210];
	vm0 =	vcmask $0x1B18;
	v4 =	vadd.f32 v6, v4;
	v6, _, _ =	vpop (xrf2)  }
0x150: {  	v7 =	vnsel vm0, $0x0, v7;
	vm0 =	vgt.s32 v3, $0x0;
	v6 =	vbroadcast v6, $0xF  }
0x151: {  	v3 =	vadd.f32 v7, v4;
	v4 =	vsel vm0, $0x0, v2;
	vm0 =	vcmask $0x1F1C  }
0x152: {  	v6 =	vnsel vm0, $0x0, v6  }
0x153: {  	v5 =	vmul.f32 v5, v4;
	v3 =	vadd.f32 v6, v3  }
0x154: {  	[tilespmem:$0x123B0] =	vst v1;
	v6 =	vmul.f32 v8, v4  }
0x155: {  	s0 =	sand.u32 $0x60, s26;
	s10 =	sshll.u32 s28, $0x4;
	[tilespmem:$0x12380] =	vst v5;
	v3 =	vmul.f32 v3, v4  }
0x156: {  	s26 =	sand.u32 $0xFFFFF80, s10;
	s0 =	sadd.s32 s5, s0;
	[tilespmem:$0x12390] =	vst v6  }
0x157: {  	p0 =	seq.s32 s24, $0xF;
	s0 =	sadd.s32 s26, s0;
	[tilespmem:$0x123A0] =	vst v3  }
0x158: {  	[hbm4b:s0+s4] =	stream.linear.scatter [tilespmem:s21], [sflag:$0x3], $0x80, $0x38;
	[tilespmem:$0x12400] =	vst v63  }
0x159: {  	s0 =	sadd.s32 @!p0 $0x2, s28  }
0x15a: {  	_ =	swait.ge [sflag:s12], $0x80;
	s3 =	sshll.u32 @!p0 s0, $0xC  }
0x15b: {  	[sflag:s12] =	ssyncset.done $0x0;
	s3 =	sand.u32 @!p0 $0x1FFFE000, s3  }
0x15c: {  	s7 =	simm.s32 @!p0 $0x0;
	[sflag:s12] =	ssyncadd.s32 $0xFFFFFF80;
	s3 =	sadd.s32 @!p0 s1, s3  }
0x15d: {  	[tilespmem:s7], [sflag:$0x1] =	stream.linear.gather @!p0 [hbm4b:s3+s7], $0x8000, $0x38;
	[tilespmem:$0x12400] =	vst v63  }
0x15e: {  	s3 =	sshll.u32 @!p0 s0, $0x4  }
0x15f: {  	s0 =	sshll.u32 @!p0 s0, $0x9;
	s3 =	sand.u32 @!p0 $0x60, s3  }
0x160: {  	s8 =	simm.s32 @!p0 $0x10000;
	s0 =	sand.u32 @!p0 $0xFFFF000, s0;
	s3 =	sadd.s32 @!p0 s2, s3  }
0x161: {  	s7 =	simm.s32 @!p0 $0x400;
	s0 =	sadd.s32 @!p0 s0, s3;
	s3 =	simm.s32 @!p0 $0x80  }
0x162: {  	[tilespmem:s8], [sflag:$0x1] =	stream.strided.gather @!p0 [hbm4b:s0+s3], $0x1000, s7, s3, $0x38;
	[tilespmem:$0x12400] =	vst v63  }
0x163: {  	_ =	swait.ge [sflag:s22], $0x8000  }
0x164: {  	[sflag:s22] =	ssyncset.done $0x0  }
0x165: {  	[sflag:s22] =	ssyncadd.s32 $0xFFFF8000  }
0x166: {  	s11 =	sor.u32 $0x1, s25;
	_ =	swait.ge [sflag:s22], $0x1000  }
0x167: {  	s25 =	sshll.u32 s11, $0x4;
	[sflag:s22] =	ssyncset.done $0x0  }
0x168: {  	s0 =	sand.u32 $0x3FFFFFF0, s25;
	[sflag:s22] =	ssyncadd.s32 $0xFFFFF000  }
0x169: {  	v3 =	vld [tilespmem:s0+$0x12000];
	_ =	sdelay $0x4  }
0x16a: {  	vm9 =	vcmask $0x308;
	v4 =	vnsel vm8, $0x0, v3  }
0x16b: {  	(xrf0) =	vadd.scan.msk.s32 $0xffff, v4;
	v4 =	vsel vm9, $0x0, v3  }
0x16c: {  	vm10 =	vcmask $0x1318;
	(xrf0) =	vadd.scan.msk.s32 $0xffff, v4  }
0x16d: {  	vm11 =	vcmask $0x70C;
	v4 =	vsel vm10, $0x0, v3  }
0x16e: {  	(xrf0) =	vadd.scan.msk.s32 $0xffff, v4;
	v4 =	vsel vm11, $0x0, v3  }
0x16f: {  	(xrf0) =	vadd.scan.msk.s32 $0xffff, v4  }
0x170: {  	vm12 =	vcmask $0x171C  }
0x171: {  	vm13 =	vcmask $0xB10;
	v4 =	vsel vm12, $0x0, v3;
	v5, _, _ =	vpop (xrf0)  }
0x172: {  	(xrf0) =	vadd.scan.msk.s32 $0xffff, v4;
	v4 =	vsel vm13, $0x0, v3;
	v6, _, _ =	vpop (xrf0)  }
0x173: {  	vm14 =	vcmask $0x1B20;
	[tilespmem:$0x12200] =	vst v1;
	(xrf0) =	vadd.scan.msk.s32 $0xffff, v4;
	v4 =	vbroadcast v6, $0xF  }
0x174: {  	vm15 =	vcmask $0xF14;
	[tilespmem:$0x12210] =	vst v1;
	v5 =	vbroadcast v5, $0xF;
	v6 =	vsel vm14, $0x0, v3;
	v7, _, _ =	vpop (xrf0)  }
0x175: {  	(xrf0) =	vadd.scan.msk.s32 $0xffff, v6;
	v6 =	vsel vm15, $0x0, v3;
	vm2 =	veq.s32 v4, v0;
	v4 =	vbroadcast v7, $0xF;
	v7, _, _ =	vpop (xrf0)  }
0x176: {  	[tilespmem:$0x12280] =	vst v1;
	v5 =	vnsel vm8, $0xFFFFFFFF, v5;
	(xrf0) =	vadd.scan.msk.s32 $0xffff, v6;
	v6 =	vbroadcast v7, $0xF  }
0x177: {  	vm1 =	vcmask $0x1F24;
	[tilespmem:$0x12290] =	vst v1;
	vm0 =	vlt.s32 v5, $0x0  }
0x178: {  	[tilespmem:$0x122A0] =	vst v1;
	v3 =	vsel vm1, $0x0, v3;
	vm0 =	vmand vm2, vm0  }
0x179: {  	[tilespmem:$0x122B0] =	vst v1;
	v8, _, _ =	vpop (xrf0);
	(xrf0) =	vadd.scan.msk.s32 $0xffff, v3;
	v7 =	vsel vm0, v4, v5  }
0x17a: {  	[tilespmem:$0x122C0] =	vst v1;
	v3 =	vbroadcast v8, $0xF;
	vm3 =	veq.s32 v6, v0;
	vm0 =	vlt.s32 v7, $0x0;
	v6, _, _ =	vpop (xrf0)  }
0x17b: {  	[tilespmem:$0x122D0] =	vst v1;
	vm0 =	vmand vm3, vm0;
	v6 =	vbroadcast v6, $0xF  }
0x17c: {  	[tilespmem:$0x122E0] =	vst v1;
	vm4 =	vgt.s32 v5, $0xFFFFFFFF;
	v8 =	vsel vm0, v3, v7;
	v9, _, _ =	vpop (xrf0)  }
0x17d: {  	[tilespmem:$0x122F0] =	vst v1;
	vm1 =	vlt.s32 v8, $0x0;
	vm0 =	veq.s32 v6, v0;
	v6 =	vbroadcast v9, $0xF;
	v9, _, _ =	vpop (xrf0)  }
0x17e: {  	[tilespmem:$0x12300] =	vst v1;
	vm5 =	vne.s32 v5, v4;
	vm1 =	vmand vm0, vm1;
	v9 =	vbroadcast v9, $0xF  }
0x17f: {  	[tilespmem:$0x12310] =	vst v1;
	vm4 =	vmand vm4, vm5;
	vm7 =	vne.s32 v7, v3;
	v5, _, _ =	vpop (xrf0);
	v4 =	vsel vm1, v6, v8  }
0x180: {  	[tilespmem:$0x12320] =	vst v1;
	v5 =	vbroadcast v5, $0xF;
	vm1 =	veq.s32 v9, v0;
	vm6 =	vlt.s32 v4, $0x0  }
0x181: {  	[tilespmem:$0x12330] =	vst v1;
	vm2 =	vmand vm2, vm4;
	vm5 =	vmand vm1, vm6;
	vm6 =	vgt.s32 v7, $0xFFFFFFFF  }
0x182: {  	[tilespmem:$0x12340] =	vst v1;
	v3 =	vsel vm5, v5, v4;
	vm4 =	vmand vm6, vm7;
	vm5 =	vne.s32 v4, v5  }
0x183: {  	[tilespmem:$0x12350] =	vst v1;
	v7 =	vnsel vm8, $0x0, v3;
	vm3 =	vmand vm3, vm4;
	vm4 =	vne.s32 v8, v6  }
0x184: {  	(xrf0) =	vadd.scan.msk.s32 $0xffff, v7;
	v7 =	vsel vm9, $0x0, v3;
	vm2 =	vmor vm2, vm3;
	vm3 =	vgt.s32 v8, $0xFFFFFFFF  }
0x185: {  	(xrf0) =	vadd.scan.msk.s32 $0xffff, v7;
	v7 =	vsel vm11, $0x0, v3;
	vm3 =	vmand vm3, vm4;
	vm4 =	vgt.s32 v4, $0xFFFFFFFF  }
0x186: {  	s9 =	simm.s32 $0x0;
	(xrf0) =	vadd.scan.msk.s32 $0xffff, v7;
	v7 =	vsel vm13, $0x0, v3;
	vm0 =	vmand vm0, vm3;
	vm3 =	vmand vm4, vm5  }
0x187: {  	s15 =	sand.u32 $0x7C00, s9;
	v6 =	vsel vm15, $0x0, v3;
	(xrf0) =	vadd.scan.msk.s32 $0xffff, v7;
	vm0 =	vmor vm2, vm0;
	vm1 =	vmand vm1, vm3  }
0x188: {  	s10 =	sand.u32 $0x40, s9;
	s23 =	sor.u32 $0x8000, s15;
	[tilespmem:$0x12360] =	vst v1;
	(xrf0) =	vadd.scan.msk.s32 $0xffff, v6;
	v6 =	vsel vm10, $0x0, v3;
	vm0 =	vmor vm0, vm1  }
0x189: {  	s7 =	sor.u32 s10, s23;
	[tilespmem:$0x12370] =	vst v1;
	(xrf0) =	vadd.scan.msk.s32 $0xffff, v6;
	v6 =	vsel vm12, $0x0, v3;
	v0 =	vmpcnt.ones.xlane vm0  }
0x18a: {  	v38 =	vld [tilespmem:s7+$0x0];
	v3 =	vsel vm14, $0x0, v3;
	v4, _, _ =	vpop (xrf0);
	(xrf0) =	vadd.scan.msk.s32 $0xffff, v6  }
0x18b: {  	v20 =	vld [tilespmem:s7+$0x80];
	v5, _, _ =	vpop (xrf0);
	(xrf0) =	vadd.scan.msk.s32 $0xffff, v3;
	[tilespmem:$0x1FD40] =	vst v0  }
0x18c: {  	v8, _, _ =	vpop (xrf0);
	v27 =	vld [tilespmem:s7+$0x180]  }
0x18d: {  	v9, _, _ =	vpop (xrf0)  }
0x18e: {  	s3 =	sor.u32 $0x30, s10;
	v10, _, _ =	vpop (xrf0)  }
0x18f: {  	s8 =	sor.u32 s3, s23;
	s0 =	sor.u32 $0x10, s10;
	v3 =	vbroadcast v4, $0xF;
	v9 =	vbroadcast v9, $0xF;
	v4, _, _ =	vpop (xrf0)  }
0x190: {  	s15 =	sor.u32 s0, s23;
	v34 =	vld [tilespmem:s8+$0x80];
	v1 =	vbroadcast v10, $0xF;
	v11, _, _ =	vpop (xrf0);
	v10 =	vbroadcast v4, $0xF  }
0x191: {  	v39 =	vld [tilespmem:s15+$0x80];
	vm14 =	vlt.s32 v9, $0x0;
	v11 =	vbroadcast v11, $0xF;
	v4, _, _ =	vpop (xrf0);
	vm1 =	veq.s32 v27, v9  }
0x192: {  	s11 =	sor.u32 $0x20, s10;
	v31 =	vld [tilespmem:s7+$0x100];
	v0 =	vbroadcast v4, $0xF;
	vm1 =	vmor vm14, vm1;
	v4 =	vimm.s32 $0x0  }
0x193: {  	s10 =	sor.u32 s11, s23;
	v45 =	vld [tilespmem:s15+$0x0];
	v4 =	vsel vm1, $0xFFFFFFFF, v4  }
0x194: {  	v22 =	vld [tilespmem:s10+$0x80];
	vm15 =	vlt.s32 v11, $0x0;
	[tilespmem:$0x1FD60] =	vst v4;
	v4 =	vimm.s32 $0x0  }
0x195: {  	v7 =	vbroadcast v5, $0xF;
	v47 =	vld [tilespmem:s8+$0x0];
	v4 =	vsel vm15, $0xFFFFFFFF, v4  }
0x196: {  	v8 =	vbroadcast v8, $0xF;
	vm12 =	vlt.s32 v3, $0x0;
	v19 =	vld [tilespmem:s10+$0x0];
	[tilespmem:$0x1FD50] =	vst v4  }
0x197: {  	vm4 =	veq.s32 v38, v3;
	vm10 =	vlt.s32 v7, $0x0;
	vm0 =	veq.s32 v20, v7;
	v29 =	vld [tilespmem:s10+$0x100]  }
0x198: {  	vm4 =	vmor vm12, vm4;
	vm0 =	vmor vm10, vm0;
	v63 =	vld [tilespmem:s10+$0x180]  }
0x199: {  	vm13 =	vlt.s32 v8, $0x0;
	vm0 =	vmand vm4, vm0;
	v60 =	vld [tilespmem:s10+$0x200]  }
0x19a: {  	vm2 =	veq.s32 v39, v7;
	vm4 =	veq.s32 v45, v3;
	vm11 =	vlt.s32 v1, $0x0;
	v61 =	vld [tilespmem:s10+$0x280]  }
0x19b: {  	vm5 =	veq.s32 v22, v7;
	vm6 =	veq.s32 v34, v7;
	vm9 =	vlt.s32 v10, $0x0;
	v25 =	vld [tilespmem:s10+$0x300]  }
0x19c: {  	vm3 =	vmor vm10, vm2;
	vm2 =	veq.s32 v31, v8;
	vm4 =	vmor vm12, vm4;
	v35 =	vld [tilespmem:s8+$0x100]  }
0x19d: {  	vm5 =	vmor vm10, vm5;
	vm6 =	vmor vm10, vm6;
	vm2 =	vmor vm13, vm2;
	v49 =	vld [tilespmem:s15+$0x180]  }
0x19e: {  	vm1 =	vmmov vm9;
	vm3 =	vmand vm4, vm3;
	vm2 =	vmand vm0, vm2;
	v12 =	vld [tilespmem:s8+$0x180]  }
0x19f: {  	v4 =	vimm.s32 $0x0;
	v44 =	vld [tilespmem:s15+$0x100];
	vm7 =	veq.s32 v47, v3;
	vm8 =	veq.s32 v19, v3  }
0x1a0: {  	v32 =	vld [tilespmem:s8+$0x200];
	v4 =	vsel vm1, $0xFFFFFFFF, v4;
	vm7 =	vmor vm12, vm7;
	vm8 =	vmor vm12, vm8  }
0x1a1: {  	v33 =	vld [tilespmem:s8+$0x280];
	vm6 =	vmand vm7, vm6;
	vm7 =	veq.s32 v29, v8;
	vm5 =	vmand vm8, vm5  }
0x1a2: {  	v51 =	vld [tilespmem:s10+$0x380];
	vm8 =	veq.s32 v63, v9;
	vm4 =	veq.s32 v35, v8;
	vm0 =	veq.s32 v49, v9  }
0x1a3: {  	v41 =	vld [tilespmem:s15+$0x280];
	vm7 =	vmor vm13, vm7;
	vm8 =	vmor vm14, vm8;
	vm4 =	vmor vm13, vm4  }
0x1a4: {  	v15 =	vld [tilespmem:s8+$0x300];
	vm0 =	vmor vm14, vm0;
	vm5 =	vmand vm5, vm7;
	vm7 =	veq.s32 v60, v1  }
0x1a5: {  	v40 =	vld [tilespmem:s7+$0x280];
	vm4 =	vmand vm6, vm4;
	vm6 =	veq.s32 v44, v8;
	vm7 =	vmor vm11, vm7  }
0x1a6: {  	v48 =	vld [tilespmem:s7+$0x200];
	vm5 =	vmand vm5, vm8;
	vm8 =	veq.s32 v61, v10;
	vm6 =	vmor vm13, vm6  }
0x1a7: {  	v53 =	vld [tilespmem:s8+$0x380];
	vm5 =	vmand vm5, vm7;
	vm7 =	veq.s32 v25, v11;
	vm8 =	vmor vm9, vm8  }
0x1a8: {  	v43 =	vld [tilespmem:s7+$0x300];
	vm3 =	vmand vm3, vm6;
	vm6 =	veq.s32 v32, v1;
	vm5 =	vmand vm5, vm8  }
0x1a9: {  	[tilespmem:$0x1FDB0] =	vst v4;
	v4 =	vld [tilespmem:$0x1FD50];
	vm8 =	veq.s32 v12, v9;
	vm7 =	vmor vm15, vm7;
	vm15 =	vlt.s32 v0, $0x0  }
0x1aa: {  	vm6 =	vmor vm11, vm6;
	vm5 =	vmand vm5, vm7;
	vm7 =	vmor vm14, vm8  }
0x1ab: {  	vm8 =	veq.s32 v33, v10;
	vm7 =	vmand vm4, vm7;
	vm4 =	vmand vm3, vm0  }
0x1ac: {  	vm0 =	veq.s32 v51, v0;
	vm3 =	vmand vm7, vm6;
	vm6 =	veq.s32 v41, v10  }
0x1ad: {  	s23 =	simm.s32 $0x200;
	vm9 =	vmor vm15, vm0;
	vm0 =	vmmov vm1;
	vm7 =	vmor vm1, vm8  }
0x1ae: {  	s28 =	simm.s32 $0x40;
	s10 =	sand.u32 $0x7C00, s23;
	vm9 =	vmand vm5, vm9;
	vm5 =	vmor vm1, vm6;
	vm1 =	vnez.u8 v4;
	v4 =	vld [tilespmem:$0x1FD60]  }
0x1af: {  	s30 =	sand.u32 $0x40, s28;
	s31 =	sor.u32 $0x8000, s10  }
0x1b0: {  	s29 =	sor.u32 s30, s31;
	vm8 =	veq.s32 v15, v11  }
0x1b1: {  	v13 =	vld [tilespmem:s29+$0x0];
	vm3 =	vmand vm3, vm7;
	vm6 =	vmor vm1, vm8  }
0x1b2: {  	v17 =	vld [tilespmem:s29+$0x80];
	vm7 =	veq.s32 v40, v10;
	vm3 =	vmand vm3, vm6;
	vm6 =	veq.s32 v48, v1  }
0x1b3: {  	vm7 =	vmor vm0, vm7;
	vm6 =	vmor vm11, vm6;
	vm0 =	vnez.u8 v4  }
0x1b4: {  	v4 =	vimm.s32 $0x0;
	vm0 =	vmand vm2, vm0;
	vm2 =	veq.s32 v53, v0  }
0x1b5: {  	vm8 =	vmand vm0, vm6;
	vm6 =	veq.s32 v43, v11;
	vm2 =	vmor vm15, vm2  }
0x1b6: {  	v50 =	vld [tilespmem:s7+$0x380];
	vm0 =	vmmov vm1;
	vm6 =	vmor vm1, vm6;
	vm1 =	vmand vm3, vm2  }
0x1b7: {  	v46 =	vld [tilespmem:s15+$0x200];
	s7 =	sor.u32 $0x30, s30;
	vm2 =	veq.s32 v17, v7;
	vm3 =	veq.s32 v13, v3;
	v4 =	vsel vm1, $0xFFFFFFFF, v4  }
0x1b8: {  	v52 =	vld [tilespmem:s15+$0x300];
	s10 =	sor.u32 s7, s31;
	vm2 =	vmor vm10, vm2;
	vm3 =	vmor vm12, vm3;
	[tilespmem:$0x1FDA0] =	vst v4  }
0x1b9: {  	vm2 =	vmand vm3, vm2;
	v4 =	vimm.s32 $0x0;
	v54 =	vld [tilespmem:s10+$0x80]  }
0x1ba: {  	v14 =	vld [tilespmem:s10+$0x0];
	v4 =	vsel vm2, $0xFFFFFFFF, v4  }
0x1bb: {  	s8 =	sor.u32 $0x20, s30;
	v56 =	vld [tilespmem:s15+$0x380];
	[tilespmem:$0x1FDD0] =	vst v4;
	v4 =	vimm.s32 $0x0  }
0x1bc: {  	s9 =	sand.u32 $0xF80, s9;
	s15 =	sor.u32 s8, s31;
	v4 =	vsel vm11, $0xFFFFFFFF, v4  }
0x1bd: {  	s23 =	sor.u32 $0x11000, s9;
	v21 =	vld [tilespmem:s15+$0x80];
	[tilespmem:$0x1FE40] =	vst v4  }
0x1be: {  	s9 =	sor.u32 s11, s23;
	v23 =	vld [tilespmem:s15+$0x0]  }
0x1bf: {  	vm1 =	vmand vm8, vm7;
	v57 =	vld [tilespmem:s9+$0x0]  }
0x1c0: {  	vm7 =	veq.s32 v46, v1;
	vm1 =	vmand vm1, vm6;
	vm6 =	veq.s32 v50, v0;
	v24 =	vld [tilespmem:s15+$0x100]  }
0x1c1: {  	vm5 =	vmmov vm5;
	vm2 =	vmor vm15, vm6;
	vm6 =	vmor vm11, vm7;
	s9 =	sor.u32 $0x10, s30;
	v28 =	vld [tilespmem:s15+$0x180]  }
0x1c2: {  	vm2 =	vmand vm1, vm2;
	vm1 =	veq.s32 v52, v11;
	vm4 =	vmand vm4, vm6;
	v30 =	vld [tilespmem:s15+$0x280];
	s30 =	sor.u32 s9, s31  }
0x1c3: {  	vm1 =	vmor vm0, vm1;
	vm5 =	vmand vm4, vm5;
	v16 =	vld [tilespmem:s30+$0x0]  }
0x1c4: {  	vm1 =	vmmov vm1;
	v26 =	vld [tilespmem:s15+$0x200];
	vm4 =	veq.s32 v54, v7;
	vm6 =	veq.s32 v14, v3  }
0x1c5: {  	v55 =	vld [tilespmem:s10+$0x100];
	vm7 =	veq.s32 v56, v0;
	vm6 =	vmor vm12, vm6;
	vm4 =	vmor vm10, vm4  }
0x1c6: {  	vm1 =	vmand vm5, vm1;
	v18 =	vld [tilespmem:s30+$0x80];
	vm4 =	vmand vm6, vm4;
	vm6 =	vmor vm15, vm7  }
0x1c7: {  	v58 =	vadd.s32 $0x20, v22;
	s11 =	simm.s32 $0x11000;
	vm7 =	vmand vm1, vm6;
	[tilespmem:v57+s19+$0x0] =	vst.idx.add.f32.msk vm9, v2  }
0x1c8: {  	vm8 =	veq.s32 v23, v3;
	vm6 =	veq.s32 v16, v3;
	v57 =	vld [tilespmem:s11+$0x0];
	[tilespmem:$0x1FD70] =	vst v3;
	v3 =	vimm.s32 $0x0  }
0x1c9: {  	v29 =	vadd.s32 $0x40, v29;
	[tilespmem:v19+s20+$0x0] =	vst.idx.msk vm9, v2;
	v3 =	vsel vm10, $0xFFFFFFFF, v3  }
0x1ca: {  	v59 =	vadd.s32 $0x60, v63;
	v22 =	vld [tilespmem:s29+$0x300];
	[tilespmem:$0x1FD80] =	vst v3;
	v3 =	vimm.s32 $0x0  }
0x1cb: {  	v3 =	vsel vm12, $0xFFFFFFFF, v3  }
0x1cc: {  	[tilespmem:$0x1FD90] =	vst v3  }
0x1cd: {  	vm5 =	veq.s32 v21, v7;
	[tilespmem:v58+s20+$0x0] =	vst.idx.msk vm9, v2  }
0x1ce: {  	vm1 =	vmor vm10, vm5;
	vm5 =	vmor vm12, vm8;
	[tilespmem:v29+s20+$0x0] =	vst.idx.msk vm9, v2  }
0x1cf: {  	v36 =	vadd.s32 $0x80, v60;
	vm1 =	vmand vm5, vm1;
	vm5 =	veq.s32 v24, v8;
	[tilespmem:v59+s20+$0x0] =	vst.idx.msk vm9, v2  }
0x1d0: {  	v62 =	vadd.s32 $0x20, v20;
	v42 =	vadd.s32 $0xA0, v61;
	vm5 =	vmor vm13, vm5;
	v3 =	vld [tilespmem:$0x1FDA0]  }
0x1d1: {  	v60 =	vadd.s32 $0xC0, v25;
	vm5 =	vmand vm1, vm5;
	vm1 =	veq.s32 v18, v7;
	v25 =	vld [tilespmem:s29+$0x280]  }
0x1d2: {  	vm8 =	veq.s32 v28, v9;
	vm6 =	vmor vm12, vm6;
	vm1 =	vmor vm10, vm1;
	v37 =	vld [tilespmem:s15+$0x300]  }
0x1d3: {  	vm8 =	vmor vm14, vm8;
	vm1 =	vmand vm6, vm1;
	vm6 =	veq.s32 v26, v1;
	v19 =	vld [tilespmem:s30+$0x300]  }
0x1d4: {  	v51 =	vadd.s32 $0xE0, v51;
	vm5 =	vmand vm5, vm8;
	vm6 =	vmor vm11, vm6;
	v20 =	vld [tilespmem:s30+$0x280];
	[tilespmem:v36+s20+$0x0] =	vst.idx.msk vm9, v2  }
0x1d5: {  	vm5 =	vmand vm5, vm6;
	vm6 =	vnez.u8 v3;
	v3 =	vld [tilespmem:$0x1FDB0];
	[tilespmem:v42+s20+$0x0] =	vst.idx.msk vm9, v2  }
0x1d6: {  	v63 =	vadd.s32 $0x40, v31;
	[tilespmem:v57+s19+$0x0] =	vst.idx.add.f32.msk vm2, v2  }
0x1d7: {  	v31 =	vld [tilespmem:s29+$0x100];
	v59 =	vadd.s32 $0x60, v27;
	[tilespmem:v60+s20+$0x0] =	vst.idx.msk vm9, v2  }
0x1d8: {  	v58 =	vld [tilespmem:s10+$0x380];
	[tilespmem:v38+s20+$0x0] =	vst.idx.msk vm2, v2  }
0x1d9: {  	v48 =	vadd.s32 $0x80, v48;
	v29 =	vld [tilespmem:s30+$0x100];
	[tilespmem:v51+s20+$0x0] =	vst.idx.msk vm9, v2  }
0x1da: {  	v27 =	vld [tilespmem:s29+$0x180];
	[tilespmem:v62+s20+$0x0] =	vst.idx.msk vm2, v2  }
0x1db: {  	s3 =	sor.u32 s3, s23;
	v42 =	vld [tilespmem:s30+$0x180];
	[tilespmem:v63+s20+$0x0] =	vst.idx.msk vm2, v2;
	vm11 =	vnez.u8 v3;
	v3 =	vimm.s32 $0x0  }
0x1dc: {  	vm8 =	veq.s32 v55, v8;
	vm10 =	veq.s32 v30, v10;
	v57 =	vld [tilespmem:s3+$0x0];
	[tilespmem:v59+s20+$0x0] =	vst.idx.msk vm2, v2;
	v3 =	vsel vm13, $0xFFFFFFFF, v3  }
0x1dd: {  	vm8 =	vmor vm13, vm8;
	v38 =	vadd.s32 $0xE0, v56;
	v56 =	vadd.s32 $0xC0, v43;
	v43 =	vld [tilespmem:s10+$0x180];
	[tilespmem:$0x1FDC0] =	vst v3  }
0x1de: {  	vm8 =	vmand vm4, vm8;
	vm4 =	vmor vm11, vm10;
	[tilespmem:v48+s20+$0x0] =	vst.idx.msk vm2, v2  }
0x1df: {  	vm4 =	vmand vm5, vm4;
	vm5 =	veq.s32 v37, v11;
	v3 =	vld [tilespmem:$0x1FDD0]  }
0x1e0: {  	vm3 =	vmmov vm0;
	vm0 =	vmor vm0, vm5  }
0x1e1: {  	vm12 =	vmand vm4, vm0;
	vm0 =	veq.s32 v29, v8  }
0x1e2: {  	v51 =	vadd.s32 $0xA0, v40;
	vm0 =	vmor vm13, vm0  }
0x1e3: {  	vm0 =	vmand vm1, vm0;
	vm1 =	veq.s32 v31, v8  }
0x1e4: {  	v50 =	vadd.s32 $0xE0, v50;
	vm1 =	vmor vm13, vm1;
	vm4 =	vnez.u8 v3  }
0x1e5: {  	v36 =	vadd.s32 $0xA0, v33;
	vm4 =	vmand vm4, vm1;
	vm1 =	veq.s32 v42, v9  }
0x1e6: {  	v33 =	vadd.s32 $0xE0, v53;
	v60 =	vadd.s32 $0x20, v39;
	vm1 =	vmor vm14, vm1  }
0x1e7: {  	s0 =	sor.u32 s0, s23;
	v40 =	vadd.s32 $0xC0, v52;
	[tilespmem:v51+s20+$0x0] =	vst.idx.msk vm2, v2;
	vm5 =	vmand vm0, vm1;
	vm0 =	veq.s32 v27, v9  }
0x1e8: {  	v52 =	vadd.s32 $0x60, v49;
	v53 =	vld [tilespmem:s0+$0x0];
	[tilespmem:v56+s20+$0x0] =	vst.idx.msk vm2, v2;
	v3 =	vimm.s32 $0x0;
	vm0 =	vmor vm14, vm0  }
0x1e9: {  	v59 =	vld [tilespmem:s10+$0x200];
	[tilespmem:v50+s20+$0x0] =	vst.idx.msk vm2, v2;
	vm2 =	veq.s32 v19, v11;
	vm1 =	veq.s32 v20, v10;
	v3 =	vsel vm0, $0xFFFFFFFF, v3  }
0x1ea: {  	v61 =	vld [tilespmem:s10+$0x280];
	vm2 =	vmor vm3, vm2;
	vm9 =	vmor vm11, vm1;
	[tilespmem:$0x1FDE0] =	vst v3;
	v3 =	vimm.s32 $0x0  }
0x1eb: {  	vm1 =	veq.s32 v22, v11;
	vm0 =	veq.s32 v25, v10;
	v49 =	vld [tilespmem:s15+$0x380];
	v3 =	vsel vm2, $0xFFFFFFFF, v3  }
0x1ec: {  	vm11 =	vmor vm11, vm0;
	vm0 =	vmor vm3, vm1;
	v39 =	vld [tilespmem:s10+$0x300];
	[tilespmem:$0x1FDF0] =	vst v3;
	v3 =	vimm.s32 $0x0  }
0x1ed: {  	v3 =	vsel vm0, $0xFFFFFFFF, v3  }
0x1ee: {  	[tilespmem:$0x1FE00] =	vst v3  }
0x1ef: {  	vm1 =	veq.s32 v58, v0;
	[tilespmem:v57+s19+$0x0] =	vst.idx.add.f32.msk vm6, v2  }
0x1f0: {  	vm2 =	veq.s32 v59, v1;
	vm1 =	vmor vm15, vm1;
	[tilespmem:$0x1FE10] =	vst v1;
	v1 =	vimm.s32 $0x0  }
0x1f1: {  	v1 =	vsel vm1, $0xFFFFFFFF, v1  }
0x1f2: {  	[tilespmem:$0x1FE20] =	vst v1;
	v1 =	vimm.s32 $0x0  }
0x1f3: {  	v1 =	vsel vm14, $0xFFFFFFFF, v1  }
0x1f4: {  	[tilespmem:$0x1FE30] =	vst v1;
	v1 =	vld [tilespmem:$0x1FE40];
	_ =	sdelay $0x3  }
0x1f5: {  	v34 =	vadd.s32 $0x20, v34;
	v35 =	vadd.s32 $0x40, v35;
	vm0 =	veq.s32 v43, v9;
	[tilespmem:v47+s20+$0x0] =	vst.idx.msk vm6, v2  }
0x1f6: {  	s11 =	simm.s32 $0x11040;
	v48 =	vadd.s32 $0x40, v44;
	vm10 =	vmor vm14, vm0;
	[tilespmem:v53+s19+$0x0] =	vst.idx.add.f32.msk vm7, v2;
	vm0 =	vnez.u8 v1  }
0x1f7: {  	v44 =	vld [tilespmem:s11+$0x0];
	[tilespmem:$0x1FE50] =	vst v0;
	vm14 =	vmor vm0, vm2;
	vm0 =	veq.s32 v49, v0;
	v0 =	vimm.s32 $0x0  }
0x1f8: {  	v32 =	vadd.s32 $0x80, v32;
	v41 =	vadd.s32 $0xA0, v41;
	s15 =	sand.u32 $0xF80, s28;
	v0 =	vsel vm15, $0xFFFFFFFF, v0  }
0x1f9: {  	v46 =	vadd.s32 $0x80, v46;
	v54 =	vadd.s32 $0x20, v54;
	v56 =	vadd.s32 $0x40, v55;
	s23 =	sor.u32 $0x11000, s15;
	[tilespmem:$0x1FE60] =	vst v0  }
0x1fa: {  	s31 =	simm.s32 $0x4;
	s3 =	simm.s32 $0x400;
	v50 =	vadd.s32 $0xE0, v58;
	v51 =	vadd.s32 $0x80, v59;
	s0 =	sor.u32 s9, s23;
	vm13 =	veq.s32 v39, v11;
	v53 =	vld [tilespmem:s30+$0x380];
	[tilespmem:v45+s20+$0x0] =	vst.idx.msk vm7, v2  }
0x1fb: {  	s8 =	sor.u32 s8, s23;
	s15 =	sor.u32 s7, s23;
	v47 =	vadd.s32 $0xA0, v61;
	s11 =	simm.s32 $0x11080;
	vm1 =	vmor vm15, vm0;
	vm15 =	veq.s32 v61, v10;
	v57 =	vld [tilespmem:s29+$0x380];
	[tilespmem:v60+s20+$0x0] =	vst.idx.msk vm7, v2  }
.LBB2_5:
0x1fc: {  	v0 =	vld [tilespmem:$0x1FD50];
	_ =	sdelay $0x3  }
0x1fd: {  	vm0 =	vmand vm8, vm10  }
0x1fe: {  	vm3 =	vmmov vm9;
	v1 =	vld [tilespmem:$0x1FDB0];
	vm10 =	vnez.u8 v0;
	v0 =	vimm.s32 $0x0  }
0x1ff: {  	v0 =	vsel vm3, $0xFFFFFFFF, v0  }
0x200: {  	[tilespmem:$0x1FC50] =	vst v0;
	v0 =	vld [tilespmem:$0x1FDF0];
	_ =	sdelay $0x2  }
0x201: {  	vm2 =	vmmov vm6;
	vm9 =	vnez.u8 v1;
	v1 =	vld [tilespmem:$0x1FE20]  }
0x202: {  	vm12 =	vmand vm12, vm1;
	v61 =	vadd.s32 $0xA0, v30  }
0x203: {  	v30 =	vadd.s32 $0x60, v12;
	vm0 =	vmand vm0, vm14;
	vm3 =	vnez.u8 v0  }
0x204: {  	v0 =	vimm.s32 $0x0;
	vm6 =	vmmov vm3;
	vm3 =	vmor vm9, vm15  }
0x205: {  	[tilespmem:v48+s20+$0x0] =	vst.idx.msk vm7, v2;
	v6 =	vld [tilespmem:$0x1FE10];
	vm1 =	vmor vm10, vm13;
	v0 =	vsel vm6, $0xFFFFFFFF, v0;
	vm0 =	vmand vm0, vm3  }
0x206: {  	[tilespmem:$0x1FC60] =	vst v0;
	v0 =	vld [tilespmem:s29+$0x200];
	vm0 =	vmand vm0, vm1;
	vm1 =	vnez.u8 v1  }
0x207: {  	[tilespmem:v34+s20+$0x0] =	vst.idx.msk vm2, v2;
	v1 =	vimm.s32 $0x0;
	vm0 =	vmand vm0, vm1  }
0x208: {  	[tilespmem:v35+s20+$0x0] =	vst.idx.msk vm2, v2;
	v1 =	vsel vm0, $0xFFFFFFFF, v1  }
0x209: {  	[tilespmem:$0x1FDA0] =	vst v1;
	v1 =	vadd.s32 $0xC0, v15  }
0x20a: {  	v5 =	vld [tilespmem:$0x1FE50];
	[tilespmem:v30+s20+$0x0] =	vst.idx.msk vm2, v2  }
0x20b: {  	[tilespmem:v32+s20+$0x0] =	vst.idx.msk vm2, v2;
	v32 =	vmov v51;
	vm3 =	veq.s32 v0, v6;
	v51 =	vadd.s32 $0x80, v0;
	v0 =	vld [tilespmem:$0x1FE40]  }
0x20c: {  	s7 =	sand.u32 $0x7C00, s3;
	s28 =	sadd.s32 $0x40, s28;
	[tilespmem:v52+s20+$0x0] =	vst.idx.msk vm7, v2  }
0x20d: {  	s9 =	sand.u32 $0x40, s28;
	s23 =	sor.u32 $0x8000, s7;
	v52 =	vld [tilespmem:s30+$0x200];
	[tilespmem:v36+s20+$0x0] =	vst.idx.msk vm2, v2  }
0x20e: {  	s29 =	sor.u32 s9, s23;
	[tilespmem:v1+s20+$0x0] =	vst.idx.msk vm2, v2;
	v1 =	vld [tilespmem:$0x1FDE0]  }
0x20f: {  	[tilespmem:v46+s20+$0x0] =	vst.idx.msk vm7, v2;
	v46 =	vadd.s32 $0xE0, v53;
	vm0 =	veq.s32 v53, v5;
	v53 =	vadd.s32 $0x60, v27;
	v27 =	vld [tilespmem:s29+$0x180]  }
0x210: {  	vm13 =	vnez.u8 v0;
	v0 =	vadd.s32 $0x20, v21;
	v21 =	vld [tilespmem:$0x1FE30]  }
0x211: {  	v63 =	vld [tilespmem:s8+$0x0];
	s8 =	sor.u32 $0x20, s9;
	[tilespmem:v41+s20+$0x0] =	vst.idx.msk vm7, v2  }
0x212: {  	v4 =	vld [tilespmem:$0x1FE60];
	s7 =	sor.u32 $0x10, s9;
	s10 =	sor.u32 s8, s23;
	[tilespmem:v40+s20+$0x0] =	vst.idx.msk vm7, v2;
	s9 =	sor.u32 $0x30, s9;
	vm1 =	veq.s32 v52, v6  }
0x213: {  	v62 =	vadd.s32 $0xC0, v37;
	s30 =	sor.u32 s7, s23;
	v37 =	vld [tilespmem:s10+$0x300];
	[tilespmem:v38+s20+$0x0] =	vst.idx.msk vm7, v2;
	s23 =	sor.u32 s9, s23;
	vm15 =	vmor vm13, vm1;
	vm1 =	vnez.u8 v1  }
0x214: {  	v41 =	vadd.s32 $0xA0, v20;
	v35 =	vmovc v56;
	v56 =	vld [tilespmem:s23+$0x80];
	[tilespmem:v33+s20+$0x0] =	vst.idx.msk vm2, v2;
	vm2 =	vmor vm13, vm3;
	vm1 =	vmand vm4, vm1  }
0x215: {  	v20 =	vld [tilespmem:s30+$0x280];
	vm1 =	vmand vm1, vm2;
	vm2 =	veq.s32 v27, v9;
	vm4 =	vnez.u8 v21  }
0x216: {  	v30 =	vld [tilespmem:s10+$0x280];
	v21 =	vimm.s32 $0x0;
	vm2 =	vmor vm4, vm2  }
0x217: {  	v12 =	vmov v43;
	v43 =	vld [tilespmem:s29+$0x80];
	v1 =	vadd.s32 $0x40, v24;
	v21 =	vsel vm2, $0xFFFFFFFF, v21  }
0x218: {  	[tilespmem:$0x1FDE0] =	vst v21;
	v21 =	vld [tilespmem:s10+$0x80]  }
0x219: {  	[tilespmem:v63+s19+$0x0] =	vst.idx.add.f32.msk vm12, v2  }
0x21a: {  	v3 =	vld [tilespmem:s29+$0x300];
	[tilespmem:v23+s20+$0x0] =	vst.idx.msk vm12, v2  }
0x21b: {  	v55 =	vadd.s32 $0xC0, v22;
	v45 =	vadd.s32 $0x20, v18;
	v15 =	vmov v39;
	v39 =	vld [tilespmem:s29+$0x280];
	[tilespmem:v0+s20+$0x0] =	vst.idx.msk vm12, v2  }
0x21c: {  	v60 =	vadd.s32 $0x20, v17;
	v59 =	vadd.s32 $0xA0, v25;
	vm6 =	vnez.u8 v4;
	[tilespmem:v1+s20+$0x0] =	vst.idx.msk vm12, v2;
	v1 =	vld [tilespmem:$0x1FE00]  }
0x21d: {  	v40 =	vadd.s32 $0xC0, v19;
	v18 =	vld [tilespmem:s30+$0x80];
	v4 =	vimm.s32 $0x0;
	vm0 =	vmor vm6, vm0  }
0x21e: {  	v34 =	vmovc v54;
	v54 =	vadd.s32 $0xE0, v57;
	v36 =	vmovc v47;
	v47 =	vadd.s32 $0xE0, v49;
	v4 =	vsel vm0, $0xFFFFFFFF, v4;
	v23 =	vld [tilespmem:$0x1FD80]  }
0x21f: {  	v49 =	vld [tilespmem:$0x1FD70];
	vm8 =	vmmov vm6;
	vm0 =	veq.s32 v57, v5;
	[tilespmem:$0x1FC70] =	vst v4;
	v4 =	vadd.s32 $0x40, v31;
	v17 =	vmovc v43  }
0x220: {  	v58 =	vld [tilespmem:s29+$0x0];
	vm0 =	vmor vm6, vm0;
	v22 =	vmovc v3;
	v3 =	vadd.s32 $0x60, v28;
	vm3 =	veq.s32 v17, v7  }
0x221: {  	v25 =	vmovc v39;
	v24 =	vimm.s32 $0x0;
	vm2 =	veq.s32 v20, v10;
	vm6 =	vnez.u8 v1;
	v1 =	vld [tilespmem:$0x1FD90]  }
0x222: {  	v31 =	vld [tilespmem:s29+$0x100];
	vm1 =	vmand vm1, vm11;
	vm4 =	veq.s32 v25, v10;
	vm2 =	vmor vm9, vm2  }
0x223: {  	v19 =	vld [tilespmem:s30+$0x300];
	v24 =	vsel vm2, $0xFFFFFFFF, v24;
	v0 =	vimm.s32 $0x0;
	vm7 =	vnez.u8 v23  }
0x224: {  	v23 =	vimm.s32 $0x0;
	vm2 =	vmor vm7, vm3;
	vm3 =	vmor vm9, vm4  }
0x225: {  	vm4 =	veq.s32 v58, v49;
	v23 =	vsel vm3, $0xFFFFFFFF, v23;
	vm3 =	veq.s32 v18, v7  }
0x226: {  	vm3 =	vmor vm7, vm3;
	vm11 =	vmand vm1, vm6;
	vm6 =	vnez.u8 v1  }
0x227: {  	v57 =	vld [tilespmem:s30+$0x0];
	v1 =	vimm.s32 $0x0;
	vm1 =	vmor vm6, vm4;
	vm4 =	veq.s32 v31, v8  }
0x228: {  	v0 =	vsel vm3, $0xFFFFFFFF, v0;
	vm3 =	veq.s32 v19, v11;
	v1 =	vsel vm4, $0xFFFFFFFF, v1  }
0x229: {  	vm3 =	vmor vm10, vm3;
	[tilespmem:$0x1FCD0] =	vst v1;
	v1 =	vimm.s32 $0x0  }
0x22a: {  	v39 =	vld [tilespmem:s23+$0x300];
	v1 =	vsel vm3, $0xFFFFFFFF, v1  }
0x22b: {  	vm1 =	vmand vm1, vm2;
	[tilespmem:$0x1FDF0] =	vst v1;
	v1 =	vimm.s32 $0x0  }
0x22c: {  	[tilespmem:$0x1FD10] =	vst v24;
	v1 =	vsel vm1, $0xFFFFFFFF, v1;
	vm1 =	veq.s32 v57, v49  }
0x22d: {  	v24 =	vld [tilespmem:s10+$0x100];
	[tilespmem:v3+s20+$0x0] =	vst.idx.msk vm12, v2;
	v3 =	vimm.s32 $0x0;
	vm1 =	vmor vm6, vm1  }
0x22e: {  	[tilespmem:$0x1FD20] =	vst v23;
	v3 =	vsel vm1, $0xFFFFFFFF, v3  }
0x22f: {  	v28 =	vadd.s32 $0x80, v26;
	v23 =	vld [tilespmem:$0x1FC50];
	vm1 =	veq.s32 v39, v11;
	[tilespmem:$0x1FCC0] =	vst v3;
	v3 =	vimm.s32 $0x0  }
0x230: {  	vm14 =	veq.s32 v22, v11;
	v3 =	vsel vm1, $0xFFFFFFFF, v3  }
0x231: {  	vm1 =	vmor vm10, vm14;
	[tilespmem:$0x1FC90] =	vst v3;
	v3 =	vimm.s32 $0x0  }
0x232: {  	vm4 =	vmand vm11, vm0;
	vm0 =	veq.s32 v21, v7;
	v3 =	vsel vm1, $0xFFFFFFFF, v3  }
0x233: {  	v26 =	vld [tilespmem:s10+$0x200];
	vm0 =	vmor vm7, vm0;
	[tilespmem:$0x1FE00] =	vst v3;
	v3 =	vimm.s32 $0x0  }
0x234: {  	[tilespmem:v28+s20+$0x0] =	vst.idx.msk vm12, v2;
	v3 =	vsel vm0, $0xFFFFFFFF, v3;
	vm0 =	vnez.u8 v23;
	v23 =	vld [tilespmem:$0x1FDC0]  }
0x235: {  	[tilespmem:v61+s20+$0x0] =	vst.idx.msk vm12, v2  }
0x236: {  	[tilespmem:v62+s20+$0x0] =	vst.idx.msk vm12, v2  }
0x237: {  	v28 =	vld [tilespmem:s10+$0x180];
	[tilespmem:v47+s20+$0x0] =	vst.idx.msk vm12, v2  }
0x238: {  	[tilespmem:$0x1FCB0] =	vst v0;
	v0 =	vld [tilespmem:s23+$0x380];
	vm2 =	vmand vm5, vm15  }
0x239: {  	[tilespmem:v44+s19+$0x0] =	vst.idx.add.f32.msk vm4, v2;
	vm14 =	vmand vm2, vm0;
	vm2 =	veq.s32 v24, v8;
	vm1 =	vnez.u8 v23  }
0x23a: {  	[tilespmem:v13+s20+$0x0] =	vst.idx.msk vm4, v2;
	v23 =	vimm.s32 $0x0;
	vm0 =	vmor vm1, vm2  }
0x23b: {  	v38 =	vmovc v46;
	v46 =	vadd.s32 $0x80, v52;
	vm5 =	veq.s32 v26, v6;
	[tilespmem:$0x1FC80] =	vst v3;
	v23 =	vsel vm0, $0xFFFFFFFF, v23  }
0x23c: {  	v52 =	vadd.s32 $0x60, v42;
	v3 =	vld [tilespmem:s23+$0x0];
	vm2 =	vmor vm13, vm5;
	[tilespmem:$0x1FCA0] =	vst v23;
	v23 =	vimm.s32 $0x0  }
0x23d: {  	v63 =	vimm.s32 $0x0;
	[tilespmem:v60+s20+$0x0] =	vst.idx.msk vm4, v2;
	v23 =	vsel vm2, $0xFFFFFFFF, v23;
	vm2 =	veq.s32 v30, v10  }
0x23e: {  	v33 =	vmovc v50;
	v50 =	vld [tilespmem:s23+$0x200];
	v62 =	vimm.s32 $0x0;
	vm3 =	veq.s32 v0, v5;
	[tilespmem:v4+s20+$0x0] =	vst.idx.msk vm4, v2;
	vm2 =	vmor vm9, vm2  }
0x23f: {  	v43 =	vld [tilespmem:s23+$0x180];
	vm12 =	veq.s32 v37, v11;
	[tilespmem:$0x1FCE0] =	vst v23;
	v42 =	vsel vm2, $0xFFFFFFFF, v62;
	vm2 =	vmor vm8, vm3  }
0x240: {  	v61 =	vimm.s32 $0x0;
	v4 =	vld [tilespmem:$0x1FC60];
	[tilespmem:$0x1FCF0] =	vst v42;
	v42 =	vsel vm2, $0xFFFFFFFF, v63;
	vm2 =	vmor vm10, vm12  }
0x241: {  	vm15 =	veq.s32 v56, v7;
	v23 =	vld [tilespmem:s10+$0x0];
	[tilespmem:$0x1FE20] =	vst v42;
	v42 =	vsel vm2, $0xFFFFFFFF, v61;
	vm2 =	veq.s32 v3, v49  }
0x242: {  	v62 =	vld [tilespmem:$0x1FE30];
	vm3 =	vmor vm7, vm15;
	vm2 =	vmor vm6, vm2  }
0x243: {  	vm5 =	vmand vm2, vm3;
	vm3 =	veq.s32 v50, v6;
	v6 =	vld [tilespmem:$0x1FDA0];
	_ =	sdelay $0x2  }
0x244: {  	vm0 =	vmmov vm13;
	vm13 =	veq.s32 v43, v9;
	vm7 =	vnez.u8 v4  }
0x245: {  	[tilespmem:$0x1FD30] =	vst v1;
	v1 =	vld [tilespmem:s23+$0x100];
	vm9 =	vmand vm14, vm7;
	vm14 =	veq.s32 v23, v49;
	vm8 =	vnez.u8 v62  }
0x246: {  	vm12 =	vmor vm8, vm13;
	vm13 =	vmor vm6, vm14;
	vm6 =	vnez.u8 v6;
	v6 =	vld [tilespmem:$0x1FC70];
	_ =	sdelay $0x3  }
0x247: {  	vm15 =	veq.s32 v1, v8  }
0x248: {  	vm10 =	vmor vm1, vm15;
	vm15 =	vmor vm0, vm3;
	vm3 =	vnez.u8 v6;
	v6 =	vld [tilespmem:$0x1FC80];
	_ =	sdelay $0x4  }
0x249: {  	vm0 =	vnez.u8 v6;
	v6 =	vld [tilespmem:$0x1FC90];
	_ =	sdelay $0x4  }
0x24a: {  	vm0 =	vmand vm13, vm0;
	vm13 =	vnez.u8 v6;
	v6 =	vld [tilespmem:$0x1FCA0];
	_ =	sdelay $0x3  }
0x24b: {  	vm11 =	veq.s32 v28, v9  }
0x24c: {  	vm7 =	vmand vm9, vm3;
	vm3 =	vmor vm8, vm11;
	vm11 =	vnez.u8 v6;
	v6 =	vld [tilespmem:$0x1FCB0];
	_ =	sdelay $0x4  }
0x24d: {  	vm0 =	vmand vm0, vm11;
	vm11 =	vnez.u8 v6;
	v6 =	vld [tilespmem:$0x1FCC0];
	_ =	sdelay $0x4  }
0x24e: {  	vm14 =	vnez.u8 v6;
	v6 =	vld [tilespmem:$0x1FCD0];
	_ =	sdelay $0x3  }
0x24f: {  	v48 =	vadd.s32 $0x40, v29;
	v29 =	vld [tilespmem:s30+$0x100]  }
0x250: {  	[tilespmem:v53+s20+$0x0] =	vst.idx.msk vm4, v2;
	vm0 =	vmand vm0, vm3;
	vm3 =	vnez.u8 v6;
	v6 =	vld [tilespmem:$0x1FCE0]  }
0x251: {  	[tilespmem:$0x1FD00] =	vst v42  }
0x252: {  	[tilespmem:v51+s20+$0x0] =	vst.idx.msk vm4, v2;
	v51 =	vadd.s32 $0x80, v50;
	v50 =	vadd.s32 $0xE0, v0;
	v0 =	vld [tilespmem:$0x1FD00];
	_ =	sdelay $0x1  }
0x253: {  	vm9 =	veq.s32 v29, v8  }
0x254: {  	[tilespmem:v59+s20+$0x0] =	vst.idx.msk vm4, v2;
	vm9 =	vmor vm1, vm9;
	vm3 =	vmor vm1, vm3;
	vm1 =	vnez.u8 v6;
	v6 =	vld [tilespmem:$0x1FCF0]  }
0x255: {  	[tilespmem:v55+s20+$0x0] =	vst.idx.msk vm4, v2  }
0x256: {  	[tilespmem:v54+s20+$0x0] =	vst.idx.msk vm4, v2;
	vm4 =	vmand vm5, vm10;
	vm5 =	vnez.u8 v0;
	v0 =	vld [tilespmem:$0x1FE60];
	_ =	sdelay $0x2  }
0x257: {  	vm0 =	vmand vm0, vm1;
	vm1 =	vnez.u8 v6  }
0x258: {  	v49 =	vld [tilespmem:s10+$0x380];
	vm0 =	vmand vm0, vm1  }
0x259: {  	vm10 =	vmmov vm12;
	vm12 =	vmand vm0, vm5;
	vm0 =	vnez.u8 v0;
	v0 =	vld [tilespmem:$0x1FD10];
	_ =	sdelay $0x3  }
0x25a: {  	v63 =	vld [tilespmem:s15+$0x0];
	vm11 =	vmand vm14, vm11;
	vm1 =	veq.s32 v49, v5  }
0x25b: {  	vm1 =	vmor vm0, vm1;
	vm0 =	vmand vm11, vm9;
	vm9 =	vnez.u8 v0;
	v0 =	vld [tilespmem:$0x1FD20]  }
0x25c: {  	v4 =	vld [tilespmem:s0+$0x0];
	_ =	sdelay $0x1  }
0x25d: {  	v47 =	vld [tilespmem:s23+$0x280]  }
0x25e: {  	v42 =	vld [tilespmem:s30+$0x180]  }
0x25f: {  	s31 =	sadd.s32 $0x4, s31;
	vm11 =	vnez.u8 v0;
	v0 =	vld [tilespmem:$0x1FD30]  }
0x260: {  	p0 =	slt.u32 s31, $0xFC  }
.Ltmp1:
0x261: {  	[tilespmem:v63+s19+$0x0] =	vst.idx.add.f32.msk vm6, v2;
	(pc) =	sbr.rel @p0 .LBB2_5-.Ltmp1, $4  }
0x262: {  	v54 =	vadd.s32 $0x20, v56;
	v56 =	vadd.s32 $0x40, v1;
	v44 =	vld [tilespmem:s11+$0x0];
	vm2 =	veq.s32 v47, v10;
	[tilespmem:v14+s20+$0x0] =	vst.idx.msk vm6, v2  }
0x263: {  	s15 =	sand.u32 $0xF80, s28;
	[tilespmem:v4+s19+$0x0] =	vst.idx.add.f32.msk vm7, v2;
	vm14 =	vmmov vm15;
	vm15 =	vmmov vm2;
	vm2 =	veq.s32 v42, v9  }
0x264: {  	s3 =	sadd.s32 $0x200, s3;
	v13 =	vmovc v58;
	s11 =	sadd.s32 $0x40, s11;
	s23 =	sor.u32 $0x11000, s15;
	v53 =	vld [tilespmem:s30+$0x380];
	[tilespmem:v16+s20+$0x0] =	vst.idx.msk vm7, v2;
	vm2 =	vmor vm8, vm2;
	vm8 =	vmmov vm4;
	vm4 =	vnez.u8 v0  }
0x265: {  	s0 =	sor.u32 s7, s23;
	s8 =	sor.u32 s8, s23;
	s15 =	sor.u32 s9, s23;
	v47 =	vadd.s32 $0xA0, v47;
	v14 =	vmovc v3;
	v16 =	vmovc v57;
	v57 =	vld [tilespmem:s29+$0x380];
	[tilespmem:v45+s20+$0x0] =	vst.idx.msk vm7, v2;
	vm5 =	vmand vm0, vm2;
	vm4 =	vmand vm4, vm3  }
0x266: {  	_ =	sdelay $0x4  }
0x267: {  	[tilespmem:v48+s20+$0x0] =	vst.idx.msk vm7, v2  }
0x268: {  	[tilespmem:v34+s20+$0x0] =	vst.idx.msk vm6, v2  }
0x269: {  	[tilespmem:v52+s20+$0x0] =	vst.idx.msk vm7, v2  }
0x26a: {  	v0 =	vadd.s32 $0x60, v12;
	[tilespmem:v35+s20+$0x0] =	vst.idx.msk vm6, v2  }
0x26b: {  	[tilespmem:v46+s20+$0x0] =	vst.idx.msk vm7, v2  }
0x26c: {  	[tilespmem:v41+s20+$0x0] =	vst.idx.msk vm7, v2  }
0x26d: {  	v4 =	vadd.s32 $0xC0, v15;
	[tilespmem:v40+s20+$0x0] =	vst.idx.msk vm7, v2  }
0x26e: {  	v1 =	vld [tilespmem:s8+$0x0];
	[tilespmem:v38+s20+$0x0] =	vst.idx.msk vm7, v2  }
0x26f: {  	[tilespmem:v0+s20+$0x0] =	vst.idx.msk vm6, v2  }
0x270: {  	vm1 =	vmand vm12, vm1;
	[tilespmem:v32+s20+$0x0] =	vst.idx.msk vm6, v2  }
0x271: {  	[tilespmem:v36+s20+$0x0] =	vst.idx.msk vm6, v2  }
0x272: {  	[tilespmem:v4+s20+$0x0] =	vst.idx.msk vm6, v2  }
0x273: {  	v5 =	vld [tilespmem:$0x1FE10];
	[tilespmem:v33+s20+$0x0] =	vst.idx.msk vm6, v2  }
0x274: {  	v6 =	vld [tilespmem:$0x1FDE0]  }
0x275: {  	v0 =	vadd.s32 $0x20, v21;
	v21 =	vadd.s32 $0x40, v24;
	v24 =	vld [tilespmem:$0x1FE40]  }
0x276: {  	[tilespmem:v1+s19+$0x0] =	vst.idx.add.f32.msk vm1, v2  }
0x277: {  	v3 =	vld [tilespmem:s29+$0x200];
	[tilespmem:v23+s20+$0x0] =	vst.idx.msk vm1, v2  }
0x278: {  	v10 =	vld [tilespmem:$0x1FE50]  }
0x279: {  	v8 =	vld [tilespmem:$0x1FE00]  }
0x27a: {  	v9 =	vld [tilespmem:$0x1FE60]  }
0x27b: {  	vm0 =	vmmov vm6;
	v32 =	vadd.s32 $0x60, v28  }
0x27c: {  	vm2 =	veq.s32 v3, v5;
	vm0 =	vnez.u8 v6;
	vm6 =	vnez.u8 v24  }
0x27d: {  	v1 =	vadd.s32 $0x80, v26;
	vm0 =	vmand vm4, vm0;
	vm2 =	vmor vm6, vm2  }
0x27e: {  	v7 =	vadd.s32 $0xA0, v30;
	vm0 =	vmand vm0, vm2;
	vm12 =	veq.s32 v57, v10  }
0x27f: {  	[tilespmem:v0+s20+$0x0] =	vst.idx.msk vm1, v2;
	vm3 =	vnez.u8 v8;
	vm7 =	vnez.u8 v9;
	vm0 =	vmand vm0, vm11  }
0x280: {  	v33 =	vadd.s32 $0xC0, v37;
	[tilespmem:v21+s20+$0x0] =	vst.idx.msk vm1, v2;
	vm2 =	vmor vm7, vm12;
	vm0 =	vmand vm0, vm3  }
0x281: {  	v34 =	vadd.s32 $0xE0, v49;
	[tilespmem:v32+s20+$0x0] =	vst.idx.msk vm1, v2;
	vm0 =	vmand vm0, vm2  }
0x282: {  	[tilespmem:v1+s20+$0x0] =	vst.idx.msk vm1, v2  }
0x283: {  	v1 =	vld [tilespmem:$0x1FD50]  }
0x284: {  	[tilespmem:v7+s20+$0x0] =	vst.idx.msk vm1, v2  }
0x285: {  	v4 =	vld [tilespmem:$0x1FDB0];
	[tilespmem:v33+s20+$0x0] =	vst.idx.msk vm1, v2  }
0x286: {  	v0 =	vld [tilespmem:s30+$0x200];
	[tilespmem:v34+s20+$0x0] =	vst.idx.msk vm1, v2  }
0x287: {  	v35 =	vadd.s32 $0x40, v31;
	[tilespmem:v44+s19+$0x0] =	vst.idx.add.f32.msk vm0, v2  }
0x288: {  	v41 =	vadd.s32 $0xC0, v22;
	vm12 =	vnez.u8 v1;
	v1 =	vadd.s32 $0x20, v17;
	v37 =	vld [tilespmem:$0x1FE20];
	[tilespmem:v13+s20+$0x0] =	vst.idx.msk vm0, v2  }
0x289: {  	v38 =	vadd.s32 $0xA0, v25;
	v36 =	vadd.s32 $0x60, v27;
	vm11 =	vmand vm8, vm10;
	v8 =	vld [tilespmem:$0x1FDF0]  }
0x28a: {  	v3 =	vadd.s32 $0x80, v3;
	vm2 =	vmand vm11, vm14;
	vm4 =	vnez.u8 v4  }
0x28b: {  	vm3 =	vmor vm12, vm13;
	vm4 =	vmor vm4, vm15;
	vm15 =	veq.s32 v0, v5  }
0x28c: {  	v40 =	vld [tilespmem:s15+$0x0];
	vm13 =	vmmov vm9;
	vm2 =	vmand vm2, vm4;
	vm10 =	vmor vm6, vm15  }
0x28d: {  	vm2 =	vmand vm2, vm3;
	vm12 =	vmand vm5, vm10;
	[tilespmem:v1+s20+$0x0] =	vst.idx.msk vm0, v2;
	vm11 =	vnez.u8 v37  }
0x28e: {  	v1 =	vadd.s32 $0xE0, v57;
	[tilespmem:v35+s20+$0x0] =	vst.idx.msk vm0, v2;
	vm1 =	vmand vm2, vm11;
	vm4 =	vnez.u8 v8  }
0x28f: {  	vm14 =	veq.s32 v53, v10;
	v44 =	vld [tilespmem:s0+$0x0];
	[tilespmem:v36+s20+$0x0] =	vst.idx.msk vm0, v2;
	vm2 =	vmand vm12, vm13;
	vm4 =	vmmov vm4  }
0x290: {  	vm3 =	vmor vm7, vm14;
	[tilespmem:v3+s20+$0x0] =	vst.idx.msk vm0, v2;
	vm2 =	vmand vm2, vm4  }
0x291: {  	[tilespmem:v38+s20+$0x0] =	vst.idx.msk vm0, v2;
	vm2 =	vmand vm2, vm3  }
0x292: {  	[tilespmem:v41+s20+$0x0] =	vst.idx.msk vm0, v2  }
0x293: {  	[tilespmem:v1+s20+$0x0] =	vst.idx.msk vm0, v2  }
0x294: {  	v1 =	vadd.s32 $0x20, v18;
	[tilespmem:v40+s19+$0x0] =	vst.idx.add.f32.msk vm1, v2  }
0x295: {  	v3 =	vadd.s32 $0x40, v29;
	[tilespmem:v14+s20+$0x0] =	vst.idx.msk vm1, v2  }
0x296: {  	v45 =	vadd.s32 $0x60, v42;
	[tilespmem:v54+s20+$0x0] =	vst.idx.msk vm1, v2  }
0x297: {  	v0 =	vadd.s32 $0x80, v0;
	[tilespmem:v44+s19+$0x0] =	vst.idx.add.f32.msk vm2, v2  }
0x298: {  	v46 =	vadd.s32 $0xA0, v20;
	[tilespmem:v16+s20+$0x0] =	vst.idx.msk vm2, v2  }
0x299: {  	v48 =	vadd.s32 $0xC0, v19;
	[tilespmem:v1+s20+$0x0] =	vst.idx.msk vm2, v2  }
0x29a: {  	v1 =	vadd.s32 $0xE0, v53;
	[tilespmem:v3+s20+$0x0] =	vst.idx.msk vm2, v2  }
0x29b: {  	[tilespmem:v45+s20+$0x0] =	vst.idx.msk vm2, v2  }
0x29c: {  	[tilespmem:v0+s20+$0x0] =	vst.idx.msk vm2, v2;
	v0 =	vadd.s32 $0x60, v43  }
0x29d: {  	[tilespmem:v46+s20+$0x0] =	vst.idx.msk vm2, v2  }
0x29e: {  	[tilespmem:v48+s20+$0x0] =	vst.idx.msk vm2, v2  }
0x29f: {  	[tilespmem:v1+s20+$0x0] =	vst.idx.msk vm2, v2;
	v1 =	vadd.s32 $0xC0, v39  }
0x2a0: {  	[tilespmem:v56+s20+$0x0] =	vst.idx.msk vm1, v2  }
0x2a1: {  	[tilespmem:v0+s20+$0x0] =	vst.idx.msk vm1, v2  }
0x2a2: {  	[tilespmem:v51+s20+$0x0] =	vst.idx.msk vm1, v2  }
0x2a3: {  	[tilespmem:v47+s20+$0x0] =	vst.idx.msk vm1, v2  }
0x2a4: {  	[tilespmem:v1+s20+$0x0] =	vst.idx.msk vm1, v2  }
0x2a5: {  	[tilespmem:v50+s20+$0x0] =	vst.idx.msk vm1, v2  }
0x2a6: {  	v0 =	vld [tilespmem:$0x12280]  }
0x2a7: {  	v1 =	vld [tilespmem:$0x12290]  }
0x2a8: {  	v3 =	vld [tilespmem:$0x122A0]  }
0x2a9: {  	v4 =	vld [tilespmem:$0x122B0]  }
0x2aa: {  	v5 =	vld [tilespmem:$0x122C0]  }
0x2ab: {  	v6 =	vld [tilespmem:$0x122D0]  }
0x2ac: {  	v7 =	vld [tilespmem:$0x122F0];
	v0 =	vadd.f32 v1, v0  }
0x2ad: {  	v1 =	vld [tilespmem:$0x122E0]  }
0x2ae: {  	v49 =	vld [tilespmem:$0x12310];
	(xrf2) =	vadd.scan.msk.f32 $0xffff, v0;
	v0 =	vadd.f32 v4, v3  }
0x2af: {  	v3 =	vld [tilespmem:$0x12300]  }
0x2b0: {  	v50 =	vld [tilespmem:$0x12320];
	(xrf2) =	vadd.scan.msk.f32 $0xffff, v0;
	v0 =	vadd.f32 v6, v5  }
0x2b1: {  	v51 =	vld [tilespmem:$0x12330]  }
0x2b2: {  	v52 =	vld [tilespmem:$0x12350];
	(xrf2) =	vadd.scan.msk.f32 $0xffff, v0;
	v0 =	vadd.f32 v7, v1  }
0x2b3: {  	v1 =	vld [tilespmem:$0x12340]  }
0x2b4: {  	v53 =	vld [tilespmem:$0x12370];
	(xrf2) =	vadd.scan.msk.f32 $0xffff, v0;
	v0 =	vadd.f32 v49, v3  }
0x2b5: {  	v3 =	vld [tilespmem:$0x12360]  }
0x2b6: {  	(xrf2) =	vadd.scan.msk.f32 $0xffff, v0;
	v0 =	vadd.f32 v51, v50;
	_ =	sdelay $0x1  }
0x2b7: {  	v54, _, _ =	vpop (xrf2);
	(xrf2) =	vadd.scan.msk.f32 $0xffff, v0;
	v0 =	vadd.f32 v52, v1;
	_ =	sdelay $0x1  }
0x2b8: {  	v55, _, _ =	vpop (xrf2);
	(xrf2) =	vadd.scan.msk.f32 $0xffff, v0;
	v0 =	vadd.f32 v53, v3;
	v3 =	vld [tilespmem:$0x1FFF0];
	_ =	sdelay $0x3  }
0x2b9: {  	v1 =	vbroadcast v54, $0xF  }
0x2ba: {  	vm7 =	vnez.u8 v3;
	v3 =	vbroadcast v55, $0xF  }
0x2bb: {  	vm0 =	vcmask $0x704;
	v56, _, _ =	vpop (xrf2);
	v1 =	vnsel vm7, $0x0, v1  }
0x2bc: {  	(xrf2) =	vadd.scan.msk.f32 $0xffff, v0;
	v1 =	vadd.f32 $0.0e+00, v1;
	v0 =	vnsel vm0, $0x0, v3;
	v3 =	vbroadcast v56, $0xF  }
0x2bd: {  	vm9 =	vcmask $0xB08;
	v57, _, _ =	vpop (xrf2)  }
0x2be: {  	v0 =	vadd.f32 v0, v1;
	v1 =	vnsel vm9, $0x0, v3;
	v3 =	vbroadcast v57, $0xF  }
0x2bf: {  	vm10 =	vcmask $0xF0C;
	v58, _, _ =	vpop (xrf2)  }
0x2c0: {  	v0 =	vadd.f32 v1, v0;
	v1 =	vnsel vm10, $0x0, v3;
	v3 =	vbroadcast v58, $0xF  }
0x2c1: {  	vm11 =	vcmask $0x1310;
	v59, _, _ =	vpop (xrf2)  }
0x2c2: {  	v0 =	vadd.f32 v1, v0;
	v1 =	vnsel vm11, $0x0, v3;
	v3 =	vbroadcast v59, $0xF  }
0x2c3: {  	vm12 =	vcmask $0x1714;
	v62 =	vld [tilespmem:$0x1FD40]  }
0x2c4: {  	v3 =	vnsel vm12, $0x0, v3  }
0x2c5: {  	v60, _, _ =	vpop (xrf2);
	v0 =	vadd.f32 v1, v0;
	v1 =	vld [tilespmem:$0x12200]  }
0x2c6: {  	v4 =	vbroadcast v60, $0xF  }
0x2c7: {  	vm13 =	vcmask $0x1B18;
	vm15 =	vmmov vm1;
	v61 =	vld [tilespmem:$0x12210];
	v0 =	vadd.f32 v3, v0;
	v3, _, _ =	vpop (xrf2)  }
0x2c8: {  	vm14 =	vgt.s32 v62, $0x0;
	v4 =	vnsel vm13, $0x0, v4;
	v3 =	vbroadcast v3, $0xF  }
0x2c9: {  	vm15 =	vcmask $0x1F1C;
	v63 =	vsel vm14, $0x0, v2;
	v0 =	vadd.f32 v4, v0  }
0x2ca: {  	v1 =	vmul.f32 v1, v63;
	v3 =	vnsel vm15, $0x0, v3  }
0x2cb: {  	v0 =	vadd.f32 v3, v0  }
0x2cc: {  	v3 =	vmul.f32 v61, v63;
	[tilespmem:$0x12380] =	vst v1;
	v1 =	vimm.f32 $0.0e+00  }
0x2cd: {  	s31 =	sand.u32 $0x70, s25;
	s24 =	sadd.s32 $0x1, s24;
	[tilespmem:$0x123B0] =	vst v1;
	v0 =	vmul.f32 v0, v63  }
0x2ce: {  	p0 =	sne.s32 s24, $0x10;
	s0 =	sadd.s32 s5, s31;
	[tilespmem:$0x12390] =	vst v3  }
.Ltmp2:
0x2cf: {  	s0 =	sadd.s32 s26, s0;
	[tilespmem:$0x123A0] =	vst v0;
	(pc) =	sbr.rel @p0 .LBB2_2-.Ltmp2, $4  }
0x2d0: {  	[hbm4b:s0+s4] =	stream.linear.scatter [tilespmem:s21], [sflag:$0x3], $0x80, $0x38;
	[tilespmem:$0x12400] =	vst v63  }
0x2d1: {  	_ =	swait.ge [sflag:s12], $0x80  }
0x2d2: {  	[sflag:s12] =	ssyncset.done $0x0  }
0x2d3: {  	v0 =	vlaneseq.u32;
	[sflag:s12] =	ssyncadd.s32 $0xFFFFFF80  }
0x2d4: {  	s3 =	rddreg [dreg:$0x9]  }
0x2d5: {  	s0 =	rddreg [dreg:$0x8];
	s3 =	sadd.s32 $0x1, s3  }
0x2d6: {  	p0 =	sne.s32 s3, s0  }
.Ltmp3:
0x2d7: {  	_ = 	snop;
	(pc) =	sbr.rel @p0 .LBB2_1-.Ltmp3, $1  }
0x2d8: {  	_ =	sdelay $0x3  }
0x2d9: {  	_ =	sfence.sel $0x180000  }
0x2da: {  	[bflag:$0x0] =	sbarrier.arrive $0xFFFF  }
0x2db: {  	_ =	strace $0x90000047  }
0x2dc: {  	s0 =	stileid.u32;
	[bflag:$0x2] =	sbarrier.arrive $0xFFFF  }
0x2dd: {  	p0 =	sne.s32 s0, $0x0;
	s0 =	rddreg [dreg:$0x4]  }
0x2de: {  	s0 =	sadd.s32 @!p0 $0x100000, s0  }
0x2df: {  	[sflag:s0] =	ssyncadd.tile.s32 @!p0 $0x1;
	_ =	shalt  }
.Lfunc_end2:
_tile_overlayer_lowered:
.L_overlay_start_2:
0x2e0: {  	(tag) =	ssettag $0x2  }
0x2e1: {  	s0 =	rddreg [dreg:$0x0];
	s2 =	stileid.u32  }
0x2e2: {  	s1 =	rddreg [dreg:$0x1];
	p0 =	sne.s32 s2, $0x0  }
0x2e3: {  	s3 =	rddreg [dreg:$0x2];
	[bflag:$0x3] =	sbarrier.arrive $0xFFFF;
	s2 =	simm.s32 @!p0 $0x1C03  }
0x2e4: {  	[timem:s3], [sflag:s2] =	dma.local @!p0 [hbm:s0], s1  }
0x2e5: {  	s0 =	simm.s32 @!p0 $0x3  }
0x2e6: {  	_ =	swait.ge @!p0 [sflag:s0], s1  }
0x2e7: {  	s1 =	ssub.s32 @!p0 $0x0, s1;
	[sflag:s0] =	ssyncset.done @!p0 $0x0  }
0x2e8: {  	[sflag:s0] =	ssyncadd.s32 @!p0 s1  }
0x2e9: {  	[bflag:$0x3] =	sbarrier.arrive $0xFFFF  }
0x2ea: {  	_ =	shalt  }

</sc_bundles>
